<compile_context>
chip_gen: v7x
topology: tpu7x:2x2x1
jax: 0.10.2.dev20260603
libtpu: 0.0.44.dev20260713+nightly
codegen_flags: <defaults>
</compile_context>

<pallas_src>
import functools

import jax
import jax.numpy as jnp
from jax import lax
from jax.experimental import pallas as pl
from jax.experimental.pallas import tpu as pltpu
from jax.experimental.pallas import tpu_sc as plsc

N_NODES = 10000
N_EDGES = 320000
FEAT = 128

NUM_SC = 2
NUM_SUBCORES = 16
NUM_WORKERS = NUM_SC * NUM_SUBCORES
CHUNK = 128
NCHUNKS = N_EDGES // CHUNK
NROWS_BUF = 3
NIDX_BUF = 6
UNROLL = 6
K_MAX = (-(-NCHUNKS // NUM_WORKERS) + UNROLL - 1) // UNROLL * UNROLL
ROWS_MAIN = 624


def _sc_segment_sum(x, eflat, zeros):
    mesh = plsc.VectorSubcoreMesh(core_axis_name="c", subcore_axis_name="s")

    @functools.partial(
        pl.kernel,
        out_type=jax.ShapeDtypeStruct((NUM_SC, N_NODES, FEAT), jnp.float32),
        mesh=mesh,
        scratch_types=(
            [pltpu.VMEM((CHUNK,), jnp.int32)] * (2 * NIDX_BUF)
            + [pltpu.VMEM((CHUNK, FEAT), jnp.float32)] * NROWS_BUF
            + [pltpu.VMEM_SHARED((N_NODES, FEAT), jnp.float32)]
            + [pltpu.SemaphoreType.DMA] * (NROWS_BUF + 2 * NIDX_BUF)
        ),
    )
    def agg_kernel(x_hbm, e_hbm, z_hbm, out_hbm, *scr):
        sidx = scr[0:NIDX_BUF]
        didx = scr[NIDX_BUF:2 * NIDX_BUF]
        rows = scr[2 * NIDX_BUF:2 * NIDX_BUF + NROWS_BUF]
        acc = scr[2 * NIDX_BUF + NROWS_BUF]
        sems = scr[2 * NIDX_BUF + NROWS_BUF + 1:]
        semg = sems[0:NROWS_BUF]
        semis = sems[NROWS_BUF:NROWS_BUF + NIDX_BUF]
        semid = sems[NROWS_BUF + NIDX_BUF:]
        cid = lax.axis_index("c")
        sid = lax.axis_index("s")

        wid = cid * NUM_SUBCORES + sid

        def valid(m):
            return wid + NUM_WORKERS * m < NCHUNKS

        def ebase(m):
            return (wid + NUM_WORKERS * m) * CHUNK

        def start_idx(m, j):
            @pl.when(valid(m))
            def _():
                base = ebase(m)
                pltpu.async_copy(e_hbm.at[pl.ds(base, CHUNK)], sidx[j],
                                 semis[j])
                pltpu.async_copy(e_hbm.at[pl.ds(N_EDGES + base, CHUNK)],
                                 didx[j], semid[j])

        def gather(m, j, rb):
            @pl.when(valid(m))
            def _():
                base = ebase(m)
                pltpu.make_async_copy(e_hbm.at[pl.ds(base, CHUNK)], sidx[j],
                                      semis[j]).wait()
                pltpu.async_copy(x_hbm.at[sidx[j]], rows[rb], semg[rb])

        def finish(m, j, rb):
            @pl.when(valid(m))
            def _():
                base = ebase(m)
                pltpu.make_async_copy(x_hbm.at[sidx[j]], rows[rb],
                                      semg[rb]).wait()
                pltpu.make_async_copy(e_hbm.at[pl.ds(N_EDGES + base, CHUNK)],
                                      didx[j], semid[j]).wait()
                pltpu.sync_copy(rows[rb], acc.at[didx[j]], add=True)

        for j in range(NIDX_BUF):
            start_idx(j, j)

        r0 = sid * ROWS_MAIN
        rx = NUM_SUBCORES * ROWS_MAIN + sid * 8
        pltpu.sync_copy(z_hbm.at[pl.ds(r0, ROWS_MAIN)],
                        acc.at[pl.ds(r0, ROWS_MAIN)])

        @pl.when(sid < 2)
        def _():
            pltpu.sync_copy(z_hbm.at[pl.ds(rx, 8)], acc.at[pl.ds(rx, 8)])

        plsc.subcore_barrier()

        gather(0, 0, 0)
        gather(1, 1, 1)
        gather(2, 2, 2)

        @pl.loop(0, K_MAX, step=UNROLL)
        def _(k):
            for i in range(UNROLL):
                m = k + i
                finish(m, i % NIDX_BUF, i % NROWS_BUF)
                start_idx(m + NIDX_BUF, i % NIDX_BUF)
                gather(m + NROWS_BUF, (i + NROWS_BUF) % NIDX_BUF,
                       i % NROWS_BUF)

        plsc.subcore_barrier()
        pltpu.sync_copy(acc.at[pl.ds(r0, ROWS_MAIN)],
                        out_hbm.at[cid].at[pl.ds(r0, ROWS_MAIN)])

        @pl.when(sid < 2)
        def _():
            pltpu.sync_copy(acc.at[pl.ds(rx, 8)],
                            out_hbm.at[cid].at[pl.ds(rx, 8)])

    return agg_kernel(x, eflat, zeros)


def _mlp_block(x, p, W_a, b_a, W_b, b_b, eps, relu_last):
    n, f = x.shape
    out_f = W_b.shape[1]
    block = 5000

    def body(eps_ref, x_ref, p_ref, wa_ref, ba_ref, wb_ref, bb_ref,
             o_ref):
        a = x_ref[...] * (1.0 + eps_ref[0]) + p_ref[0] + p_ref[1]
        h = jnp.maximum(
            jnp.dot(a, wa_ref[...], preferred_element_type=jnp.float32)
            + ba_ref[...], 0.0)
        o = (jnp.dot(h, wb_ref[...], preferred_element_type=jnp.float32)
             + bb_ref[...])
        if relu_last:
            o = jnp.maximum(o, 0.0)
        o_ref[...] = o

    return pl.pallas_call(
        body,
        grid=(n // block,),
        in_specs=[
            pl.BlockSpec(memory_space=pltpu.SMEM),
            pl.BlockSpec((block, f), lambda i: (i, 0)),
            pl.BlockSpec((NUM_SC, block, f), lambda i: (0, i, 0)),
            pl.BlockSpec((f, W_a.shape[1]), lambda i: (0, 0)),
            pl.BlockSpec((1, W_a.shape[1]), lambda i: (0, 0)),
            pl.BlockSpec((W_b.shape[0], out_f), lambda i: (0, 0)),
            pl.BlockSpec((1, out_f), lambda i: (0, 0)),
        ],
        out_specs=pl.BlockSpec((block, out_f), lambda i: (i, 0)),
        out_shape=jax.ShapeDtypeStruct((n, out_f), jnp.float32),
    )(eps.reshape(1), x, p, W_a, b_a.reshape(1, -1), W_b,
      b_b.reshape(1, -1))


def kernel(x, edge_index, W1, b1, W2, b2, eps1, W3, b3, W4, b4, eps2):
    eflat = edge_index.astype(jnp.int32).reshape(2 * N_EDGES)
    zeros = jnp.zeros((N_NODES, FEAT), jnp.float32)

    p1 = _sc_segment_sum(x, eflat, zeros)
    h = _mlp_block(x, p1, W1, b1, W2, b2, eps1, relu_last=True)
    p2 = _sc_segment_sum(h, eflat, zeros)
    out = _mlp_block(h, p2, W3, b3, W4, b4, eps2, relu_last=False)
    return out

# --- scband reference (transcript-rebuilt; emitter-appended) ---
"""Pipeline reference for scband-gin-69097433858367 (READ-ONLY COPY).

The authoritative reference and input builder live on the scoring server;
editing this copy changes nothing except your own understanding.
"""

import jax, jax.numpy as jnp
import numpy as np

N_NODES = 10000
N_EDGES = 320000
NFEAT = 128
NHID = 128
NCLASS = 64


def _linear_init(key, fan_in, fan_out):
    k1, k2 = jax.random.split(key)
    bound = 1.0 / np.sqrt(fan_in)
    W = jax.random.uniform(k1, (fan_in, fan_out), minval=-bound, maxval=bound, dtype=jnp.float32)
    b = jax.random.uniform(k2, (fan_out,), minval=-bound, maxval=bound, dtype=jnp.float32)
    return W, b


def setup_inputs(seed: int = 0) -> dict:
    key = jax.random.key(seed)
    ks = jax.random.split(key, 8)
    x = jax.random.normal(ks[0], (N_NODES, NFEAT), dtype=jnp.float32)
    edge_index = jax.random.randint(ks[1], (2, N_EDGES), 0, N_NODES, dtype=jnp.int64)
    W1, b1 = _linear_init(ks[2], NFEAT, NHID)
    W2, b2 = _linear_init(ks[3], NHID, NHID)
    W3, b3 = _linear_init(ks[4], NHID, NHID)
    W4, b4 = _linear_init(ks[5], NHID, NCLASS)
    eps1 = jnp.zeros((), dtype=jnp.float32)
    eps2 = jnp.zeros((), dtype=jnp.float32)
    return {"x": x, "edge_index": edge_index, "W1": W1, "b1": b1, "W2": W2, "b2": b2,
            "eps1": eps1, "W3": W3, "b3": b3, "W4": W4, "b4": b4, "eps2": eps2}


def reference(x, edge_index, W1, b1, W2, b2, eps1, W3, b3, W4, b4, eps2):
    src = edge_index[0]
    dst = edge_index[1]
    n = x.shape[0]
    # GINConv layer 1: h = MLP1((1+eps1)*x + sum_{j->i} x_j)
    agg1 = jax.ops.segment_sum(jnp.take(x, src, axis=0), dst, num_segments=n)
    h = (1.0 + eps1) * x + agg1
    h = jax.nn.relu(h @ W1 + b1)
    h = jax.nn.relu(h @ W2 + b2)
    # dropout p=0.5 is identity in eval mode (deterministic reference)
    # GINConv layer 2: out = MLP2((1+eps2)*h + sum_{j->i} h_j)
    agg2 = jax.ops.segment_sum(jnp.take(h, src, axis=0), dst, num_segments=n)
    h2 = (1.0 + eps2) * h + agg2
    h2 = jax.nn.relu(h2 @ W3 + b3)
    out = h2 @ W4 + b4
    return out

if __name__ == "__main__":
    import jax
    _d = setup_inputs()
    print(jax.jit(kernel)(*tuple(_d.values())))

</pallas_src>

<mosaic_0001>
#map = affine_map<(d0, d1) -> (0, 0)>
#map1 = affine_map<(d0, d1) -> (0)>
#map2 = affine_map<(d0, d1) -> (0, 0, 0)>
module attributes {stable_mosaic.version = 14 : i64} {
  func.func @agg_kernel(%arg0: i32, %arg1: i32, %arg2: memref<10000x128xf32, #tpu.memory_space<hbm>>, %arg3: memref<640000xi32, #tpu.memory_space<hbm>>, %arg4: memref<10000x128xf32, #tpu.memory_space<hbm>>, %arg5: memref<2x10000x128xf32, #tpu.memory_space<hbm>>, %arg6: memref<128xi32, #tpu.memory_space<vmem>>, %arg7: memref<128xi32, #tpu.memory_space<vmem>>, %arg8: memref<128xi32, #tpu.memory_space<vmem>>, %arg9: memref<128xi32, #tpu.memory_space<vmem>>, %arg10: memref<128xi32, #tpu.memory_space<vmem>>, %arg11: memref<128xi32, #tpu.memory_space<vmem>>, %arg12: memref<128xi32, #tpu.memory_space<vmem>>, %arg13: memref<128xi32, #tpu.memory_space<vmem>>, %arg14: memref<128xi32, #tpu.memory_space<vmem>>, %arg15: memref<128xi32, #tpu.memory_space<vmem>>, %arg16: memref<128xi32, #tpu.memory_space<vmem>>, %arg17: memref<128xi32, #tpu.memory_space<vmem>>, %arg18: memref<128x128xf32, #tpu.memory_space<vmem>>, %arg19: memref<128x128xf32, #tpu.memory_space<vmem>>, %arg20: memref<128x128xf32, #tpu.memory_space<vmem>>, %arg21: memref<10000x128xf32, #tpu.memory_space<vmem_shared>>, %arg22: memref<!tpu.dma_semaphore, #tpu.memory_space<semaphore_mem>>, %arg23: memref<!tpu.dma_semaphore, #tpu.memory_space<semaphore_mem>>, %arg24: memref<!tpu.dma_semaphore, #tpu.memory_space<semaphore_mem>>, %arg25: memref<!tpu.dma_semaphore, #tpu.memory_space<semaphore_mem>>, %arg26: memref<!tpu.dma_semaphore, #tpu.memory_space<semaphore_mem>>, %arg27: memref<!tpu.dma_semaphore, #tpu.memory_space<semaphore_mem>>, %arg28: memref<!tpu.dma_semaphore, #tpu.memory_space<semaphore_mem>>, %arg29: memref<!tpu.dma_semaphore, #tpu.memory_space<semaphore_mem>>, %arg30: memref<!tpu.dma_semaphore, #tpu.memory_space<semaphore_mem>>, %arg31: memref<!tpu.dma_semaphore, #tpu.memory_space<semaphore_mem>>, %arg32: memref<!tpu.dma_semaphore, #tpu.memory_space<semaphore_mem>>, %arg33: memref<!tpu.dma_semaphore, #tpu.memory_space<semaphore_mem>>, %arg34: memref<!tpu.dma_semaphore, #tpu.memory_space<semaphore_mem>>, %arg35: memref<!tpu.dma_semaphore, #tpu.memory_space<semaphore_mem>>, %arg36: memref<!tpu.dma_semaphore, #tpu.memory_space<semaphore_mem>>) attributes {dimension_semantics = [#tpu.dimension_semantics<core_parallel>, #tpu.dimension_semantics<subcore_parallel>], iteration_bounds = array<i64: 2, 16>, scalar_prefetch = 0 : i64, scratch_operands = 31 : i64, tpu.core_type = #tpu.core_type<sc_vector_subcore>, window_params = [{transform_indices = #map}, {transform_indices = #map1}, {transform_indices = #map}, {transform_indices = #map2}]} {
    %mul3A = arith.constant 16 : i32
    %mul3A_0 = arith.muli %arg0, %mul3A : i32
    %add3A = arith.addi %mul3A_0, %arg1 : i32
    %add3A_1 = arith.constant 0 : i32
    %add3A_2 = arith.addi %add3A, %add3A_1 : i32
    %lt3A = arith.constant 2500 : i32
    %lt3A_3 = arith.cmpi slt, %add3A_2, %lt3A : i32
    %convert_element_type3A = arith.extui %lt3A_3 : i1 to i32
    %cond3A = arith.constant 0 : i32
    %cond3A_4 = arith.cmpi ne, %convert_element_type3A, %cond3A : i32
    scf.if %cond3A_4 {
      %add3A_82 = arith.constant 0 : i32
      %add3A_83 = arith.addi %add3A, %add3A_82 : i32
      %mul3A_84 = arith.constant 128 : i32
      %mul3A_85 = arith.muli %add3A_83, %mul3A_84 : i32
      %dma_start3A = tpu.memref_slice %arg3[%mul3A_85] : memref<640000xi32, #tpu.memory_space<hbm>> -> memref<128xi32, #tpu.memory_space<hbm>>
      %dma_start3A_86 = tpu.memref_slice %arg3[%mul3A_85] : memref<640000xi32, #tpu.memory_space<hbm>> -> memref<128xi32, #tpu.memory_space<hbm>>
      tpu.enqueue_dma source(%dma_start3A_86 : memref<128xi32, #tpu.memory_space<hbm>>) target(%arg6 : memref<128xi32, #tpu.memory_space<vmem>>) target_semaphore(%arg25 : memref<!tpu.dma_semaphore, #tpu.memory_space<semaphore_mem>>)
      %add3A_87 = arith.constant 320000 : i32
      %add3A_88 = arith.addi %add3A_87, %mul3A_85 : i32
      %dma_start3A_89 = tpu.memref_slice %arg3[%add3A_88] : memref<640000xi32, #tpu.memory_space<hbm>> -> memref<128xi32, #tpu.memory_space<hbm>>
      %dma_start3A_90 = tpu.memref_slice %arg3[%add3A_88] : memref<640000xi32, #tpu.memory_space<hbm>> -> memref<128xi32, #tpu.memory_space<hbm>>
      tpu.enqueue_dma source(%dma_start3A_90 : memref<128xi32, #tpu.memory_space<hbm>>) target(%arg12 : memref<128xi32, #tpu.memory_space<vmem>>) target_semaphore(%arg31 : memref<!tpu.dma_semaphore, #tpu.memory_space<semaphore_mem>>)
    } else {
    }
    %add3A_5 = arith.constant 32 : i32
    %add3A_6 = arith.addi %add3A, %add3A_5 : i32
    %lt3A_7 = arith.constant 2500 : i32
    %lt3A_8 = arith.cmpi slt, %add3A_6, %lt3A_7 : i32
    %convert_element_type3A_9 = arith.extui %lt3A_8 : i1 to i32
    %cond3A_10 = arith.constant 0 : i32
    %cond3A_11 = arith.cmpi ne, %convert_element_type3A_9, %cond3A_10 : i32
    scf.if %cond3A_11 {
      %add3A_82 = arith.constant 32 : i32
      %add3A_83 = arith.addi %add3A, %add3A_82 : i32
      %mul3A_84 = arith.constant 128 : i32
      %mul3A_85 = arith.muli %add3A_83, %mul3A_84 : i32
      %dma_start3A = tpu.memref_slice %arg3[%mul3A_85] : memref<640000xi32, #tpu.memory_space<hbm>> -> memref<128xi32, #tpu.memory_space<hbm>>
      %dma_start3A_86 = tpu.memref_slice %arg3[%mul3A_85] : memref<640000xi32, #tpu.memory_space<hbm>> -> memref<128xi32, #tpu.memory_space<hbm>>
      tpu.enqueue_dma source(%dma_start3A_86 : memref<128xi32, #tpu.memory_space<hbm>>) target(%arg7 : memref<128xi32, #tpu.memory_space<vmem>>) target_semaphore(%arg26 : memref<!tpu.dma_semaphore, #tpu.memory_space<semaphore_mem>>)
      %add3A_87 = arith.constant 320000 : i32
      %add3A_88 = arith.addi %add3A_87, %mul3A_85 : i32
      %dma_start3A_89 = tpu.memref_slice %arg3[%add3A_88] : memref<640000xi32, #tpu.memory_space<hbm>> -> memref<128xi32, #tpu.memory_space<hbm>>
      %dma_start3A_90 = tpu.memref_slice %arg3[%add3A_88] : memref<640000xi32, #tpu.memory_space<hbm>> -> memref<128xi32, #tpu.memory_space<hbm>>
      tpu.enqueue_dma source(%dma_start3A_90 : memref<128xi32, #tpu.memory_space<hbm>>) target(%arg13 : memref<128xi32, #tpu.memory_space<vmem>>) target_semaphore(%arg32 : memref<!tpu.dma_semaphore, #tpu.memory_space<semaphore_mem>>)
    } else {
    }
    %add3A_12 = arith.constant 64 : i32
    %add3A_13 = arith.addi %add3A, %add3A_12 : i32
    %lt3A_14 = arith.constant 2500 : i32
    %lt3A_15 = arith.cmpi slt, %add3A_13, %lt3A_14 : i32
    %convert_element_type3A_16 = arith.extui %lt3A_15 : i1 to i32
    %cond3A_17 = arith.constant 0 : i32
    %cond3A_18 = arith.cmpi ne, %convert_element_type3A_16, %cond3A_17 : i32
    scf.if %cond3A_18 {
      %add3A_82 = arith.constant 64 : i32
      %add3A_83 = arith.addi %add3A, %add3A_82 : i32
      %mul3A_84 = arith.constant 128 : i32
      %mul3A_85 = arith.muli %add3A_83, %mul3A_84 : i32
      %dma_start3A = tpu.memref_slice %arg3[%mul3A_85] : memref<640000xi32, #tpu.memory_space<hbm>> -> memref<128xi32, #tpu.memory_space<hbm>>
      %dma_start3A_86 = tpu.memref_slice %arg3[%mul3A_85] : memref<640000xi32, #tpu.memory_space<hbm>> -> memref<128xi32, #tpu.memory_space<hbm>>
      tpu.enqueue_dma source(%dma_start3A_86 : memref<128xi32, #tpu.memory_space<hbm>>) target(%arg8 : memref<128xi32, #tpu.memory_space<vmem>>) target_semaphore(%arg27 : memref<!tpu.dma_semaphore, #tpu.memory_space<semaphore_mem>>)
      %add3A_87 = arith.constant 320000 : i32
      %add3A_88 = arith.addi %add3A_87, %mul3A_85 : i32
      %dma_start3A_89 = tpu.memref_slice %arg3[%add3A_88] : memref<640000xi32, #tpu.memory_space<hbm>> -> memref<128xi32, #tpu.memory_space<hbm>>
      %dma_start3A_90 = tpu.memref_slice %arg3[%add3A_88] : memref<640000xi32, #tpu.memory_space<hbm>> -> memref<128xi32, #tpu.memory_space<hbm>>
      tpu.enqueue_dma source(%dma_start3A_90 : memref<128xi32, #tpu.memory_space<hbm>>) target(%arg14 : memref<128xi32, #tpu.memory_space<vmem>>) target_semaphore(%arg33 : memref<!tpu.dma_semaphore, #tpu.memory_space<semaphore_mem>>)
    } else {
    }
    %add3A_19 = arith.constant 96 : i32
    %add3A_20 = arith.addi %add3A, %add3A_19 : i32
    %lt3A_21 = arith.constant 2500 : i32
    %lt3A_22 = arith.cmpi slt, %add3A_20, %lt3A_21 : i32
    %convert_element_type3A_23 = arith.extui %lt3A_22 : i1 to i32
    %cond3A_24 = arith.constant 0 : i32
    %cond3A_25 = arith.cmpi ne, %convert_element_type3A_23, %cond3A_24 : i32
    scf.if %cond3A_25 {
      %add3A_82 = arith.constant 96 : i32
      %add3A_83 = arith.addi %add3A, %add3A_82 : i32
      %mul3A_84 = arith.constant 128 : i32
      %mul3A_85 = arith.muli %add3A_83, %mul3A_84 : i32
      %dma_start3A = tpu.memref_slice %arg3[%mul3A_85] : memref<640000xi32, #tpu.memory_space<hbm>> -> memref<128xi32, #tpu.memory_space<hbm>>
      %dma_start3A_86 = tpu.memref_slice %arg3[%mul3A_85] : memref<640000xi32, #tpu.memory_space<hbm>> -> memref<128xi32, #tpu.memory_space<hbm>>
      tpu.enqueue_dma source(%dma_start3A_86 : memref<128xi32, #tpu.memory_space<hbm>>) target(%arg9 : memref<128xi32, #tpu.memory_space<vmem>>) target_semaphore(%arg28 : memref<!tpu.dma_semaphore, #tpu.memory_space<semaphore_mem>>)
      %add3A_87 = arith.constant 320000 : i32
      %add3A_88 = arith.addi %add3A_87, %mul3A_85 : i32
      %dma_start3A_89 = tpu.memref_slice %arg3[%add3A_88] : memref<640000xi32, #tpu.memory_space<hbm>> -> memref<128xi32, #tpu.memory_space<hbm>>
      %dma_start3A_90 = tpu.memref_slice %arg3[%add3A_88] : memref<640000xi32, #tpu.memory_space<hbm>> -> memref<128xi32, #tpu.memory_space<hbm>>
      tpu.enqueue_dma source(%dma_start3A_90 : memref<128xi32, #tpu.memory_space<hbm>>) target(%arg15 : memref<128xi32, #tpu.memory_space<vmem>>) target_semaphore(%arg34 : memref<!tpu.dma_semaphore, #tpu.memory_space<semaphore_mem>>)
    } else {
    }
    %add3A_26 = arith.constant 128 : i32
    %add3A_27 = arith.addi %add3A, %add3A_26 : i32
    %lt3A_28 = arith.constant 2500 : i32
    %lt3A_29 = arith.cmpi slt, %add3A_27, %lt3A_28 : i32
    %convert_element_type3A_30 = arith.extui %lt3A_29 : i1 to i32
    %cond3A_31 = arith.constant 0 : i32
    %cond3A_32 = arith.cmpi ne, %convert_element_type3A_30, %cond3A_31 : i32
    scf.if %cond3A_32 {
      %add3A_82 = arith.constant 128 : i32
      %add3A_83 = arith.addi %add3A, %add3A_82 : i32
      %mul3A_84 = arith.constant 128 : i32
      %mul3A_85 = arith.muli %add3A_83, %mul3A_84 : i32
      %dma_start3A = tpu.memref_slice %arg3[%mul3A_85] : memref<640000xi32, #tpu.memory_space<hbm>> -> memref<128xi32, #tpu.memory_space<hbm>>
      %dma_start3A_86 = tpu.memref_slice %arg3[%mul3A_85] : memref<640000xi32, #tpu.memory_space<hbm>> -> memref<128xi32, #tpu.memory_space<hbm>>
      tpu.enqueue_dma source(%dma_start3A_86 : memref<128xi32, #tpu.memory_space<hbm>>) target(%arg10 : memref<128xi32, #tpu.memory_space<vmem>>) target_semaphore(%arg29 : memref<!tpu.dma_semaphore, #tpu.memory_space<semaphore_mem>>)
      %add3A_87 = arith.constant 320000 : i32
      %add3A_88 = arith.addi %add3A_87, %mul3A_85 : i32
      %dma_start3A_89 = tpu.memref_slice %arg3[%add3A_88] : memref<640000xi32, #tpu.memory_space<hbm>> -> memref<128xi32, #tpu.memory_space<hbm>>
      %dma_start3A_90 = tpu.memref_slice %arg3[%add3A_88] : memref<640000xi32, #tpu.memory_space<hbm>> -> memref<128xi32, #tpu.memory_space<hbm>>
      tpu.enqueue_dma source(%dma_start3A_90 : memref<128xi32, #tpu.memory_space<hbm>>) target(%arg16 : memref<128xi32, #tpu.memory_space<vmem>>) target_semaphore(%arg35 : memref<!tpu.dma_semaphore, #tpu.memory_space<semaphore_mem>>)
    } else {
    }
    %add3A_33 = arith.constant 160 : i32
    %add3A_34 = arith.addi %add3A, %add3A_33 : i32
    %lt3A_35 = arith.constant 2500 : i32
    %lt3A_36 = arith.cmpi slt, %add3A_34, %lt3A_35 : i32
    %convert_element_type3A_37 = arith.extui %lt3A_36 : i1 to i32
    %cond3A_38 = arith.constant 0 : i32
    %cond3A_39 = arith.cmpi ne, %convert_element_type3A_37, %cond3A_38 : i32
    scf.if %cond3A_39 {
      %add3A_82 = arith.constant 160 : i32
      %add3A_83 = arith.addi %add3A, %add3A_82 : i32
      %mul3A_84 = arith.constant 128 : i32
      %mul3A_85 = arith.muli %add3A_83, %mul3A_84 : i32
      %dma_start3A = tpu.memref_slice %arg3[%mul3A_85] : memref<640000xi32, #tpu.memory_space<hbm>> -> memref<128xi32, #tpu.memory_space<hbm>>
      %dma_start3A_86 = tpu.memref_slice %arg3[%mul3A_85] : memref<640000xi32, #tpu.memory_space<hbm>> -> memref<128xi32, #tpu.memory_space<hbm>>
      tpu.enqueue_dma source(%dma_start3A_86 : memref<128xi32, #tpu.memory_space<hbm>>) target(%arg11 : memref<128xi32, #tpu.memory_space<vmem>>) target_semaphore(%arg30 : memref<!tpu.dma_semaphore, #tpu.memory_space<semaphore_mem>>)
      %add3A_87 = arith.constant 320000 : i32
      %add3A_88 = arith.addi %add3A_87, %mul3A_85 : i32
      %dma_start3A_89 = tpu.memref_slice %arg3[%add3A_88] : memref<640000xi32, #tpu.memory_space<hbm>> -> memref<128xi32, #tpu.memory_space<hbm>>
      %dma_start3A_90 = tpu.memref_slice %arg3[%add3A_88] : memref<640000xi32, #tpu.memory_space<hbm>> -> memref<128xi32, #tpu.memory_space<hbm>>
      tpu.enqueue_dma source(%dma_start3A_90 : memref<128xi32, #tpu.memory_space<hbm>>) target(%arg17 : memref<128xi32, #tpu.memory_space<vmem>>) target_semaphore(%arg36 : memref<!tpu.dma_semaphore, #tpu.memory_space<semaphore_mem>>)
    } else {
    }
    %mul3A_40 = arith.constant 624 : i32
    %mul3A_41 = arith.muli %arg1, %mul3A_40 : i32
    %mul3A_42 = arith.constant 8 : i32
    %mul3A_43 = arith.muli %arg1, %mul3A_42 : i32
    %add3A_44 = arith.constant 9984 : i32
    %add3A_45 = arith.addi %add3A_44, %mul3A_43 : i32
    "tpu.region"() ({
      %run_scoped3A = tpu.sem_alloc : memref<!tpu.dma_semaphore, #tpu.memory_space<semaphore_mem>>
      %dma_start3A = arith.constant 0 : i32
      %dma_start3A_82 = tpu.memref_slice %arg21[%mul3A_41, %dma_start3A] : memref<10000x128xf32, #tpu.memory_space<vmem_shared>> -> memref<624x128xf32, #tpu.memory_space<vmem_shared>>
      %dma_start3A_83 = arith.constant 0 : i32
      %dma_start3A_84 = tpu.memref_slice %arg4[%mul3A_41, %dma_start3A_83] : memref<10000x128xf32, #tpu.memory_space<hbm>> -> memref<624x128xf32, #tpu.memory_space<hbm>>
      tpu.enqueue_dma source(%dma_start3A_84 : memref<624x128xf32, #tpu.memory_space<hbm>>) target(%dma_start3A_82 : memref<624x128xf32, #tpu.memory_space<vmem_shared>>) target_semaphore(%run_scoped3A : memref<!tpu.dma_semaphore, #tpu.memory_space<semaphore_mem>>)
      %dma_wait3A = arith.constant 0 : i32
      %dma_wait3A_85 = tpu.memref_slice %arg21[%mul3A_41, %dma_wait3A] : memref<10000x128xf32, #tpu.memory_space<vmem_shared>> -> memref<624x128xf32, #tpu.memory_space<vmem_shared>>
      %dma_wait3A_86 = arith.constant 0 : i32
      %dma_wait3A_87 = tpu.memref_slice %arg4[%mul3A_41, %dma_wait3A_86] : memref<10000x128xf32, #tpu.memory_space<hbm>> -> memref<624x128xf32, #tpu.memory_space<hbm>>
      tpu.wait_dma2 semaphore(%run_scoped3A : memref<!tpu.dma_semaphore, #tpu.memory_space<semaphore_mem>>) src(%dma_wait3A_87 : memref<624x128xf32, #tpu.memory_space<hbm>>) dst(%dma_wait3A_85 : memref<624x128xf32, #tpu.memory_space<vmem_shared>>)
      tpu.yield
    }) : () -> ()
    %lt3A_46 = arith.constant 2 : i32
    %lt3A_47 = arith.cmpi slt, %arg1, %lt3A_46 : i32
    %convert_element_type3A_48 = arith.extui %lt3A_47 : i1 to i32
    %cond3A_49 = arith.constant 0 : i32
    %cond3A_50 = arith.cmpi ne, %convert_element_type3A_48, %cond3A_49 : i32
    scf.if %cond3A_50 {
      "tpu.region"() ({
        %run_scoped3A = tpu.sem_alloc : memref<!tpu.dma_semaphore, #tpu.memory_space<semaphore_mem>>
        %dma_start3A = arith.constant 0 : i32
        %dma_start3A_82 = tpu.memref_slice %arg21[%add3A_45, %dma_start3A] : memref<10000x128xf32, #tpu.memory_space<vmem_shared>> -> memref<8x128xf32, #tpu.memory_space<vmem_shared>>
        %dma_start3A_83 = arith.constant 0 : i32
        %dma_start3A_84 = tpu.memref_slice %arg4[%add3A_45, %dma_start3A_83] : memref<10000x128xf32, #tpu.memory_space<hbm>> -> memref<8x128xf32, #tpu.memory_space<hbm>>
        tpu.enqueue_dma source(%dma_start3A_84 : memref<8x128xf32, #tpu.memory_space<hbm>>) target(%dma_start3A_82 : memref<8x128xf32, #tpu.memory_space<vmem_shared>>) target_semaphore(%run_scoped3A : memref<!tpu.dma_semaphore, #tpu.memory_space<semaphore_mem>>)
        %dma_wait3A = arith.constant 0 : i32
        %dma_wait3A_85 = tpu.memref_slice %arg21[%add3A_45, %dma_wait3A] : memref<10000x128xf32, #tpu.memory_space<vmem_shared>> -> memref<8x128xf32, #tpu.memory_space<vmem_shared>>
        %dma_wait3A_86 = arith.constant 0 : i32
        %dma_wait3A_87 = tpu.memref_slice %arg4[%add3A_45, %dma_wait3A_86] : memref<10000x128xf32, #tpu.memory_space<hbm>> -> memref<8x128xf32, #tpu.memory_space<hbm>>
        tpu.wait_dma2 semaphore(%run_scoped3A : memref<!tpu.dma_semaphore, #tpu.memory_space<semaphore_mem>>) src(%dma_wait3A_87 : memref<8x128xf32, #tpu.memory_space<hbm>>) dst(%dma_wait3A_85 : memref<8x128xf32, #tpu.memory_space<vmem_shared>>)
        tpu.yield
      }) : () -> ()
    } else {
    }
    %barrier3A = arith.constant 0 : index
    tpu.barrier barrier_id(%barrier3A)
    %add3A_51 = arith.constant 0 : i32
    %add3A_52 = arith.addi %add3A, %add3A_51 : i32
    %lt3A_53 = arith.constant 2500 : i32
    %lt3A_54 = arith.cmpi slt, %add3A_52, %lt3A_53 : i32
    %convert_element_type3A_55 = arith.extui %lt3A_54 : i1 to i32
    %cond3A_56 = arith.constant 0 : i32
    %cond3A_57 = arith.cmpi ne, %convert_element_type3A_55, %cond3A_56 : i32
    scf.if %cond3A_57 {
      %add3A_82 = arith.constant 0 : i32
      %add3A_83 = arith.addi %add3A, %add3A_82 : i32
      %mul3A_84 = arith.constant 128 : i32
      %mul3A_85 = arith.muli %add3A_83, %mul3A_84 : i32
      %dma_wait3A = tpu.memref_slice %arg3[%mul3A_85] : memref<640000xi32, #tpu.memory_space<hbm>> -> memref<128xi32, #tpu.memory_space<hbm>>
      %dma_wait3A_86 = tpu.memref_slice %arg3[%mul3A_85] : memref<640000xi32, #tpu.memory_space<hbm>> -> memref<128xi32, #tpu.memory_space<hbm>>
      tpu.wait_dma2 semaphore(%arg25 : memref<!tpu.dma_semaphore, #tpu.memory_space<semaphore_mem>>) src(%dma_wait3A_86 : memref<128xi32, #tpu.memory_space<hbm>>) dst(%arg6 : memref<128xi32, #tpu.memory_space<vmem>>)
      %dma_start3A = arith.constant 0 : i32
      %dma_start3A_87 = arith.constant 0 : i32
      %dma_start3A_88 = tpu.memref_slice %arg2[%dma_start3A, %dma_start3A_87] : memref<10000x128xf32, #tpu.memory_space<hbm>> -> memref<10000x128xf32, #tpu.memory_space<hbm>>
      tpu.enqueue_indirect_dma source(%dma_start3A_88 : memref<10000x128xf32, #tpu.memory_space<hbm>>) target(%arg18 : memref<128x128xf32, #tpu.memory_space<vmem>>) offsets(%arg6 : memref<128xi32, #tpu.memory_space<vmem>>) semaphore(%arg22 : memref<!tpu.dma_semaphore, #tpu.memory_space<semaphore_mem>>)
    } else {
    }
    %add3A_58 = arith.constant 32 : i32
    %add3A_59 = arith.addi %add3A, %add3A_58 : i32
    %lt3A_60 = arith.constant 2500 : i32
    %lt3A_61 = arith.cmpi slt, %add3A_59, %lt3A_60 : i32
    %convert_element_type3A_62 = arith.extui %lt3A_61 : i1 to i32
    %cond3A_63 = arith.constant 0 : i32
    %cond3A_64 = arith.cmpi ne, %convert_element_type3A_62, %cond3A_63 : i32
    scf.if %cond3A_64 {
      %add3A_82 = arith.constant 32 : i32
      %add3A_83 = arith.addi %add3A, %add3A_82 : i32
      %mul3A_84 = arith.constant 128 : i32
      %mul3A_85 = arith.muli %add3A_83, %mul3A_84 : i32
      %dma_wait3A = tpu.memref_slice %arg3[%mul3A_85] : memref<640000xi32, #tpu.memory_space<hbm>> -> memref<128xi32, #tpu.memory_space<hbm>>
      %dma_wait3A_86 = tpu.memref_slice %arg3[%mul3A_85] : memref<640000xi32, #tpu.memory_space<hbm>> -> memref<128xi32, #tpu.memory_space<hbm>>
      tpu.wait_dma2 semaphore(%arg26 : memref<!tpu.dma_semaphore, #tpu.memory_space<semaphore_mem>>) src(%dma_wait3A_86 : memref<128xi32, #tpu.memory_space<hbm>>) dst(%arg7 : memref<128xi32, #tpu.memory_space<vmem>>)
      %dma_start3A = arith.constant 0 : i32
      %dma_start3A_87 = arith.constant 0 : i32
      %dma_start3A_88 = tpu.memref_slice %arg2[%dma_start3A, %dma_start3A_87] : memref<10000x128xf32, #tpu.memory_space<hbm>> -> memref<10000x128xf32, #tpu.memory_space<hbm>>
      tpu.enqueue_indirect_dma source(%dma_start3A_88 : memref<10000x128xf32, #tpu.memory_space<hbm>>) target(%arg19 : memref<128x128xf32, #tpu.memory_space<vmem>>) offsets(%arg7 : memref<128xi32, #tpu.memory_space<vmem>>) semaphore(%arg23 : memref<!tpu.dma_semaphore, #tpu.memory_space<semaphore_mem>>)
    } else {
    }
    %add3A_65 = arith.constant 64 : i32
    %add3A_66 = arith.addi %add3A, %add3A_65 : i32
    %lt3A_67 = arith.constant 2500 : i32
    %lt3A_68 = arith.cmpi slt, %add3A_66, %lt3A_67 : i32
    %convert_element_type3A_69 = arith.extui %lt3A_68 : i1 to i32
    %cond3A_70 = arith.constant 0 : i32
    %cond3A_71 = arith.cmpi ne, %convert_element_type3A_69, %cond3A_70 : i32
    scf.if %cond3A_71 {
      %add3A_82 = arith.constant 64 : i32
      %add3A_83 = arith.addi %add3A, %add3A_82 : i32
      %mul3A_84 = arith.constant 128 : i32
      %mul3A_85 = arith.muli %add3A_83, %mul3A_84 : i32
      %dma_wait3A = tpu.memref_slice %arg3[%mul3A_85] : memref<640000xi32, #tpu.memory_space<hbm>> -> memref<128xi32, #tpu.memory_space<hbm>>
      %dma_wait3A_86 = tpu.memref_slice %arg3[%mul3A_85] : memref<640000xi32, #tpu.memory_space<hbm>> -> memref<128xi32, #tpu.memory_space<hbm>>
      tpu.wait_dma2 semaphore(%arg27 : memref<!tpu.dma_semaphore, #tpu.memory_space<semaphore_mem>>) src(%dma_wait3A_86 : memref<128xi32, #tpu.memory_space<hbm>>) dst(%arg8 : memref<128xi32, #tpu.memory_space<vmem>>)
      %dma_start3A = arith.constant 0 : i32
      %dma_start3A_87 = arith.constant 0 : i32
      %dma_start3A_88 = tpu.memref_slice %arg2[%dma_start3A, %dma_start3A_87] : memref<10000x128xf32, #tpu.memory_space<hbm>> -> memref<10000x128xf32, #tpu.memory_space<hbm>>
      tpu.enqueue_indirect_dma source(%dma_start3A_88 : memref<10000x128xf32, #tpu.memory_space<hbm>>) target(%arg20 : memref<128x128xf32, #tpu.memory_space<vmem>>) offsets(%arg8 : memref<128xi32, #tpu.memory_space<vmem>>) semaphore(%arg24 : memref<!tpu.dma_semaphore, #tpu.memory_space<semaphore_mem>>)
    } else {
    }
    %scan3A = arith.constant 0 : i32
    %scan3A_72 = arith.constant 14 : i32
    %scan3A_73 = arith.addi %scan3A, %scan3A_72 : i32
    %scan3A_74 = arith.constant 1 : i32
    scf.for %scan3A_82 = %scan3A to %scan3A_73 step %scan3A_74  : i32 {
      %mul3A_83 = arith.constant 6 : i32
      %mul3A_84 = arith.muli %scan3A_82, %mul3A_83 : i32
      %add3A_85 = arith.constant 0 : i32
      %add3A_86 = arith.addi %add3A_85, %mul3A_84 : i32
      %add3A_87 = arith.constant 0 : i32
      %add3A_88 = arith.addi %add3A_86, %add3A_87 : i32
      %mul3A_89 = arith.constant 32 : i32
      %mul3A_90 = arith.muli %mul3A_89, %add3A_88 : i32
      %add3A_91 = arith.addi %add3A, %mul3A_90 : i32
      %lt3A_92 = arith.constant 2500 : i32
      %lt3A_93 = arith.cmpi slt, %add3A_91, %lt3A_92 : i32
      %convert_element_type3A_94 = arith.extui %lt3A_93 : i1 to i32
      %cond3A_95 = arith.constant 0 : i32
      %cond3A_96 = arith.cmpi ne, %convert_element_type3A_94, %cond3A_95 : i32
      scf.if %cond3A_96 {
        %mul3A_267 = arith.constant 32 : i32
        %mul3A_268 = arith.muli %mul3A_267, %add3A_88 : i32
        %add3A_269 = arith.addi %add3A, %mul3A_268 : i32
        %mul3A_270 = arith.constant 128 : i32
        %mul3A_271 = arith.muli %add3A_269, %mul3A_270 : i32
        %dma_wait3A = arith.constant 0 : i32
        %dma_wait3A_272 = arith.constant 0 : i32
        %dma_wait3A_273 = tpu.memref_slice %arg2[%dma_wait3A, %dma_wait3A_272] : memref<10000x128xf32, #tpu.memory_space<hbm>> -> memref<10000x128xf32, #tpu.memory_space<hbm>>
        tpu.wait_indirect_dma semaphore(%arg22 : memref<!tpu.dma_semaphore, #tpu.memory_space<semaphore_mem>>) src(%dma_wait3A_273 : memref<10000x128xf32, #tpu.memory_space<hbm>>) dst(%arg18 : memref<128x128xf32, #tpu.memory_space<vmem>>)
        %add3A_274 = arith.constant 320000 : i32
        %add3A_275 = arith.addi %add3A_274, %mul3A_271 : i32
        %dma_wait3A_276 = tpu.memref_slice %arg3[%add3A_275] : memref<640000xi32, #tpu.memory_space<hbm>> -> memref<128xi32, #tpu.memory_space<hbm>>
        %dma_wait3A_277 = tpu.memref_slice %arg3[%add3A_275] : memref<640000xi32, #tpu.memory_space<hbm>> -> memref<128xi32, #tpu.memory_space<hbm>>
        tpu.wait_dma2 semaphore(%arg31 : memref<!tpu.dma_semaphore, #tpu.memory_space<semaphore_mem>>) src(%dma_wait3A_277 : memref<128xi32, #tpu.memory_space<hbm>>) dst(%arg12 : memref<128xi32, #tpu.memory_space<vmem>>)
        "tpu.region"() ({
          %run_scoped3A = tpu.sem_alloc : memref<!tpu.dma_semaphore, #tpu.memory_space<semaphore_mem>>
          %dma_start3A = arith.constant 0 : i32
          %dma_start3A_278 = arith.constant 0 : i32
          %dma_start3A_279 = tpu.memref_slice %arg21[%dma_start3A, %dma_start3A_278] : memref<10000x128xf32, #tpu.memory_space<vmem_shared>> -> memref<10000x128xf32, #tpu.memory_space<vmem_shared>>
          tpu.enqueue_indirect_dma source(%arg18 : memref<128x128xf32, #tpu.memory_space<vmem>>) target(%dma_start3A_279 : memref<10000x128xf32, #tpu.memory_space<vmem_shared>>) offsets(%arg12 : memref<128xi32, #tpu.memory_space<vmem>>) semaphore(%run_scoped3A : memref<!tpu.dma_semaphore, #tpu.memory_space<semaphore_mem>>) {add = true}
          %dma_wait3A_280 = arith.constant 0 : i32
          %dma_wait3A_281 = arith.constant 0 : i32
          %dma_wait3A_282 = tpu.memref_slice %arg21[%dma_wait3A_280, %dma_wait3A_281] : memref<10000x128xf32, #tpu.memory_space<vmem_shared>> -> memref<10000x128xf32, #tpu.memory_space<vmem_shared>>
          tpu.wait_indirect_dma semaphore(%run_scoped3A : memref<!tpu.dma_semaphore, #tpu.memory_space<semaphore_mem>>) src(%arg18 : memref<128x128xf32, #tpu.memory_space<vmem>>) dst(%dma_wait3A_282 : memref<10000x128xf32, #tpu.memory_space<vmem_shared>>)
          tpu.yield
        }) : () -> ()
      } else {
      }
      %add3A_97 = arith.constant 6 : i32
      %add3A_98 = arith.addi %add3A_88, %add3A_97 : i32
      %mul3A_99 = arith.constant 32 : i32
      %mul3A_100 = arith.muli %mul3A_99, %add3A_98 : i32
      %add3A_101 = arith.addi %add3A, %mul3A_100 : i32
      %lt3A_102 = arith.constant 2500 : i32
      %lt3A_103 = arith.cmpi slt, %add3A_101, %lt3A_102 : i32
      %convert_element_type3A_104 = arith.extui %lt3A_103 : i1 to i32
      %cond3A_105 = arith.constant 0 : i32
      %cond3A_106 = arith.cmpi ne, %convert_element_type3A_104, %cond3A_105 : i32
      scf.if %cond3A_106 {
        %mul3A_267 = arith.constant 32 : i32
        %mul3A_268 = arith.muli %mul3A_267, %add3A_98 : i32
        %add3A_269 = arith.addi %add3A, %mul3A_268 : i32
        %mul3A_270 = arith.constant 128 : i32
        %mul3A_271 = arith.muli %add3A_269, %mul3A_270 : i32
        %dma_start3A = tpu.memref_slice %arg3[%mul3A_271] : memref<640000xi32, #tpu.memory_space<hbm>> -> memref<128xi32, #tpu.memory_space<hbm>>
        %dma_start3A_272 = tpu.memref_slice %arg3[%mul3A_271] : memref<640000xi32, #tpu.memory_space<hbm>> -> memref<128xi32, #tpu.memory_space<hbm>>
        tpu.enqueue_dma source(%dma_start3A_272 : memref<128xi32, #tpu.memory_space<hbm>>) target(%arg6 : memref<128xi32, #tpu.memory_space<vmem>>) target_semaphore(%arg25 : memref<!tpu.dma_semaphore, #tpu.memory_space<semaphore_mem>>)
        %add3A_273 = arith.constant 320000 : i32
        %add3A_274 = arith.addi %add3A_273, %mul3A_271 : i32
        %dma_start3A_275 = tpu.memref_slice %arg3[%add3A_274] : memref<640000xi32, #tpu.memory_space<hbm>> -> memref<128xi32, #tpu.memory_space<hbm>>
        %dma_start3A_276 = tpu.memref_slice %arg3[%add3A_274] : memref<640000xi32, #tpu.memory_space<hbm>> -> memref<128xi32, #tpu.memory_space<hbm>>
        tpu.enqueue_dma source(%dma_start3A_276 : memref<128xi32, #tpu.memory_space<hbm>>) target(%arg12 : memref<128xi32, #tpu.memory_space<vmem>>) target_semaphore(%arg31 : memref<!tpu.dma_semaphore, #tpu.memory_space<semaphore_mem>>)
      } else {
      }
      %add3A_107 = arith.constant 3 : i32
      %add3A_108 = arith.addi %add3A_88, %add3A_107 : i32
      %mul3A_109 = arith.constant 32 : i32
      %mul3A_110 = arith.muli %mul3A_109, %add3A_108 : i32
      %add3A_111 = arith.addi %add3A, %mul3A_110 : i32
      %lt3A_112 = arith.constant 2500 : i32
      %lt3A_113 = arith.cmpi slt, %add3A_111, %lt3A_112 : i32
      %convert_element_type3A_114 = arith.extui %lt3A_113 : i1 to i32
      %cond3A_115 = arith.constant 0 : i32
      %cond3A_116 = arith.cmpi ne, %convert_element_type3A_114, %cond3A_115 : i32
      scf.if %cond3A_116 {
        %mul3A_267 = arith.constant 32 : i32
        %mul3A_268 = arith.muli %mul3A_267, %add3A_108 : i32
        %add3A_269 = arith.addi %add3A, %mul3A_268 : i32
        %mul3A_270 = arith.constant 128 : i32
        %mul3A_271 = arith.muli %add3A_269, %mul3A_270 : i32
        %dma_wait3A = tpu.memref_slice %arg3[%mul3A_271] : memref<640000xi32, #tpu.memory_space<hbm>> -> memref<128xi32, #tpu.memory_space<hbm>>
        %dma_wait3A_272 = tpu.memref_slice %arg3[%mul3A_271] : memref<640000xi32, #tpu.memory_space<hbm>> -> memref<128xi32, #tpu.memory_space<hbm>>
        tpu.wait_dma2 semaphore(%arg28 : memref<!tpu.dma_semaphore, #tpu.memory_space<semaphore_mem>>) src(%dma_wait3A_272 : memref<128xi32, #tpu.memory_space<hbm>>) dst(%arg9 : memref<128xi32, #tpu.memory_space<vmem>>)
        %dma_start3A = arith.constant 0 : i32
        %dma_start3A_273 = arith.constant 0 : i32
        %dma_start3A_274 = tpu.memref_slice %arg2[%dma_start3A, %dma_start3A_273] : memref<10000x128xf32, #tpu.memory_space<hbm>> -> memref<10000x128xf32, #tpu.memory_space<hbm>>
        tpu.enqueue_indirect_dma source(%dma_start3A_274 : memref<10000x128xf32, #tpu.memory_space<hbm>>) target(%arg18 : memref<128x128xf32, #tpu.memory_space<vmem>>) offsets(%arg9 : memref<128xi32, #tpu.memory_space<vmem>>) semaphore(%arg22 : memref<!tpu.dma_semaphore, #tpu.memory_space<semaphore_mem>>)
      } else {
      }
      %add3A_117 = arith.constant 1 : i32
      %add3A_118 = arith.addi %add3A_86, %add3A_117 : i32
      %mul3A_119 = arith.constant 32 : i32
      %mul3A_120 = arith.muli %mul3A_119, %add3A_118 : i32
      %add3A_121 = arith.addi %add3A, %mul3A_120 : i32
      %lt3A_122 = arith.constant 2500 : i32
      %lt3A_123 = arith.cmpi slt, %add3A_121, %lt3A_122 : i32
      %convert_element_type3A_124 = arith.extui %lt3A_123 : i1 to i32
      %cond3A_125 = arith.constant 0 : i32
      %cond3A_126 = arith.cmpi ne, %convert_element_type3A_124, %cond3A_125 : i32
      scf.if %cond3A_126 {
        %mul3A_267 = arith.constant 32 : i32
        %mul3A_268 = arith.muli %mul3A_267, %add3A_118 : i32
        %add3A_269 = arith.addi %add3A, %mul3A_268 : i32
        %mul3A_270 = arith.constant 128 : i32
        %mul3A_271 = arith.muli %add3A_269, %mul3A_270 : i32
        %dma_wait3A = arith.constant 0 : i32
        %dma_wait3A_272 = arith.constant 0 : i32
        %dma_wait3A_273 = tpu.memref_slice %arg2[%dma_wait3A, %dma_wait3A_272] : memref<10000x128xf32, #tpu.memory_space<hbm>> -> memref<10000x128xf32, #tpu.memory_space<hbm>>
        tpu.wait_indirect_dma semaphore(%arg23 : memref<!tpu.dma_semaphore, #tpu.memory_space<semaphore_mem>>) src(%dma_wait3A_273 : memref<10000x128xf32, #tpu.memory_space<hbm>>) dst(%arg19 : memref<128x128xf32, #tpu.memory_space<vmem>>)
        %add3A_274 = arith.constant 320000 : i32
        %add3A_275 = arith.addi %add3A_274, %mul3A_271 : i32
        %dma_wait3A_276 = tpu.memref_slice %arg3[%add3A_275] : memref<640000xi32, #tpu.memory_space<hbm>> -> memref<128xi32, #tpu.memory_space<hbm>>
        %dma_wait3A_277 = tpu.memref_slice %arg3[%add3A_275] : memref<640000xi32, #tpu.memory_space<hbm>> -> memref<128xi32, #tpu.memory_space<hbm>>
        tpu.wait_dma2 semaphore(%arg32 : memref<!tpu.dma_semaphore, #tpu.memory_space<semaphore_mem>>) src(%dma_wait3A_277 : memref<128xi32, #tpu.memory_space<hbm>>) dst(%arg13 : memref<128xi32, #tpu.memory_space<vmem>>)
        "tpu.region"() ({
          %run_scoped3A = tpu.sem_alloc : memref<!tpu.dma_semaphore, #tpu.memory_space<semaphore_mem>>
          %dma_start3A = arith.constant 0 : i32
          %dma_start3A_278 = arith.constant 0 : i32
          %dma_start3A_279 = tpu.memref_slice %arg21[%dma_start3A, %dma_start3A_278] : memref<10000x128xf32, #tpu.memory_space<vmem_shared>> -> memref<10000x128xf32, #tpu.memory_space<vmem_shared>>
          tpu.enqueue_indirect_dma source(%arg19 : memref<128x128xf32, #tpu.memory_space<vmem>>) target(%dma_start3A_279 : memref<10000x128xf32, #tpu.memory_space<vmem_shared>>) offsets(%arg13 : memref<128xi32, #tpu.memory_space<vmem>>) semaphore(%run_scoped3A : memref<!tpu.dma_semaphore, #tpu.memory_space<semaphore_mem>>) {add = true}
          %dma_wait3A_280 = arith.constant 0 : i32
          %dma_wait3A_281 = arith.constant 0 : i32
          %dma_wait3A_282 = tpu.memref_slice %arg21[%dma_wait3A_280, %dma_wait3A_281] : memref<10000x128xf32, #tpu.memory_space<vmem_shared>> -> memref<10000x128xf32, #tpu.memory_space<vmem_shared>>
          tpu.wait_indirect_dma semaphore(%run_scoped3A : memref<!tpu.dma_semaphore, #tpu.memory_space<semaphore_mem>>) src(%arg19 : memref<128x128xf32, #tpu.memory_space<vmem>>) dst(%dma_wait3A_282 : memref<10000x128xf32, #tpu.memory_space<vmem_shared>>)
          tpu.yield
        }) : () -> ()
      } else {
      }
      %add3A_127 = arith.constant 6 : i32
      %add3A_128 = arith.addi %add3A_118, %add3A_127 : i32
      %mul3A_129 = arith.constant 32 : i32
      %mul3A_130 = arith.muli %mul3A_129, %add3A_128 : i32
      %add3A_131 = arith.addi %add3A, %mul3A_130 : i32
      %lt3A_132 = arith.constant 2500 : i32
      %lt3A_133 = arith.cmpi slt, %add3A_131, %lt3A_132 : i32
      %convert_element_type3A_134 = arith.extui %lt3A_133 : i1 to i32
      %cond3A_135 = arith.constant 0 : i32
      %cond3A_136 = arith.cmpi ne, %convert_element_type3A_134, %cond3A_135 : i32
      scf.if %cond3A_136 {
        %mul3A_267 = arith.constant 32 : i32
        %mul3A_268 = arith.muli %mul3A_267, %add3A_128 : i32
        %add3A_269 = arith.addi %add3A, %mul3A_268 : i32
        %mul3A_270 = arith.constant 128 : i32
        %mul3A_271 = arith.muli %add3A_269, %mul3A_270 : i32
        %dma_start3A = tpu.memref_slice %arg3[%mul3A_271] : memref<640000xi32, #tpu.memory_space<hbm>> -> memref<128xi32, #tpu.memory_space<hbm>>
        %dma_start3A_272 = tpu.memref_slice %arg3[%mul3A_271] : memref<640000xi32, #tpu.memory_space<hbm>> -> memref<128xi32, #tpu.memory_space<hbm>>
        tpu.enqueue_dma source(%dma_start3A_272 : memref<128xi32, #tpu.memory_space<hbm>>) target(%arg7 : memref<128xi32, #tpu.memory_space<vmem>>) target_semaphore(%arg26 : memref<!tpu.dma_semaphore, #tpu.memory_space<semaphore_mem>>)
        %add3A_273 = arith.constant 320000 : i32
        %add3A_274 = arith.addi %add3A_273, %mul3A_271 : i32
        %dma_start3A_275 = tpu.memref_slice %arg3[%add3A_274] : memref<640000xi32, #tpu.memory_space<hbm>> -> memref<128xi32, #tpu.memory_space<hbm>>
        %dma_start3A_276 = tpu.memref_slice %arg3[%add3A_274] : memref<640000xi32, #tpu.memory_space<hbm>> -> memref<128xi32, #tpu.memory_space<hbm>>
        tpu.enqueue_dma source(%dma_start3A_276 : memref<128xi32, #tpu.memory_space<hbm>>) target(%arg13 : memref<128xi32, #tpu.memory_space<vmem>>) target_semaphore(%arg32 : memref<!tpu.dma_semaphore, #tpu.memory_space<semaphore_mem>>)
      } else {
      }
      %add3A_137 = arith.constant 3 : i32
      %add3A_138 = arith.addi %add3A_118, %add3A_137 : i32
      %mul3A_139 = arith.constant 32 : i32
      %mul3A_140 = arith.muli %mul3A_139, %add3A_138 : i32
      %add3A_141 = arith.addi %add3A, %mul3A_140 : i32
      %lt3A_142 = arith.constant 2500 : i32
      %lt3A_143 = arith.cmpi slt, %add3A_141, %lt3A_142 : i32
      %convert_element_type3A_144 = arith.extui %lt3A_143 : i1 to i32
      %cond3A_145 = arith.constant 0 : i32
      %cond3A_146 = arith.cmpi ne, %convert_element_type3A_144, %cond3A_145 : i32
      scf.if %cond3A_146 {
        %mul3A_267 = arith.constant 32 : i32
        %mul3A_268 = arith.muli %mul3A_267, %add3A_138 : i32
        %add3A_269 = arith.addi %add3A, %mul3A_268 : i32
        %mul3A_270 = arith.constant 128 : i32
        %mul3A_271 = arith.muli %add3A_269, %mul3A_270 : i32
        %dma_wait3A = tpu.memref_slice %arg3[%mul3A_271] : memref<640000xi32, #tpu.memory_space<hbm>> -> memref<128xi32, #tpu.memory_space<hbm>>
        %dma_wait3A_272 = tpu.memref_slice %arg3[%mul3A_271] : memref<640000xi32, #tpu.memory_space<hbm>> -> memref<128xi32, #tpu.memory_space<hbm>>
        tpu.wait_dma2 semaphore(%arg29 : memref<!tpu.dma_semaphore, #tpu.memory_space<semaphore_mem>>) src(%dma_wait3A_272 : memref<128xi32, #tpu.memory_space<hbm>>) dst(%arg10 : memref<128xi32, #tpu.memory_space<vmem>>)
        %dma_start3A = arith.constant 0 : i32
        %dma_start3A_273 = arith.constant 0 : i32
        %dma_start3A_274 = tpu.memref_slice %arg2[%dma_start3A, %dma_start3A_273] : memref<10000x128xf32, #tpu.memory_space<hbm>> -> memref<10000x128xf32, #tpu.memory_space<hbm>>
        tpu.enqueue_indirect_dma source(%dma_start3A_274 : memref<10000x128xf32, #tpu.memory_space<hbm>>) target(%arg19 : memref<128x128xf32, #tpu.memory_space<vmem>>) offsets(%arg10 : memref<128xi32, #tpu.memory_space<vmem>>) semaphore(%arg23 : memref<!tpu.dma_semaphore, #tpu.memory_space<semaphore_mem>>)
      } else {
      }
      %add3A_147 = arith.constant 2 : i32
      %add3A_148 = arith.addi %add3A_86, %add3A_147 : i32
      %mul3A_149 = arith.constant 32 : i32
      %mul3A_150 = arith.muli %mul3A_149, %add3A_148 : i32
      %add3A_151 = arith.addi %add3A, %mul3A_150 : i32
      %lt3A_152 = arith.constant 2500 : i32
      %lt3A_153 = arith.cmpi slt, %add3A_151, %lt3A_152 : i32
      %convert_element_type3A_154 = arith.extui %lt3A_153 : i1 to i32
      %cond3A_155 = arith.constant 0 : i32
      %cond3A_156 = arith.cmpi ne, %convert_element_type3A_154, %cond3A_155 : i32
      scf.if %cond3A_156 {
        %mul3A_267 = arith.constant 32 : i32
        %mul3A_268 = arith.muli %mul3A_267, %add3A_148 : i32
        %add3A_269 = arith.addi %add3A, %mul3A_268 : i32
        %mul3A_270 = arith.constant 128 : i32
        %mul3A_271 = arith.muli %add3A_269, %mul3A_270 : i32
        %dma_wait3A = arith.constant 0 : i32
        %dma_wait3A_272 = arith.constant 0 : i32
        %dma_wait3A_273 = tpu.memref_slice %arg2[%dma_wait3A, %dma_wait3A_272] : memref<10000x128xf32, #tpu.memory_space<hbm>> -> memref<10000x128xf32, #tpu.memory_space<hbm>>
        tpu.wait_indirect_dma semaphore(%arg24 : memref<!tpu.dma_semaphore, #tpu.memory_space<semaphore_mem>>) src(%dma_wait3A_273 : memref<10000x128xf32, #tpu.memory_space<hbm>>) dst(%arg20 : memref<128x128xf32, #tpu.memory_space<vmem>>)
        %add3A_274 = arith.constant 320000 : i32
        %add3A_275 = arith.addi %add3A_274, %mul3A_271 : i32
        %dma_wait3A_276 = tpu.memref_slice %arg3[%add3A_275] : memref<640000xi32, #tpu.memory_space<hbm>> -> memref<128xi32, #tpu.memory_space<hbm>>
        %dma_wait3A_277 = tpu.memref_slice %arg3[%add3A_275] : memref<640000xi32, #tpu.memory_space<hbm>> -> memref<128xi32, #tpu.memory_space<hbm>>
        tpu.wait_dma2 semaphore(%arg33 : memref<!tpu.dma_semaphore, #tpu.memory_space<semaphore_mem>>) src(%dma_wait3A_277 : memref<128xi32, #tpu.memory_space<hbm>>) dst(%arg14 : memref<128xi32, #tpu.memory_space<vmem>>)
        "tpu.region"() ({
          %run_scoped3A = tpu.sem_alloc : memref<!tpu.dma_semaphore, #tpu.memory_space<semaphore_mem>>
          %dma_start3A = arith.constant 0 : i32
          %dma_start3A_278 = arith.constant 0 : i32
          %dma_start3A_279 = tpu.memref_slice %arg21[%dma_start3A, %dma_start3A_278] : memref<10000x128xf32, #tpu.memory_space<vmem_shared>> -> memref<10000x128xf32, #tpu.memory_space<vmem_shared>>
          tpu.enqueue_indirect_dma source(%arg20 : memref<128x128xf32, #tpu.memory_space<vmem>>) target(%dma_start3A_279 : memref<10000x128xf32, #tpu.memory_space<vmem_shared>>) offsets(%arg14 : memref<128xi32, #tpu.memory_space<vmem>>) semaphore(%run_scoped3A : memref<!tpu.dma_semaphore, #tpu.memory_space<semaphore_mem>>) {add = true}
          %dma_wait3A_280 = arith.constant 0 : i32
          %dma_wait3A_281 = arith.constant 0 : i32
          %dma_wait3A_282 = tpu.memref_slice %arg21[%dma_wait3A_280, %dma_wait3A_281] : memref<10000x128xf32, #tpu.memory_space<vmem_shared>> -> memref<10000x128xf32, #tpu.memory_space<vmem_shared>>
          tpu.wait_indirect_dma semaphore(%run_scoped3A : memref<!tpu.dma_semaphore, #tpu.memory_space<semaphore_mem>>) src(%arg20 : memref<128x128xf32, #tpu.memory_space<vmem>>) dst(%dma_wait3A_282 : memref<10000x128xf32, #tpu.memory_space<vmem_shared>>)
          tpu.yield
        }) : () -> ()
      } else {
      }
      %add3A_157 = arith.constant 6 : i32
      %add3A_158 = arith.addi %add3A_148, %add3A_157 : i32
      %mul3A_159 = arith.constant 32 : i32
      %mul3A_160 = arith.muli %mul3A_159, %add3A_158 : i32
      %add3A_161 = arith.addi %add3A, %mul3A_160 : i32
      %lt3A_162 = arith.constant 2500 : i32
      %lt3A_163 = arith.cmpi slt, %add3A_161, %lt3A_162 : i32
      %convert_element_type3A_164 = arith.extui %lt3A_163 : i1 to i32
      %cond3A_165 = arith.constant 0 : i32
      %cond3A_166 = arith.cmpi ne, %convert_element_type3A_164, %cond3A_165 : i32
      scf.if %cond3A_166 {
        %mul3A_267 = arith.constant 32 : i32
        %mul3A_268 = arith.muli %mul3A_267, %add3A_158 : i32
        %add3A_269 = arith.addi %add3A, %mul3A_268 : i32
        %mul3A_270 = arith.constant 128 : i32
        %mul3A_271 = arith.muli %add3A_269, %mul3A_270 : i32
        %dma_start3A = tpu.memref_slice %arg3[%mul3A_271] : memref<640000xi32, #tpu.memory_space<hbm>> -> memref<128xi32, #tpu.memory_space<hbm>>
        %dma_start3A_272 = tpu.memref_slice %arg3[%mul3A_271] : memref<640000xi32, #tpu.memory_space<hbm>> -> memref<128xi32, #tpu.memory_space<hbm>>
        tpu.enqueue_dma source(%dma_start3A_272 : memref<128xi32, #tpu.memory_space<hbm>>) target(%arg8 : memref<128xi32, #tpu.memory_space<vmem>>) target_semaphore(%arg27 : memref<!tpu.dma_semaphore, #tpu.memory_space<semaphore_mem>>)
        %add3A_273 = arith.constant 320000 : i32
        %add3A_274 = arith.addi %add3A_273, %mul3A_271 : i32
        %dma_start3A_275 = tpu.memref_slice %arg3[%add3A_274] : memref<640000xi32, #tpu.memory_space<hbm>> -> memref<128xi32, #tpu.memory_space<hbm>>
        %dma_start3A_276 = tpu.memref_slice %arg3[%add3A_274] : memref<640000xi32, #tpu.memory_space<hbm>> -> memref<128xi32, #tpu.memory_space<hbm>>
        tpu.enqueue_dma source(%dma_start3A_276 : memref<128xi32, #tpu.memory_space<hbm>>) target(%arg14 : memref<128xi32, #tpu.memory_space<vmem>>) target_semaphore(%arg33 : memref<!tpu.dma_semaphore, #tpu.memory_space<semaphore_mem>>)
      } else {
      }
      %add3A_167 = arith.constant 3 : i32
      %add3A_168 = arith.addi %add3A_148, %add3A_167 : i32
      %mul3A_169 = arith.constant 32 : i32
      %mul3A_170 = arith.muli %mul3A_169, %add3A_168 : i32
      %add3A_171 = arith.addi %add3A, %mul3A_170 : i32
      %lt3A_172 = arith.constant 2500 : i32
      %lt3A_173 = arith.cmpi slt, %add3A_171, %lt3A_172 : i32
      %convert_element_type3A_174 = arith.extui %lt3A_173 : i1 to i32
      %cond3A_175 = arith.constant 0 : i32
      %cond3A_176 = arith.cmpi ne, %convert_element_type3A_174, %cond3A_175 : i32
      scf.if %cond3A_176 {
        %mul3A_267 = arith.constant 32 : i32
        %mul3A_268 = arith.muli %mul3A_267, %add3A_168 : i32
        %add3A_269 = arith.addi %add3A, %mul3A_268 : i32
        %mul3A_270 = arith.constant 128 : i32
        %mul3A_271 = arith.muli %add3A_269, %mul3A_270 : i32
        %dma_wait3A = tpu.memref_slice %arg3[%mul3A_271] : memref<640000xi32, #tpu.memory_space<hbm>> -> memref<128xi32, #tpu.memory_space<hbm>>
        %dma_wait3A_272 = tpu.memref_slice %arg3[%mul3A_271] : memref<640000xi32, #tpu.memory_space<hbm>> -> memref<128xi32, #tpu.memory_space<hbm>>
        tpu.wait_dma2 semaphore(%arg30 : memref<!tpu.dma_semaphore, #tpu.memory_space<semaphore_mem>>) src(%dma_wait3A_272 : memref<128xi32, #tpu.memory_space<hbm>>) dst(%arg11 : memref<128xi32, #tpu.memory_space<vmem>>)
        %dma_start3A = arith.constant 0 : i32
        %dma_start3A_273 = arith.constant 0 : i32
        %dma_start3A_274 = tpu.memref_slice %arg2[%dma_start3A, %dma_start3A_273] : memref<10000x128xf32, #tpu.memory_space<hbm>> -> memref<10000x128xf32, #tpu.memory_space<hbm>>
        tpu.enqueue_indirect_dma source(%dma_start3A_274 : memref<10000x128xf32, #tpu.memory_space<hbm>>) target(%arg20 : memref<128x128xf32, #tpu.memory_space<vmem>>) offsets(%arg11 : memref<128xi32, #tpu.memory_space<vmem>>) semaphore(%arg24 : memref<!tpu.dma_semaphore, #tpu.memory_space<semaphore_mem>>)
      } else {
      }
      %add3A_177 = arith.constant 3 : i32
      %add3A_178 = arith.addi %add3A_86, %add3A_177 : i32
      %mul3A_179 = arith.constant 32 : i32
      %mul3A_180 = arith.muli %mul3A_179, %add3A_178 : i32
      %add3A_181 = arith.addi %add3A, %mul3A_180 : i32
      %lt3A_182 = arith.constant 2500 : i32
      %lt3A_183 = arith.cmpi slt, %add3A_181, %lt3A_182 : i32
      %convert_element_type3A_184 = arith.extui %lt3A_183 : i1 to i32
      %cond3A_185 = arith.constant 0 : i32
      %cond3A_186 = arith.cmpi ne, %convert_element_type3A_184, %cond3A_185 : i32
      scf.if %cond3A_186 {
        %mul3A_267 = arith.constant 32 : i32
        %mul3A_268 = arith.muli %mul3A_267, %add3A_178 : i32
        %add3A_269 = arith.addi %add3A, %mul3A_268 : i32
        %mul3A_270 = arith.constant 128 : i32
        %mul3A_271 = arith.muli %add3A_269, %mul3A_270 : i32
        %dma_wait3A = arith.constant 0 : i32
        %dma_wait3A_272 = arith.constant 0 : i32
        %dma_wait3A_273 = tpu.memref_slice %arg2[%dma_wait3A, %dma_wait3A_272] : memref<10000x128xf32, #tpu.memory_space<hbm>> -> memref<10000x128xf32, #tpu.memory_space<hbm>>
        tpu.wait_indirect_dma semaphore(%arg22 : memref<!tpu.dma_semaphore, #tpu.memory_space<semaphore_mem>>) src(%dma_wait3A_273 : memref<10000x128xf32, #tpu.memory_space<hbm>>) dst(%arg18 : memref<128x128xf32, #tpu.memory_space<vmem>>)
        %add3A_274 = arith.constant 320000 : i32
        %add3A_275 = arith.addi %add3A_274, %mul3A_271 : i32
        %dma_wait3A_276 = tpu.memref_slice %arg3[%add3A_275] : memref<640000xi32, #tpu.memory_space<hbm>> -> memref<128xi32, #tpu.memory_space<hbm>>
        %dma_wait3A_277 = tpu.memref_slice %arg3[%add3A_275] : memref<640000xi32, #tpu.memory_space<hbm>> -> memref<128xi32, #tpu.memory_space<hbm>>
        tpu.wait_dma2 semaphore(%arg34 : memref<!tpu.dma_semaphore, #tpu.memory_space<semaphore_mem>>) src(%dma_wait3A_277 : memref<128xi32, #tpu.memory_space<hbm>>) dst(%arg15 : memref<128xi32, #tpu.memory_space<vmem>>)
        "tpu.region"() ({
          %run_scoped3A = tpu.sem_alloc : memref<!tpu.dma_semaphore, #tpu.memory_space<semaphore_mem>>
          %dma_start3A = arith.constant 0 : i32
          %dma_start3A_278 = arith.constant 0 : i32
          %dma_start3A_279 = tpu.memref_slice %arg21[%dma_start3A, %dma_start3A_278] : memref<10000x128xf32, #tpu.memory_space<vmem_shared>> -> memref<10000x128xf32, #tpu.memory_space<vmem_shared>>
          tpu.enqueue_indirect_dma source(%arg18 : memref<128x128xf32, #tpu.memory_space<vmem>>) target(%dma_start3A_279 : memref<10000x128xf32, #tpu.memory_space<vmem_shared>>) offsets(%arg15 : memref<128xi32, #tpu.memory_space<vmem>>) semaphore(%run_scoped3A : memref<!tpu.dma_semaphore, #tpu.memory_space<semaphore_mem>>) {add = true}
          %dma_wait3A_280 = arith.constant 0 : i32
          %dma_wait3A_281 = arith.constant 0 : i32
          %dma_wait3A_282 = tpu.memref_slice %arg21[%dma_wait3A_280, %dma_wait3A_281] : memref<10000x128xf32, #tpu.memory_space<vmem_shared>> -> memref<10000x128xf32, #tpu.memory_space<vmem_shared>>
          tpu.wait_indirect_dma semaphore(%run_scoped3A : memref<!tpu.dma_semaphore, #tpu.memory_space<semaphore_mem>>) src(%arg18 : memref<128x128xf32, #tpu.memory_space<vmem>>) dst(%dma_wait3A_282 : memref<10000x128xf32, #tpu.memory_space<vmem_shared>>)
          tpu.yield
        }) : () -> ()
      } else {
      }
      %add3A_187 = arith.constant 6 : i32
      %add3A_188 = arith.addi %add3A_178, %add3A_187 : i32
      %mul3A_189 = arith.constant 32 : i32
      %mul3A_190 = arith.muli %mul3A_189, %add3A_188 : i32
      %add3A_191 = arith.addi %add3A, %mul3A_190 : i32
      %lt3A_192 = arith.constant 2500 : i32
      %lt3A_193 = arith.cmpi slt, %add3A_191, %lt3A_192 : i32
      %convert_element_type3A_194 = arith.extui %lt3A_193 : i1 to i32
      %cond3A_195 = arith.constant 0 : i32
      %cond3A_196 = arith.cmpi ne, %convert_element_type3A_194, %cond3A_195 : i32
      scf.if %cond3A_196 {
        %mul3A_267 = arith.constant 32 : i32
        %mul3A_268 = arith.muli %mul3A_267, %add3A_188 : i32
        %add3A_269 = arith.addi %add3A, %mul3A_268 : i32
        %mul3A_270 = arith.constant 128 : i32
        %mul3A_271 = arith.muli %add3A_269, %mul3A_270 : i32
        %dma_start3A = tpu.memref_slice %arg3[%mul3A_271] : memref<640000xi32, #tpu.memory_space<hbm>> -> memref<128xi32, #tpu.memory_space<hbm>>
        %dma_start3A_272 = tpu.memref_slice %arg3[%mul3A_271] : memref<640000xi32, #tpu.memory_space<hbm>> -> memref<128xi32, #tpu.memory_space<hbm>>
        tpu.enqueue_dma source(%dma_start3A_272 : memref<128xi32, #tpu.memory_space<hbm>>) target(%arg9 : memref<128xi32, #tpu.memory_space<vmem>>) target_semaphore(%arg28 : memref<!tpu.dma_semaphore, #tpu.memory_space<semaphore_mem>>)
        %add3A_273 = arith.constant 320000 : i32
        %add3A_274 = arith.addi %add3A_273, %mul3A_271 : i32
        %dma_start3A_275 = tpu.memref_slice %arg3[%add3A_274] : memref<640000xi32, #tpu.memory_space<hbm>> -> memref<128xi32, #tpu.memory_space<hbm>>
        %dma_start3A_276 = tpu.memref_slice %arg3[%add3A_274] : memref<640000xi32, #tpu.memory_space<hbm>> -> memref<128xi32, #tpu.memory_space<hbm>>
        tpu.enqueue_dma source(%dma_start3A_276 : memref<128xi32, #tpu.memory_space<hbm>>) target(%arg15 : memref<128xi32, #tpu.memory_space<vmem>>) target_semaphore(%arg34 : memref<!tpu.dma_semaphore, #tpu.memory_space<semaphore_mem>>)
      } else {
      }
      %add3A_197 = arith.constant 3 : i32
      %add3A_198 = arith.addi %add3A_178, %add3A_197 : i32
      %mul3A_199 = arith.constant 32 : i32
      %mul3A_200 = arith.muli %mul3A_199, %add3A_198 : i32
      %add3A_201 = arith.addi %add3A, %mul3A_200 : i32
      %lt3A_202 = arith.constant 2500 : i32
      %lt3A_203 = arith.cmpi slt, %add3A_201, %lt3A_202 : i32
      %convert_element_type3A_204 = arith.extui %lt3A_203 : i1 to i32
      %cond3A_205 = arith.constant 0 : i32
      %cond3A_206 = arith.cmpi ne, %convert_element_type3A_204, %cond3A_205 : i32
      scf.if %cond3A_206 {
        %mul3A_267 = arith.constant 32 : i32
        %mul3A_268 = arith.muli %mul3A_267, %add3A_198 : i32
        %add3A_269 = arith.addi %add3A, %mul3A_268 : i32
        %mul3A_270 = arith.constant 128 : i32
        %mul3A_271 = arith.muli %add3A_269, %mul3A_270 : i32
        %dma_wait3A = tpu.memref_slice %arg3[%mul3A_271] : memref<640000xi32, #tpu.memory_space<hbm>> -> memref<128xi32, #tpu.memory_space<hbm>>
        %dma_wait3A_272 = tpu.memref_slice %arg3[%mul3A_271] : memref<640000xi32, #tpu.memory_space<hbm>> -> memref<128xi32, #tpu.memory_space<hbm>>
        tpu.wait_dma2 semaphore(%arg25 : memref<!tpu.dma_semaphore, #tpu.memory_space<semaphore_mem>>) src(%dma_wait3A_272 : memref<128xi32, #tpu.memory_space<hbm>>) dst(%arg6 : memref<128xi32, #tpu.memory_space<vmem>>)
        %dma_start3A = arith.constant 0 : i32
        %dma_start3A_273 = arith.constant 0 : i32
        %dma_start3A_274 = tpu.memref_slice %arg2[%dma_start3A, %dma_start3A_273] : memref<10000x128xf32, #tpu.memory_space<hbm>> -> memref<10000x128xf32, #tpu.memory_space<hbm>>
        tpu.enqueue_indirect_dma source(%dma_start3A_274 : memref<10000x128xf32, #tpu.memory_space<hbm>>) target(%arg18 : memref<128x128xf32, #tpu.memory_space<vmem>>) offsets(%arg6 : memref<128xi32, #tpu.memory_space<vmem>>) semaphore(%arg22 : memref<!tpu.dma_semaphore, #tpu.memory_space<semaphore_mem>>)
      } else {
      }
      %add3A_207 = arith.constant 4 : i32
      %add3A_208 = arith.addi %add3A_86, %add3A_207 : i32
      %mul3A_209 = arith.constant 32 : i32
      %mul3A_210 = arith.muli %mul3A_209, %add3A_208 : i32
      %add3A_211 = arith.addi %add3A, %mul3A_210 : i32
      %lt3A_212 = arith.constant 2500 : i32
      %lt3A_213 = arith.cmpi slt, %add3A_211, %lt3A_212 : i32
      %convert_element_type3A_214 = arith.extui %lt3A_213 : i1 to i32
      %cond3A_215 = arith.constant 0 : i32
      %cond3A_216 = arith.cmpi ne, %convert_element_type3A_214, %cond3A_215 : i32
      scf.if %cond3A_216 {
        %mul3A_267 = arith.constant 32 : i32
        %mul3A_268 = arith.muli %mul3A_267, %add3A_208 : i32
        %add3A_269 = arith.addi %add3A, %mul3A_268 : i32
        %mul3A_270 = arith.constant 128 : i32
        %mul3A_271 = arith.muli %add3A_269, %mul3A_270 : i32
        %dma_wait3A = arith.constant 0 : i32
        %dma_wait3A_272 = arith.constant 0 : i32
        %dma_wait3A_273 = tpu.memref_slice %arg2[%dma_wait3A, %dma_wait3A_272] : memref<10000x128xf32, #tpu.memory_space<hbm>> -> memref<10000x128xf32, #tpu.memory_space<hbm>>
        tpu.wait_indirect_dma semaphore(%arg23 : memref<!tpu.dma_semaphore, #tpu.memory_space<semaphore_mem>>) src(%dma_wait3A_273 : memref<10000x128xf32, #tpu.memory_space<hbm>>) dst(%arg19 : memref<128x128xf32, #tpu.memory_space<vmem>>)
        %add3A_274 = arith.constant 320000 : i32
        %add3A_275 = arith.addi %add3A_274, %mul3A_271 : i32
        %dma_wait3A_276 = tpu.memref_slice %arg3[%add3A_275] : memref<640000xi32, #tpu.memory_space<hbm>> -> memref<128xi32, #tpu.memory_space<hbm>>
        %dma_wait3A_277 = tpu.memref_slice %arg3[%add3A_275] : memref<640000xi32, #tpu.memory_space<hbm>> -> memref<128xi32, #tpu.memory_space<hbm>>
        tpu.wait_dma2 semaphore(%arg35 : memref<!tpu.dma_semaphore, #tpu.memory_space<semaphore_mem>>) src(%dma_wait3A_277 : memref<128xi32, #tpu.memory_space<hbm>>) dst(%arg16 : memref<128xi32, #tpu.memory_space<vmem>>)
        "tpu.region"() ({
          %run_scoped3A = tpu.sem_alloc : memref<!tpu.dma_semaphore, #tpu.memory_space<semaphore_mem>>
          %dma_start3A = arith.constant 0 : i32
          %dma_start3A_278 = arith.constant 0 : i32
          %dma_start3A_279 = tpu.memref_slice %arg21[%dma_start3A, %dma_start3A_278] : memref<10000x128xf32, #tpu.memory_space<vmem_shared>> -> memref<10000x128xf32, #tpu.memory_space<vmem_shared>>
          tpu.enqueue_indirect_dma source(%arg19 : memref<128x128xf32, #tpu.memory_space<vmem>>) target(%dma_start3A_279 : memref<10000x128xf32, #tpu.memory_space<vmem_shared>>) offsets(%arg16 : memref<128xi32, #tpu.memory_space<vmem>>) semaphore(%run_scoped3A : memref<!tpu.dma_semaphore, #tpu.memory_space<semaphore_mem>>) {add = true}
          %dma_wait3A_280 = arith.constant 0 : i32
          %dma_wait3A_281 = arith.constant 0 : i32
          %dma_wait3A_282 = tpu.memref_slice %arg21[%dma_wait3A_280, %dma_wait3A_281] : memref<10000x128xf32, #tpu.memory_space<vmem_shared>> -> memref<10000x128xf32, #tpu.memory_space<vmem_shared>>
          tpu.wait_indirect_dma semaphore(%run_scoped3A : memref<!tpu.dma_semaphore, #tpu.memory_space<semaphore_mem>>) src(%arg19 : memref<128x128xf32, #tpu.memory_space<vmem>>) dst(%dma_wait3A_282 : memref<10000x128xf32, #tpu.memory_space<vmem_shared>>)
          tpu.yield
        }) : () -> ()
      } else {
      }
      %add3A_217 = arith.constant 6 : i32
      %add3A_218 = arith.addi %add3A_208, %add3A_217 : i32
      %mul3A_219 = arith.constant 32 : i32
      %mul3A_220 = arith.muli %mul3A_219, %add3A_218 : i32
      %add3A_221 = arith.addi %add3A, %mul3A_220 : i32
      %lt3A_222 = arith.constant 2500 : i32
      %lt3A_223 = arith.cmpi slt, %add3A_221, %lt3A_222 : i32
      %convert_element_type3A_224 = arith.extui %lt3A_223 : i1 to i32
      %cond3A_225 = arith.constant 0 : i32
      %cond3A_226 = arith.cmpi ne, %convert_element_type3A_224, %cond3A_225 : i32
      scf.if %cond3A_226 {
        %mul3A_267 = arith.constant 32 : i32
        %mul3A_268 = arith.muli %mul3A_267, %add3A_218 : i32
        %add3A_269 = arith.addi %add3A, %mul3A_268 : i32
        %mul3A_270 = arith.constant 128 : i32
        %mul3A_271 = arith.muli %add3A_269, %mul3A_270 : i32
        %dma_start3A = tpu.memref_slice %arg3[%mul3A_271] : memref<640000xi32, #tpu.memory_space<hbm>> -> memref<128xi32, #tpu.memory_space<hbm>>
        %dma_start3A_272 = tpu.memref_slice %arg3[%mul3A_271] : memref<640000xi32, #tpu.memory_space<hbm>> -> memref<128xi32, #tpu.memory_space<hbm>>
        tpu.enqueue_dma source(%dma_start3A_272 : memref<128xi32, #tpu.memory_space<hbm>>) target(%arg10 : memref<128xi32, #tpu.memory_space<vmem>>) target_semaphore(%arg29 : memref<!tpu.dma_semaphore, #tpu.memory_space<semaphore_mem>>)
        %add3A_273 = arith.constant 320000 : i32
        %add3A_274 = arith.addi %add3A_273, %mul3A_271 : i32
        %dma_start3A_275 = tpu.memref_slice %arg3[%add3A_274] : memref<640000xi32, #tpu.memory_space<hbm>> -> memref<128xi32, #tpu.memory_space<hbm>>
        %dma_start3A_276 = tpu.memref_slice %arg3[%add3A_274] : memref<640000xi32, #tpu.memory_space<hbm>> -> memref<128xi32, #tpu.memory_space<hbm>>
        tpu.enqueue_dma source(%dma_start3A_276 : memref<128xi32, #tpu.memory_space<hbm>>) target(%arg16 : memref<128xi32, #tpu.memory_space<vmem>>) target_semaphore(%arg35 : memref<!tpu.dma_semaphore, #tpu.memory_space<semaphore_mem>>)
      } else {
      }
      %add3A_227 = arith.constant 3 : i32
      %add3A_228 = arith.addi %add3A_208, %add3A_227 : i32
      %mul3A_229 = arith.constant 32 : i32
      %mul3A_230 = arith.muli %mul3A_229, %add3A_228 : i32
      %add3A_231 = arith.addi %add3A, %mul3A_230 : i32
      %lt3A_232 = arith.constant 2500 : i32
      %lt3A_233 = arith.cmpi slt, %add3A_231, %lt3A_232 : i32
      %convert_element_type3A_234 = arith.extui %lt3A_233 : i1 to i32
      %cond3A_235 = arith.constant 0 : i32
      %cond3A_236 = arith.cmpi ne, %convert_element_type3A_234, %cond3A_235 : i32
      scf.if %cond3A_236 {
        %mul3A_267 = arith.constant 32 : i32
        %mul3A_268 = arith.muli %mul3A_267, %add3A_228 : i32
        %add3A_269 = arith.addi %add3A, %mul3A_268 : i32
        %mul3A_270 = arith.constant 128 : i32
        %mul3A_271 = arith.muli %add3A_269, %mul3A_270 : i32
        %dma_wait3A = tpu.memref_slice %arg3[%mul3A_271] : memref<640000xi32, #tpu.memory_space<hbm>> -> memref<128xi32, #tpu.memory_space<hbm>>
        %dma_wait3A_272 = tpu.memref_slice %arg3[%mul3A_271] : memref<640000xi32, #tpu.memory_space<hbm>> -> memref<128xi32, #tpu.memory_space<hbm>>
        tpu.wait_dma2 semaphore(%arg26 : memref<!tpu.dma_semaphore, #tpu.memory_space<semaphore_mem>>) src(%dma_wait3A_272 : memref<128xi32, #tpu.memory_space<hbm>>) dst(%arg7 : memref<128xi32, #tpu.memory_space<vmem>>)
        %dma_start3A = arith.constant 0 : i32
        %dma_start3A_273 = arith.constant 0 : i32
        %dma_start3A_274 = tpu.memref_slice %arg2[%dma_start3A, %dma_start3A_273] : memref<10000x128xf32, #tpu.memory_space<hbm>> -> memref<10000x128xf32, #tpu.memory_space<hbm>>
        tpu.enqueue_indirect_dma source(%dma_start3A_274 : memref<10000x128xf32, #tpu.memory_space<hbm>>) target(%arg19 : memref<128x128xf32, #tpu.memory_space<vmem>>) offsets(%arg7 : memref<128xi32, #tpu.memory_space<vmem>>) semaphore(%arg23 : memref<!tpu.dma_semaphore, #tpu.memory_space<semaphore_mem>>)
      } else {
      }
      %add3A_237 = arith.constant 5 : i32
      %add3A_238 = arith.addi %add3A_86, %add3A_237 : i32
      %mul3A_239 = arith.constant 32 : i32
      %mul3A_240 = arith.muli %mul3A_239, %add3A_238 : i32
      %add3A_241 = arith.addi %add3A, %mul3A_240 : i32
      %lt3A_242 = arith.constant 2500 : i32
      %lt3A_243 = arith.cmpi slt, %add3A_241, %lt3A_242 : i32
      %convert_element_type3A_244 = arith.extui %lt3A_243 : i1 to i32
      %cond3A_245 = arith.constant 0 : i32
      %cond3A_246 = arith.cmpi ne, %convert_element_type3A_244, %cond3A_245 : i32
      scf.if %cond3A_246 {
        %mul3A_267 = arith.constant 32 : i32
        %mul3A_268 = arith.muli %mul3A_267, %add3A_238 : i32
        %add3A_269 = arith.addi %add3A, %mul3A_268 : i32
        %mul3A_270 = arith.constant 128 : i32
        %mul3A_271 = arith.muli %add3A_269, %mul3A_270 : i32
        %dma_wait3A = arith.constant 0 : i32
        %dma_wait3A_272 = arith.constant 0 : i32
        %dma_wait3A_273 = tpu.memref_slice %arg2[%dma_wait3A, %dma_wait3A_272] : memref<10000x128xf32, #tpu.memory_space<hbm>> -> memref<10000x128xf32, #tpu.memory_space<hbm>>
        tpu.wait_indirect_dma semaphore(%arg24 : memref<!tpu.dma_semaphore, #tpu.memory_space<semaphore_mem>>) src(%dma_wait3A_273 : memref<10000x128xf32, #tpu.memory_space<hbm>>) dst(%arg20 : memref<128x128xf32, #tpu.memory_space<vmem>>)
        %add3A_274 = arith.constant 320000 : i32
        %add3A_275 = arith.addi %add3A_274, %mul3A_271 : i32
        %dma_wait3A_276 = tpu.memref_slice %arg3[%add3A_275] : memref<640000xi32, #tpu.memory_space<hbm>> -> memref<128xi32, #tpu.memory_space<hbm>>
        %dma_wait3A_277 = tpu.memref_slice %arg3[%add3A_275] : memref<640000xi32, #tpu.memory_space<hbm>> -> memref<128xi32, #tpu.memory_space<hbm>>
        tpu.wait_dma2 semaphore(%arg36 : memref<!tpu.dma_semaphore, #tpu.memory_space<semaphore_mem>>) src(%dma_wait3A_277 : memref<128xi32, #tpu.memory_space<hbm>>) dst(%arg17 : memref<128xi32, #tpu.memory_space<vmem>>)
        "tpu.region"() ({
          %run_scoped3A = tpu.sem_alloc : memref<!tpu.dma_semaphore, #tpu.memory_space<semaphore_mem>>
          %dma_start3A = arith.constant 0 : i32
          %dma_start3A_278 = arith.constant 0 : i32
          %dma_start3A_279 = tpu.memref_slice %arg21[%dma_start3A, %dma_start3A_278] : memref<10000x128xf32, #tpu.memory_space<vmem_shared>> -> memref<10000x128xf32, #tpu.memory_space<vmem_shared>>
          tpu.enqueue_indirect_dma source(%arg20 : memref<128x128xf32, #tpu.memory_space<vmem>>) target(%dma_start3A_279 : memref<10000x128xf32, #tpu.memory_space<vmem_shared>>) offsets(%arg17 : memref<128xi32, #tpu.memory_space<vmem>>) semaphore(%run_scoped3A : memref<!tpu.dma_semaphore, #tpu.memory_space<semaphore_mem>>) {add = true}
          %dma_wait3A_280 = arith.constant 0 : i32
          %dma_wait3A_281 = arith.constant 0 : i32
          %dma_wait3A_282 = tpu.memref_slice %arg21[%dma_wait3A_280, %dma_wait3A_281] : memref<10000x128xf32, #tpu.memory_space<vmem_shared>> -> memref<10000x128xf32, #tpu.memory_space<vmem_shared>>
          tpu.wait_indirect_dma semaphore(%run_scoped3A : memref<!tpu.dma_semaphore, #tpu.memory_space<semaphore_mem>>) src(%arg20 : memref<128x128xf32, #tpu.memory_space<vmem>>) dst(%dma_wait3A_282 : memref<10000x128xf32, #tpu.memory_space<vmem_shared>>)
          tpu.yield
        }) : () -> ()
      } else {
      }
      %add3A_247 = arith.constant 6 : i32
      %add3A_248 = arith.addi %add3A_238, %add3A_247 : i32
      %mul3A_249 = arith.constant 32 : i32
      %mul3A_250 = arith.muli %mul3A_249, %add3A_248 : i32
      %add3A_251 = arith.addi %add3A, %mul3A_250 : i32
      %lt3A_252 = arith.constant 2500 : i32
      %lt3A_253 = arith.cmpi slt, %add3A_251, %lt3A_252 : i32
      %convert_element_type3A_254 = arith.extui %lt3A_253 : i1 to i32
      %cond3A_255 = arith.constant 0 : i32
      %cond3A_256 = arith.cmpi ne, %convert_element_type3A_254, %cond3A_255 : i32
      scf.if %cond3A_256 {
        %mul3A_267 = arith.constant 32 : i32
        %mul3A_268 = arith.muli %mul3A_267, %add3A_248 : i32
        %add3A_269 = arith.addi %add3A, %mul3A_268 : i32
        %mul3A_270 = arith.constant 128 : i32
        %mul3A_271 = arith.muli %add3A_269, %mul3A_270 : i32
        %dma_start3A = tpu.memref_slice %arg3[%mul3A_271] : memref<640000xi32, #tpu.memory_space<hbm>> -> memref<128xi32, #tpu.memory_space<hbm>>
        %dma_start3A_272 = tpu.memref_slice %arg3[%mul3A_271] : memref<640000xi32, #tpu.memory_space<hbm>> -> memref<128xi32, #tpu.memory_space<hbm>>
        tpu.enqueue_dma source(%dma_start3A_272 : memref<128xi32, #tpu.memory_space<hbm>>) target(%arg11 : memref<128xi32, #tpu.memory_space<vmem>>) target_semaphore(%arg30 : memref<!tpu.dma_semaphore, #tpu.memory_space<semaphore_mem>>)
        %add3A_273 = arith.constant 320000 : i32
        %add3A_274 = arith.addi %add3A_273, %mul3A_271 : i32
        %dma_start3A_275 = tpu.memref_slice %arg3[%add3A_274] : memref<640000xi32, #tpu.memory_space<hbm>> -> memref<128xi32, #tpu.memory_space<hbm>>
        %dma_start3A_276 = tpu.memref_slice %arg3[%add3A_274] : memref<640000xi32, #tpu.memory_space<hbm>> -> memref<128xi32, #tpu.memory_space<hbm>>
        tpu.enqueue_dma source(%dma_start3A_276 : memref<128xi32, #tpu.memory_space<hbm>>) target(%arg17 : memref<128xi32, #tpu.memory_space<vmem>>) target_semaphore(%arg36 : memref<!tpu.dma_semaphore, #tpu.memory_space<semaphore_mem>>)
      } else {
      }
      %add3A_257 = arith.constant 3 : i32
      %add3A_258 = arith.addi %add3A_238, %add3A_257 : i32
      %mul3A_259 = arith.constant 32 : i32
      %mul3A_260 = arith.muli %mul3A_259, %add3A_258 : i32
      %add3A_261 = arith.addi %add3A, %mul3A_260 : i32
      %lt3A_262 = arith.constant 2500 : i32
      %lt3A_263 = arith.cmpi slt, %add3A_261, %lt3A_262 : i32
      %convert_element_type3A_264 = arith.extui %lt3A_263 : i1 to i32
      %cond3A_265 = arith.constant 0 : i32
      %cond3A_266 = arith.cmpi ne, %convert_element_type3A_264, %cond3A_265 : i32
      scf.if %cond3A_266 {
        %mul3A_267 = arith.constant 32 : i32
        %mul3A_268 = arith.muli %mul3A_267, %add3A_258 : i32
        %add3A_269 = arith.addi %add3A, %mul3A_268 : i32
        %mul3A_270 = arith.constant 128 : i32
        %mul3A_271 = arith.muli %add3A_269, %mul3A_270 : i32
        %dma_wait3A = tpu.memref_slice %arg3[%mul3A_271] : memref<640000xi32, #tpu.memory_space<hbm>> -> memref<128xi32, #tpu.memory_space<hbm>>
        %dma_wait3A_272 = tpu.memref_slice %arg3[%mul3A_271] : memref<640000xi32, #tpu.memory_space<hbm>> -> memref<128xi32, #tpu.memory_space<hbm>>
        tpu.wait_dma2 semaphore(%arg27 : memref<!tpu.dma_semaphore, #tpu.memory_space<semaphore_mem>>) src(%dma_wait3A_272 : memref<128xi32, #tpu.memory_space<hbm>>) dst(%arg8 : memref<128xi32, #tpu.memory_space<vmem>>)
        %dma_start3A = arith.constant 0 : i32
        %dma_start3A_273 = arith.constant 0 : i32
        %dma_start3A_274 = tpu.memref_slice %arg2[%dma_start3A, %dma_start3A_273] : memref<10000x128xf32, #tpu.memory_space<hbm>> -> memref<10000x128xf32, #tpu.memory_space<hbm>>
        tpu.enqueue_indirect_dma source(%dma_start3A_274 : memref<10000x128xf32, #tpu.memory_space<hbm>>) target(%arg20 : memref<128x128xf32, #tpu.memory_space<vmem>>) offsets(%arg8 : memref<128xi32, #tpu.memory_space<vmem>>) semaphore(%arg24 : memref<!tpu.dma_semaphore, #tpu.memory_space<semaphore_mem>>)
      } else {
      }
    }
    %scan3A_75 = arith.constant 14 : i32
    %barrier3A_76 = arith.constant 0 : index
    tpu.barrier barrier_id(%barrier3A_76)
    "tpu.region"() ({
      %run_scoped3A = tpu.sem_alloc : memref<!tpu.dma_semaphore, #tpu.memory_space<semaphore_mem>>
      %dma_start3A = arith.constant 0 : i32
      %dma_start3A_82 = arith.constant 0 : i32
      %dma_start3A_83 = tpu.memref_slice %arg5[%arg0, %dma_start3A, %dma_start3A_82] : memref<2x10000x128xf32, #tpu.memory_space<hbm>> -> memref<1x10000x128xf32, #tpu.memory_space<hbm>>
      %dma_start3A_84 = tpu.memref_squeeze %dma_start3A_83 : memref<1x10000x128xf32, #tpu.memory_space<hbm>> -> memref<10000x128xf32, #tpu.memory_space<hbm>>
      %dma_start3A_85 = arith.constant 0 : i32
      %dma_start3A_86 = tpu.memref_slice %dma_start3A_84[%mul3A_41, %dma_start3A_85] : memref<10000x128xf32, #tpu.memory_space<hbm>> -> memref<624x128xf32, #tpu.memory_space<hbm>>
      %dma_start3A_87 = arith.constant 0 : i32
      %dma_start3A_88 = tpu.memref_slice %arg21[%mul3A_41, %dma_start3A_87] : memref<10000x128xf32, #tpu.memory_space<vmem_shared>> -> memref<624x128xf32, #tpu.memory_space<vmem_shared>>
      tpu.enqueue_dma source(%dma_start3A_88 : memref<624x128xf32, #tpu.memory_space<vmem_shared>>) target(%dma_start3A_86 : memref<624x128xf32, #tpu.memory_space<hbm>>) target_semaphore(%run_scoped3A : memref<!tpu.dma_semaphore, #tpu.memory_space<semaphore_mem>>)
      %dma_wait3A = arith.constant 0 : i32
      %dma_wait3A_89 = arith.constant 0 : i32
      %dma_wait3A_90 = tpu.memref_slice %arg5[%arg0, %dma_wait3A, %dma_wait3A_89] : memref<2x10000x128xf32, #tpu.memory_space<hbm>> -> memref<1x10000x128xf32, #tpu.memory_space<hbm>>
      %dma_wait3A_91 = tpu.memref_squeeze %dma_wait3A_90 : memref<1x10000x128xf32, #tpu.memory_space<hbm>> -> memref<10000x128xf32, #tpu.memory_space<hbm>>
      %dma_wait3A_92 = arith.constant 0 : i32
      %dma_wait3A_93 = tpu.memref_slice %dma_wait3A_91[%mul3A_41, %dma_wait3A_92] : memref<10000x128xf32, #tpu.memory_space<hbm>> -> memref<624x128xf32, #tpu.memory_space<hbm>>
      %dma_wait3A_94 = arith.constant 0 : i32
      %dma_wait3A_95 = tpu.memref_slice %arg21[%mul3A_41, %dma_wait3A_94] : memref<10000x128xf32, #tpu.memory_space<vmem_shared>> -> memref<624x128xf32, #tpu.memory_space<vmem_shared>>
      tpu.wait_dma2 semaphore(%run_scoped3A : memref<!tpu.dma_semaphore, #tpu.memory_space<semaphore_mem>>) src(%dma_wait3A_95 : memref<624x128xf32, #tpu.memory_space<vmem_shared>>) dst(%dma_wait3A_93 : memref<624x128xf32, #tpu.memory_space<hbm>>)
      tpu.yield
    }) : () -> ()
    %lt3A_77 = arith.constant 2 : i32
    %lt3A_78 = arith.cmpi slt, %arg1, %lt3A_77 : i32
    %convert_element_type3A_79 = arith.extui %lt3A_78 : i1 to i32
    %cond3A_80 = arith.constant 0 : i32
    %cond3A_81 = arith.cmpi ne, %convert_element_type3A_79, %cond3A_80 : i32
    scf.if %cond3A_81 {
      "tpu.region"() ({
        %run_scoped3A = tpu.sem_alloc : memref<!tpu.dma_semaphore, #tpu.memory_space<semaphore_mem>>
        %dma_start3A = arith.constant 0 : i32
        %dma_start3A_82 = arith.constant 0 : i32
        %dma_start3A_83 = tpu.memref_slice %arg5[%arg0, %dma_start3A, %dma_start3A_82] : memref<2x10000x128xf32, #tpu.memory_space<hbm>> -> memref<1x10000x128xf32, #tpu.memory_space<hbm>>
        %dma_start3A_84 = tpu.memref_squeeze %dma_start3A_83 : memref<1x10000x128xf32, #tpu.memory_space<hbm>> -> memref<10000x128xf32, #tpu.memory_space<hbm>>
        %dma_start3A_85 = arith.constant 0 : i32
        %dma_start3A_86 = tpu.memref_slice %dma_start3A_84[%add3A_45, %dma_start3A_85] : memref<10000x128xf32, #tpu.memory_space<hbm>> -> memref<8x128xf32, #tpu.memory_space<hbm>>
        %dma_start3A_87 = arith.constant 0 : i32
        %dma_start3A_88 = tpu.memref_slice %arg21[%add3A_45, %dma_start3A_87] : memref<10000x128xf32, #tpu.memory_space<vmem_shared>> -> memref<8x128xf32, #tpu.memory_space<vmem_shared>>
        tpu.enqueue_dma source(%dma_start3A_88 : memref<8x128xf32, #tpu.memory_space<vmem_shared>>) target(%dma_start3A_86 : memref<8x128xf32, #tpu.memory_space<hbm>>) target_semaphore(%run_scoped3A : memref<!tpu.dma_semaphore, #tpu.memory_space<semaphore_mem>>)
        %dma_wait3A = arith.constant 0 : i32
        %dma_wait3A_89 = arith.constant 0 : i32
        %dma_wait3A_90 = tpu.memref_slice %arg5[%arg0, %dma_wait3A, %dma_wait3A_89] : memref<2x10000x128xf32, #tpu.memory_space<hbm>> -> memref<1x10000x128xf32, #tpu.memory_space<hbm>>
        %dma_wait3A_91 = tpu.memref_squeeze %dma_wait3A_90 : memref<1x10000x128xf32, #tpu.memory_space<hbm>> -> memref<10000x128xf32, #tpu.memory_space<hbm>>
        %dma_wait3A_92 = arith.constant 0 : i32
        %dma_wait3A_93 = tpu.memref_slice %dma_wait3A_91[%add3A_45, %dma_wait3A_92] : memref<10000x128xf32, #tpu.memory_space<hbm>> -> memref<8x128xf32, #tpu.memory_space<hbm>>
        %dma_wait3A_94 = arith.constant 0 : i32
        %dma_wait3A_95 = tpu.memref_slice %arg21[%add3A_45, %dma_wait3A_94] : memref<10000x128xf32, #tpu.memory_space<vmem_shared>> -> memref<8x128xf32, #tpu.memory_space<vmem_shared>>
        tpu.wait_dma2 semaphore(%run_scoped3A : memref<!tpu.dma_semaphore, #tpu.memory_space<semaphore_mem>>) src(%dma_wait3A_95 : memref<8x128xf32, #tpu.memory_space<vmem_shared>>) dst(%dma_wait3A_93 : memref<8x128xf32, #tpu.memory_space<hbm>>)
        tpu.yield
      }) : () -> ()
    } else {
    }
    return
  }
}

#map = affine_map<(d0, d1) -> (0, 0)>
#map1 = affine_map<(d0, d1) -> (0)>
#map2 = affine_map<(d0, d1) -> (0, 0, 0)>
module attributes {stable_mosaic.version = 14 : i64} {
  func.func @agg_kernel(%arg0: i32, %arg1: i32, %arg2: memref<10000x128xf32, #tpu.memory_space<hbm>>, %arg3: memref<640000xi32, #tpu.memory_space<hbm>>, %arg4: memref<10000x128xf32, #tpu.memory_space<hbm>>, %arg5: memref<2x10000x128xf32, #tpu.memory_space<hbm>>, %arg6: memref<128xi32, #tpu.memory_space<vmem>>, %arg7: memref<128xi32, #tpu.memory_space<vmem>>, %arg8: memref<128xi32, #tpu.memory_space<vmem>>, %arg9: memref<128xi32, #tpu.memory_space<vmem>>, %arg10: memref<128xi32, #tpu.memory_space<vmem>>, %arg11: memref<128xi32, #tpu.memory_space<vmem>>, %arg12: memref<128xi32, #tpu.memory_space<vmem>>, %arg13: memref<128xi32, #tpu.memory_space<vmem>>, %arg14: memref<128xi32, #tpu.memory_space<vmem>>, %arg15: memref<128xi32, #tpu.memory_space<vmem>>, %arg16: memref<128xi32, #tpu.memory_space<vmem>>, %arg17: memref<128xi32, #tpu.memory_space<vmem>>, %arg18: memref<128x128xf32, #tpu.memory_space<vmem>>, %arg19: memref<128x128xf32, #tpu.memory_space<vmem>>, %arg20: memref<128x128xf32, #tpu.memory_space<vmem>>, %arg21: memref<10000x128xf32, #tpu.memory_space<vmem_shared>>, %arg22: memref<!tpu.dma_semaphore, #tpu.memory_space<semaphore_mem>>, %arg23: memref<!tpu.dma_semaphore, #tpu.memory_space<semaphore_mem>>, %arg24: memref<!tpu.dma_semaphore, #tpu.memory_space<semaphore_mem>>, %arg25: memref<!tpu.dma_semaphore, #tpu.memory_space<semaphore_mem>>, %arg26: memref<!tpu.dma_semaphore, #tpu.memory_space<semaphore_mem>>, %arg27: memref<!tpu.dma_semaphore, #tpu.memory_space<semaphore_mem>>, %arg28: memref<!tpu.dma_semaphore, #tpu.memory_space<semaphore_mem>>, %arg29: memref<!tpu.dma_semaphore, #tpu.memory_space<semaphore_mem>>, %arg30: memref<!tpu.dma_semaphore, #tpu.memory_space<semaphore_mem>>, %arg31: memref<!tpu.dma_semaphore, #tpu.memory_space<semaphore_mem>>, %arg32: memref<!tpu.dma_semaphore, #tpu.memory_space<semaphore_mem>>, %arg33: memref<!tpu.dma_semaphore, #tpu.memory_space<semaphore_mem>>, %arg34: memref<!tpu.dma_semaphore, #tpu.memory_space<semaphore_mem>>, %arg35: memref<!tpu.dma_semaphore, #tpu.memory_space<semaphore_mem>>, %arg36: memref<!tpu.dma_semaphore, #tpu.memory_space<semaphore_mem>>) attributes {dimension_semantics = [#tpu.dimension_semantics<core_parallel>, #tpu.dimension_semantics<subcore_parallel>], iteration_bounds = array<i64: 2, 16>, scalar_prefetch = 0 : i64, scratch_operands = 31 : i64, tpu.core_type = #tpu.core_type<sc_vector_subcore>, window_params = [{transform_indices = #map}, {transform_indices = #map1}, {transform_indices = #map}, {transform_indices = #map2}]} {
    %mul3A = arith.constant 16 : i32
    %mul3A_0 = arith.muli %arg0, %mul3A : i32
    %add3A = arith.addi %mul3A_0, %arg1 : i32
    %add3A_1 = arith.constant 0 : i32
    %add3A_2 = arith.addi %add3A, %add3A_1 : i32
    %lt3A = arith.constant 2500 : i32
    %lt3A_3 = arith.cmpi slt, %add3A_2, %lt3A : i32
    %convert_element_type3A = arith.extui %lt3A_3 : i1 to i32
    %cond3A = arith.constant 0 : i32
    %cond3A_4 = arith.cmpi ne, %convert_element_type3A, %cond3A : i32
    scf.if %cond3A_4 {
      %add3A_82 = arith.constant 0 : i32
      %add3A_83 = arith.addi %add3A, %add3A_82 : i32
      %mul3A_84 = arith.constant 128 : i32
      %mul3A_85 = arith.muli %add3A_83, %mul3A_84 : i32
      %dma_start3A = tpu.memref_slice %arg3[%mul3A_85] : memref<640000xi32, #tpu.memory_space<hbm>> -> memref<128xi32, #tpu.memory_space<hbm>>
      %dma_start3A_86 = tpu.memref_slice %arg3[%mul3A_85] : memref<640000xi32, #tpu.memory_space<hbm>> -> memref<128xi32, #tpu.memory_space<hbm>>
      tpu.enqueue_dma source(%dma_start3A_86 : memref<128xi32, #tpu.memory_space<hbm>>) target(%arg6 : memref<128xi32, #tpu.memory_space<vmem>>) target_semaphore(%arg25 : memref<!tpu.dma_semaphore, #tpu.memory_space<semaphore_mem>>)
      %add3A_87 = arith.constant 320000 : i32
      %add3A_88 = arith.addi %add3A_87, %mul3A_85 : i32
      %dma_start3A_89 = tpu.memref_slice %arg3[%add3A_88] : memref<640000xi32, #tpu.memory_space<hbm>> -> memref<128xi32, #tpu.memory_space<hbm>>
      %dma_start3A_90 = tpu.memref_slice %arg3[%add3A_88] : memref<640000xi32, #tpu.memory_space<hbm>> -> memref<128xi32, #tpu.memory_space<hbm>>
      tpu.enqueue_dma source(%dma_start3A_90 : memref<128xi32, #tpu.memory_space<hbm>>) target(%arg12 : memref<128xi32, #tpu.memory_space<vmem>>) target_semaphore(%arg31 : memref<!tpu.dma_semaphore, #tpu.memory_space<semaphore_mem>>)
    } else {
    }
    %add3A_5 = arith.constant 32 : i32
    %add3A_6 = arith.addi %add3A, %add3A_5 : i32
    %lt3A_7 = arith.constant 2500 : i32
    %lt3A_8 = arith.cmpi slt, %add3A_6, %lt3A_7 : i32
    %convert_element_type3A_9 = arith.extui %lt3A_8 : i1 to i32
    %cond3A_10 = arith.constant 0 : i32
    %cond3A_11 = arith.cmpi ne, %convert_element_type3A_9, %cond3A_10 : i32
    scf.if %cond3A_11 {
      %add3A_82 = arith.constant 32 : i32
      %add3A_83 = arith.addi %add3A, %add3A_82 : i32
      %mul3A_84 = arith.constant 128 : i32
      %mul3A_85 = arith.muli %add3A_83, %mul3A_84 : i32
      %dma_start3A = tpu.memref_slice %arg3[%mul3A_85] : memref<640000xi32, #tpu.memory_space<hbm>> -> memref<128xi32, #tpu.memory_space<hbm>>
      %dma_start3A_86 = tpu.memref_slice %arg3[%mul3A_85] : memref<640000xi32, #tpu.memory_space<hbm>> -> memref<128xi32, #tpu.memory_space<hbm>>
      tpu.enqueue_dma source(%dma_start3A_86 : memref<128xi32, #tpu.memory_space<hbm>>) target(%arg7 : memref<128xi32, #tpu.memory_space<vmem>>) target_semaphore(%arg26 : memref<!tpu.dma_semaphore, #tpu.memory_space<semaphore_mem>>)
      %add3A_87 = arith.constant 320000 : i32
      %add3A_88 = arith.addi %add3A_87, %mul3A_85 : i32
      %dma_start3A_89 = tpu.memref_slice %arg3[%add3A_88] : memref<640000xi32, #tpu.memory_space<hbm>> -> memref<128xi32, #tpu.memory_space<hbm>>
      %dma_start3A_90 = tpu.memref_slice %arg3[%add3A_88] : memref<640000xi32, #tpu.memory_space<hbm>> -> memref<128xi32, #tpu.memory_space<hbm>>
      tpu.enqueue_dma source(%dma_start3A_90 : memref<128xi32, #tpu.memory_space<hbm>>) target(%arg13 : memref<128xi32, #tpu.memory_space<vmem>>) target_semaphore(%arg32 : memref<!tpu.dma_semaphore, #tpu.memory_space<semaphore_mem>>)
    } else {
    }
    %add3A_12 = arith.constant 64 : i32
    %add3A_13 = arith.addi %add3A, %add3A_12 : i32
    %lt3A_14 = arith.constant 2500 : i32
    %lt3A_15 = arith.cmpi slt, %add3A_13, %lt3A_14 : i32
    %convert_element_type3A_16 = arith.extui %lt3A_15 : i1 to i32
    %cond3A_17 = arith.constant 0 : i32
    %cond3A_18 = arith.cmpi ne, %convert_element_type3A_16, %cond3A_17 : i32
    scf.if %cond3A_18 {
      %add3A_82 = arith.constant 64 : i32
      %add3A_83 = arith.addi %add3A, %add3A_82 : i32
      %mul3A_84 = arith.constant 128 : i32
      %mul3A_85 = arith.muli %add3A_83, %mul3A_84 : i32
      %dma_start3A = tpu.memref_slice %arg3[%mul3A_85] : memref<640000xi32, #tpu.memory_space<hbm>> -> memref<128xi32, #tpu.memory_space<hbm>>
      %dma_start3A_86 = tpu.memref_slice %arg3[%mul3A_85] : memref<640000xi32, #tpu.memory_space<hbm>> -> memref<128xi32, #tpu.memory_space<hbm>>
      tpu.enqueue_dma source(%dma_start3A_86 : memref<128xi32, #tpu.memory_space<hbm>>) target(%arg8 : memref<128xi32, #tpu.memory_space<vmem>>) target_semaphore(%arg27 : memref<!tpu.dma_semaphore, #tpu.memory_space<semaphore_mem>>)
      %add3A_87 = arith.constant 320000 : i32
      %add3A_88 = arith.addi %add3A_87, %mul3A_85 : i32
      %dma_start3A_89 = tpu.memref_slice %arg3[%add3A_88] : memref<640000xi32, #tpu.memory_space<hbm>> -> memref<128xi32, #tpu.memory_space<hbm>>
      %dma_start3A_90 = tpu.memref_slice %arg3[%add3A_88] : memref<640000xi32, #tpu.memory_space<hbm>> -> memref<128xi32, #tpu.memory_space<hbm>>
      tpu.enqueue_dma source(%dma_start3A_90 : memref<128xi32, #tpu.memory_space<hbm>>) target(%arg14 : memref<128xi32, #tpu.memory_space<vmem>>) target_semaphore(%arg33 : memref<!tpu.dma_semaphore, #tpu.memory_space<semaphore_mem>>)
    } else {
    }
    %add3A_19 = arith.constant 96 : i32
    %add3A_20 = arith.addi %add3A, %add3A_19 : i32
    %lt3A_21 = arith.constant 2500 : i32
    %lt3A_22 = arith.cmpi slt, %add3A_20, %lt3A_21 : i32
    %convert_element_type3A_23 = arith.extui %lt3A_22 : i1 to i32
    %cond3A_24 = arith.constant 0 : i32
    %cond3A_25 = arith.cmpi ne, %convert_element_type3A_23, %cond3A_24 : i32
    scf.if %cond3A_25 {
      %add3A_82 = arith.constant 96 : i32
      %add3A_83 = arith.addi %add3A, %add3A_82 : i32
      %mul3A_84 = arith.constant 128 : i32
      %mul3A_85 = arith.muli %add3A_83, %mul3A_84 : i32
      %dma_start3A = tpu.memref_slice %arg3[%mul3A_85] : memref<640000xi32, #tpu.memory_space<hbm>> -> memref<128xi32, #tpu.memory_space<hbm>>
      %dma_start3A_86 = tpu.memref_slice %arg3[%mul3A_85] : memref<640000xi32, #tpu.memory_space<hbm>> -> memref<128xi32, #tpu.memory_space<hbm>>
      tpu.enqueue_dma source(%dma_start3A_86 : memref<128xi32, #tpu.memory_space<hbm>>) target(%arg9 : memref<128xi32, #tpu.memory_space<vmem>>) target_semaphore(%arg28 : memref<!tpu.dma_semaphore, #tpu.memory_space<semaphore_mem>>)
      %add3A_87 = arith.constant 320000 : i32
      %add3A_88 = arith.addi %add3A_87, %mul3A_85 : i32
      %dma_start3A_89 = tpu.memref_slice %arg3[%add3A_88] : memref<640000xi32, #tpu.memory_space<hbm>> -> memref<128xi32, #tpu.memory_space<hbm>>
      %dma_start3A_90 = tpu.memref_slice %arg3[%add3A_88] : memref<640000xi32, #tpu.memory_space<hbm>> -> memref<128xi32, #tpu.memory_space<hbm>>
      tpu.enqueue_dma source(%dma_start3A_90 : memref<128xi32, #tpu.memory_space<hbm>>) target(%arg15 : memref<128xi32, #tpu.memory_space<vmem>>) target_semaphore(%arg34 : memref<!tpu.dma_semaphore, #tpu.memory_space<semaphore_mem>>)
    } else {
    }
    %add3A_26 = arith.constant 128 : i32
    %add3A_27 = arith.addi %add3A, %add3A_26 : i32
    %lt3A_28 = arith.constant 2500 : i32
    %lt3A_29 = arith.cmpi slt, %add3A_27, %lt3A_28 : i32
    %convert_element_type3A_30 = arith.extui %lt3A_29 : i1 to i32
    %cond3A_31 = arith.constant 0 : i32
    %cond3A_32 = arith.cmpi ne, %convert_element_type3A_30, %cond3A_31 : i32
    scf.if %cond3A_32 {
      %add3A_82 = arith.constant 128 : i32
      %add3A_83 = arith.addi %add3A, %add3A_82 : i32
      %mul3A_84 = arith.constant 128 : i32
      %mul3A_85 = arith.muli %add3A_83, %mul3A_84 : i32
      %dma_start3A = tpu.memref_slice %arg3[%mul3A_85] : memref<640000xi32, #tpu.memory_space<hbm>> -> memref<128xi32, #tpu.memory_space<hbm>>
      %dma_start3A_86 = tpu.memref_slice %arg3[%mul3A_85] : memref<640000xi32, #tpu.memory_space<hbm>> -> memref<128xi32, #tpu.memory_space<hbm>>
      tpu.enqueue_dma source(%dma_start3A_86 : memref<128xi32, #tpu.memory_space<hbm>>) target(%arg10 : memref<128xi32, #tpu.memory_space<vmem>>) target_semaphore(%arg29 : memref<!tpu.dma_semaphore, #tpu.memory_space<semaphore_mem>>)
      %add3A_87 = arith.constant 320000 : i32
      %add3A_88 = arith.addi %add3A_87, %mul3A_85 : i32
      %dma_start3A_89 = tpu.memref_slice %arg3[%add3A_88] : memref<640000xi32, #tpu.memory_space<hbm>> -> memref<128xi32, #tpu.memory_space<hbm>>
      %dma_start3A_90 = tpu.memref_slice %arg3[%add3A_88] : memref<640000xi32, #tpu.memory_space<hbm>> -> memref<128xi32, #tpu.memory_space<hbm>>
      tpu.enqueue_dma source(%dma_start3A_90 : memref<128xi32, #tpu.memory_space<hbm>>) target(%arg16 : memref<128xi32, #tpu.memory_space<vmem>>) target_semaphore(%arg35 : memref<!tpu.dma_semaphore, #tpu.memory_space<semaphore_mem>>)
    } else {
    }
    %add3A_33 = arith.constant 160 : i32
    %add3A_34 = arith.addi %add3A, %add3A_33 : i32
    %lt3A_35 = arith.constant 2500 : i32
    %lt3A_36 = arith.cmpi slt, %add3A_34, %lt3A_35 : i32
    %convert_element_type3A_37 = arith.extui %lt3A_36 : i1 to i32
    %cond3A_38 = arith.constant 0 : i32
    %cond3A_39 = arith.cmpi ne, %convert_element_type3A_37, %cond3A_38 : i32
    scf.if %cond3A_39 {
      %add3A_82 = arith.constant 160 : i32
      %add3A_83 = arith.addi %add3A, %add3A_82 : i32
      %mul3A_84 = arith.constant 128 : i32
      %mul3A_85 = arith.muli %add3A_83, %mul3A_84 : i32
      %dma_start3A = tpu.memref_slice %arg3[%mul3A_85] : memref<640000xi32, #tpu.memory_space<hbm>> -> memref<128xi32, #tpu.memory_space<hbm>>
      %dma_start3A_86 = tpu.memref_slice %arg3[%mul3A_85] : memref<640000xi32, #tpu.memory_space<hbm>> -> memref<128xi32, #tpu.memory_space<hbm>>
      tpu.enqueue_dma source(%dma_start3A_86 : memref<128xi32, #tpu.memory_space<hbm>>) target(%arg11 : memref<128xi32, #tpu.memory_space<vmem>>) target_semaphore(%arg30 : memref<!tpu.dma_semaphore, #tpu.memory_space<semaphore_mem>>)
      %add3A_87 = arith.constant 320000 : i32
      %add3A_88 = arith.addi %add3A_87, %mul3A_85 : i32
      %dma_start3A_89 = tpu.memref_slice %arg3[%add3A_88] : memref<640000xi32, #tpu.memory_space<hbm>> -> memref<128xi32, #tpu.memory_space<hbm>>
      %dma_start3A_90 = tpu.memref_slice %arg3[%add3A_88] : memref<640000xi32, #tpu.memory_space<hbm>> -> memref<128xi32, #tpu.memory_space<hbm>>
      tpu.enqueue_dma source(%dma_start3A_90 : memref<128xi32, #tpu.memory_space<hbm>>) target(%arg17 : memref<128xi32, #tpu.memory_space<vmem>>) target_semaphore(%arg36 : memref<!tpu.dma_semaphore, #tpu.memory_space<semaphore_mem>>)
    } else {
    }
    %mul3A_40 = arith.constant 624 : i32
    %mul3A_41 = arith.muli %arg1, %mul3A_40 : i32
    %mul3A_42 = arith.constant 8 : i32
    %mul3A_43 = arith.muli %arg1, %mul3A_42 : i32
    %add3A_44 = arith.constant 9984 : i32
    %add3A_45 = arith.addi %add3A_44, %mul3A_43 : i32
    "tpu.region"() ({
      %run_scoped3A = tpu.sem_alloc : memref<!tpu.dma_semaphore, #tpu.memory_space<semaphore_mem>>
      %dma_start3A = arith.constant 0 : i32
      %dma_start3A_82 = tpu.memref_slice %arg21[%mul3A_41, %dma_start3A] : memref<10000x128xf32, #tpu.memory_space<vmem_shared>> -> memref<624x128xf32, #tpu.memory_space<vmem_shared>>
      %dma_start3A_83 = arith.constant 0 : i32
      %dma_start3A_84 = tpu.memref_slice %arg4[%mul3A_41, %dma_start3A_83] : memref<10000x128xf32, #tpu.memory_space<hbm>> -> memref<624x128xf32, #tpu.memory_space<hbm>>
      tpu.enqueue_dma source(%dma_start3A_84 : memref<624x128xf32, #tpu.memory_space<hbm>>) target(%dma_start3A_82 : memref<624x128xf32, #tpu.memory_space<vmem_shared>>) target_semaphore(%run_scoped3A : memref<!tpu.dma_semaphore, #tpu.memory_space<semaphore_mem>>)
      %dma_wait3A = arith.constant 0 : i32
      %dma_wait3A_85 = tpu.memref_slice %arg21[%mul3A_41, %dma_wait3A] : memref<10000x128xf32, #tpu.memory_space<vmem_shared>> -> memref<624x128xf32, #tpu.memory_space<vmem_shared>>
      %dma_wait3A_86 = arith.constant 0 : i32
      %dma_wait3A_87 = tpu.memref_slice %arg4[%mul3A_41, %dma_wait3A_86] : memref<10000x128xf32, #tpu.memory_space<hbm>> -> memref<624x128xf32, #tpu.memory_space<hbm>>
      tpu.wait_dma2 semaphore(%run_scoped3A : memref<!tpu.dma_semaphore, #tpu.memory_space<semaphore_mem>>) src(%dma_wait3A_87 : memref<624x128xf32, #tpu.memory_space<hbm>>) dst(%dma_wait3A_85 : memref<624x128xf32, #tpu.memory_space<vmem_shared>>)
      tpu.yield
    }) : () -> ()
    %lt3A_46 = arith.constant 2 : i32
    %lt3A_47 = arith.cmpi slt, %arg1, %lt3A_46 : i32
    %convert_element_type3A_48 = arith.extui %lt3A_47 : i1 to i32
    %cond3A_49 = arith.constant 0 : i32
    %cond3A_50 = arith.cmpi ne, %convert_element_type3A_48, %cond3A_49 : i32
    scf.if %cond3A_50 {
      "tpu.region"() ({
        %run_scoped3A = tpu.sem_alloc : memref<!tpu.dma_semaphore, #tpu.memory_space<semaphore_mem>>
        %dma_start3A = arith.constant 0 : i32
        %dma_start3A_82 = tpu.memref_slice %arg21[%add3A_45, %dma_start3A] : memref<10000x128xf32, #tpu.memory_space<vmem_shared>> -> memref<8x128xf32, #tpu.memory_space<vmem_shared>>
        %dma_start3A_83 = arith.constant 0 : i32
        %dma_start3A_84 = tpu.memref_slice %arg4[%add3A_45, %dma_start3A_83] : memref<10000x128xf32, #tpu.memory_space<hbm>> -> memref<8x128xf32, #tpu.memory_space<hbm>>
        tpu.enqueue_dma source(%dma_start3A_84 : memref<8x128xf32, #tpu.memory_space<hbm>>) target(%dma_start3A_82 : memref<8x128xf32, #tpu.memory_space<vmem_shared>>) target_semaphore(%run_scoped3A : memref<!tpu.dma_semaphore, #tpu.memory_space<semaphore_mem>>)
        %dma_wait3A = arith.constant 0 : i32
        %dma_wait3A_85 = tpu.memref_slice %arg21[%add3A_45, %dma_wait3A] : memref<10000x128xf32, #tpu.memory_space<vmem_shared>> -> memref<8x128xf32, #tpu.memory_space<vmem_shared>>
        %dma_wait3A_86 = arith.constant 0 : i32
        %dma_wait3A_87 = tpu.memref_slice %arg4[%add3A_45, %dma_wait3A_86] : memref<10000x128xf32, #tpu.memory_space<hbm>> -> memref<8x128xf32, #tpu.memory_space<hbm>>
        tpu.wait_dma2 semaphore(%run_scoped3A : memref<!tpu.dma_semaphore, #tpu.memory_space<semaphore_mem>>) src(%dma_wait3A_87 : memref<8x128xf32, #tpu.memory_space<hbm>>) dst(%dma_wait3A_85 : memref<8x128xf32, #tpu.memory_space<vmem_shared>>)
        tpu.yield
      }) : () -> ()
    } else {
    }
    %barrier3A = arith.constant 0 : index
    tpu.barrier barrier_id(%barrier3A)
    %add3A_51 = arith.constant 0 : i32
    %add3A_52 = arith.addi %add3A, %add3A_51 : i32
    %lt3A_53 = arith.constant 2500 : i32
    %lt3A_54 = arith.cmpi slt, %add3A_52, %lt3A_53 : i32
    %convert_element_type3A_55 = arith.extui %lt3A_54 : i1 to i32
    %cond3A_56 = arith.constant 0 : i32
    %cond3A_57 = arith.cmpi ne, %convert_element_type3A_55, %cond3A_56 : i32
    scf.if %cond3A_57 {
      %add3A_82 = arith.constant 0 : i32
      %add3A_83 = arith.addi %add3A, %add3A_82 : i32
      %mul3A_84 = arith.constant 128 : i32
      %mul3A_85 = arith.muli %add3A_83, %mul3A_84 : i32
      %dma_wait3A = tpu.memref_slice %arg3[%mul3A_85] : memref<640000xi32, #tpu.memory_space<hbm>> -> memref<128xi32, #tpu.memory_space<hbm>>
      %dma_wait3A_86 = tpu.memref_slice %arg3[%mul3A_85] : memref<640000xi32, #tpu.memory_space<hbm>> -> memref<128xi32, #tpu.memory_space<hbm>>
      tpu.wait_dma2 semaphore(%arg25 : memref<!tpu.dma_semaphore, #tpu.memory_space<semaphore_mem>>) src(%dma_wait3A_86 : memref<128xi32, #tpu.memory_space<hbm>>) dst(%arg6 : memref<128xi32, #tpu.memory_space<vmem>>)
      %dma_start3A = arith.constant 0 : i32
      %dma_start3A_87 = arith.constant 0 : i32
      %dma_start3A_88 = tpu.memref_slice %arg2[%dma_start3A, %dma_start3A_87] : memref<10000x128xf32, #tpu.memory_space<hbm>> -> memref<10000x128xf32, #tpu.memory_space<hbm>>
      tpu.enqueue_indirect_dma source(%dma_start3A_88 : memref<10000x128xf32, #tpu.memory_space<hbm>>) target(%arg18 : memref<128x128xf32, #tpu.memory_space<vmem>>) offsets(%arg6 : memref<128xi32, #tpu.memory_space<vmem>>) semaphore(%arg22 : memref<!tpu.dma_semaphore, #tpu.memory_space<semaphore_mem>>)
    } else {
    }
    %add3A_58 = arith.constant 32 : i32
    %add3A_59 = arith.addi %add3A, %add3A_58 : i32
    %lt3A_60 = arith.constant 2500 : i32
    %lt3A_61 = arith.cmpi slt, %add3A_59, %lt3A_60 : i32
    %convert_element_type3A_62 = arith.extui %lt3A_61 : i1 to i32
    %cond3A_63 = arith.constant 0 : i32
    %cond3A_64 = arith.cmpi ne, %convert_element_type3A_62, %cond3A_63 : i32
    scf.if %cond3A_64 {
      %add3A_82 = arith.constant 32 : i32
      %add3A_83 = arith.addi %add3A, %add3A_82 : i32
      %mul3A_84 = arith.constant 128 : i32
      %mul3A_85 = arith.muli %add3A_83, %mul3A_84 : i32
      %dma_wait3A = tpu.memref_slice %arg3[%mul3A_85] : memref<640000xi32, #tpu.memory_space<hbm>> -> memref<128xi32, #tpu.memory_space<hbm>>
      %dma_wait3A_86 = tpu.memref_slice %arg3[%mul3A_85] : memref<640000xi32, #tpu.memory_space<hbm>> -> memref<128xi32, #tpu.memory_space<hbm>>
      tpu.wait_dma2 semaphore(%arg26 : memref<!tpu.dma_semaphore, #tpu.memory_space<semaphore_mem>>) src(%dma_wait3A_86 : memref<128xi32, #tpu.memory_space<hbm>>) dst(%arg7 : memref<128xi32, #tpu.memory_space<vmem>>)
      %dma_start3A = arith.constant 0 : i32
      %dma_start3A_87 = arith.constant 0 : i32
      %dma_start3A_88 = tpu.memref_slice %arg2[%dma_start3A, %dma_start3A_87] : memref<10000x128xf32, #tpu.memory_space<hbm>> -> memref<10000x128xf32, #tpu.memory_space<hbm>>
      tpu.enqueue_indirect_dma source(%dma_start3A_88 : memref<10000x128xf32, #tpu.memory_space<hbm>>) target(%arg19 : memref<128x128xf32, #tpu.memory_space<vmem>>) offsets(%arg7 : memref<128xi32, #tpu.memory_space<vmem>>) semaphore(%arg23 : memref<!tpu.dma_semaphore, #tpu.memory_space<semaphore_mem>>)
    } else {
    }
    %add3A_65 = arith.constant 64 : i32
    %add3A_66 = arith.addi %add3A, %add3A_65 : i32
    %lt3A_67 = arith.constant 2500 : i32
    %lt3A_68 = arith.cmpi slt, %add3A_66, %lt3A_67 : i32
    %convert_element_type3A_69 = arith.extui %lt3A_68 : i1 to i32
    %cond3A_70 = arith.constant 0 : i32
    %cond3A_71 = arith.cmpi ne, %convert_element_type3A_69, %cond3A_70 : i32
    scf.if %cond3A_71 {
      %add3A_82 = arith.constant 64 : i32
      %add3A_83 = arith.addi %add3A, %add3A_82 : i32
      %mul3A_84 = arith.constant 128 : i32
      %mul3A_85 = arith.muli %add3A_83, %mul3A_84 : i32
      %dma_wait3A = tpu.memref_slice %arg3[%mul3A_85] : memref<640000xi32, #tpu.memory_space<hbm>> -> memref<128xi32, #tpu.memory_space<hbm>>
      %dma_wait3A_86 = tpu.memref_slice %arg3[%mul3A_85] : memref<640000xi32, #tpu.memory_space<hbm>> -> memref<128xi32, #tpu.memory_space<hbm>>
      tpu.wait_dma2 semaphore(%arg27 : memref<!tpu.dma_semaphore, #tpu.memory_space<semaphore_mem>>) src(%dma_wait3A_86 : memref<128xi32, #tpu.memory_space<hbm>>) dst(%arg8 : memref<128xi32, #tpu.memory_space<vmem>>)
      %dma_start3A = arith.constant 0 : i32
      %dma_start3A_87 = arith.constant 0 : i32
      %dma_start3A_88 = tpu.memref_slice %arg2[%dma_start3A, %dma_start3A_87] : memref<10000x128xf32, #tpu.memory_space<hbm>> -> memref<10000x128xf32, #tpu.memory_space<hbm>>
      tpu.enqueue_indirect_dma source(%dma_start3A_88 : memref<10000x128xf32, #tpu.memory_space<hbm>>) target(%arg20 : memref<128x128xf32, #tpu.memory_space<vmem>>) offsets(%arg8 : memref<128xi32, #tpu.memory_space<vmem>>) semaphore(%arg24 : memref<!tpu.dma_semaphore, #tpu.memory_space<semaphore_mem>>)
    } else {
    }
    %scan3A = arith.constant 0 : i32
    %scan3A_72 = arith.constant 14 : i32
    %scan3A_73 = arith.addi %scan3A, %scan3A_72 : i32
    %scan3A_74 = arith.constant 1 : i32
    scf.for %scan3A_82 = %scan3A to %scan3A_73 step %scan3A_74  : i32 {
      %mul3A_83 = arith.constant 6 : i32
      %mul3A_84 = arith.muli %scan3A_82, %mul3A_83 : i32
      %add3A_85 = arith.constant 0 : i32
      %add3A_86 = arith.addi %add3A_85, %mul3A_84 : i32
      %add3A_87 = arith.constant 0 : i32
      %add3A_88 = arith.addi %add3A_86, %add3A_87 : i32
      %mul3A_89 = arith.constant 32 : i32
      %mul3A_90 = arith.muli %mul3A_89, %add3A_88 : i32
      %add3A_91 = arith.addi %add3A, %mul3A_90 : i32
      %lt3A_92 = arith.constant 2500 : i32
      %lt3A_93 = arith.cmpi slt, %add3A_91, %lt3A_92 : i32
      %convert_element_type3A_94 = arith.extui %lt3A_93 : i1 to i32
      %cond3A_95 = arith.constant 0 : i32
      %cond3A_96 = arith.cmpi ne, %convert_element_type3A_94, %cond3A_95 : i32
      scf.if %cond3A_96 {
        %mul3A_267 = arith.constant 32 : i32
        %mul3A_268 = arith.muli %mul3A_267, %add3A_88 : i32
        %add3A_269 = arith.addi %add3A, %mul3A_268 : i32
        %mul3A_270 = arith.constant 128 : i32
        %mul3A_271 = arith.muli %add3A_269, %mul3A_270 : i32
        %dma_wait3A = arith.constant 0 : i32
        %dma_wait3A_272 = arith.constant 0 : i32
        %dma_wait3A_273 = tpu.memref_slice %arg2[%dma_wait3A, %dma_wait3A_272] : memref<10000x128xf32, #tpu.memory_space<hbm>> -> memref<10000x128xf32, #tpu.memory_space<hbm>>
        tpu.wait_indirect_dma semaphore(%arg22 : memref<!tpu.dma_semaphore, #tpu.memory_space<semaphore_mem>>) src(%dma_wait3A_273 : memref<10000x128xf32, #tpu.memory_space<hbm>>) dst(%arg18 : memref<128x128xf32, #tpu.memory_space<vmem>>)
        %add3A_274 = arith.constant 320000 : i32
        %add3A_275 = arith.addi %add3A_274, %mul3A_271 : i32
        %dma_wait3A_276 = tpu.memref_slice %arg3[%add3A_275] : memref<640000xi32, #tpu.memory_space<hbm>> -> memref<128xi32, #tpu.memory_space<hbm>>
        %dma_wait3A_277 = tpu.memref_slice %arg3[%add3A_275] : memref<640000xi32, #tpu.memory_space<hbm>> -> memref<128xi32, #tpu.memory_space<hbm>>
        tpu.wait_dma2 semaphore(%arg31 : memref<!tpu.dma_semaphore, #tpu.memory_space<semaphore_mem>>) src(%dma_wait3A_277 : memref<128xi32, #tpu.memory_space<hbm>>) dst(%arg12 : memref<128xi32, #tpu.memory_space<vmem>>)
        "tpu.region"() ({
          %run_scoped3A = tpu.sem_alloc : memref<!tpu.dma_semaphore, #tpu.memory_space<semaphore_mem>>
          %dma_start3A = arith.constant 0 : i32
          %dma_start3A_278 = arith.constant 0 : i32
          %dma_start3A_279 = tpu.memref_slice %arg21[%dma_start3A, %dma_start3A_278] : memref<10000x128xf32, #tpu.memory_space<vmem_shared>> -> memref<10000x128xf32, #tpu.memory_space<vmem_shared>>
          tpu.enqueue_indirect_dma source(%arg18 : memref<128x128xf32, #tpu.memory_space<vmem>>) target(%dma_start3A_279 : memref<10000x128xf32, #tpu.memory_space<vmem_shared>>) offsets(%arg12 : memref<128xi32, #tpu.memory_space<vmem>>) semaphore(%run_scoped3A : memref<!tpu.dma_semaphore, #tpu.memory_space<semaphore_mem>>) {add = true}
          %dma_wait3A_280 = arith.constant 0 : i32
          %dma_wait3A_281 = arith.constant 0 : i32
          %dma_wait3A_282 = tpu.memref_slice %arg21[%dma_wait3A_280, %dma_wait3A_281] : memref<10000x128xf32, #tpu.memory_space<vmem_shared>> -> memref<10000x128xf32, #tpu.memory_space<vmem_shared>>
          tpu.wait_indirect_dma semaphore(%run_scoped3A : memref<!tpu.dma_semaphore, #tpu.memory_space<semaphore_mem>>) src(%arg18 : memref<128x128xf32, #tpu.memory_space<vmem>>) dst(%dma_wait3A_282 : memref<10000x128xf32, #tpu.memory_space<vmem_shared>>)
          tpu.yield
        }) : () -> ()
      } else {
      }
      %add3A_97 = arith.constant 6 : i32
      %add3A_98 = arith.addi %add3A_88, %add3A_97 : i32
      %mul3A_99 = arith.constant 32 : i32
      %mul3A_100 = arith.muli %mul3A_99, %add3A_98 : i32
      %add3A_101 = arith.addi %add3A, %mul3A_100 : i32
      %lt3A_102 = arith.constant 2500 : i32
      %lt3A_103 = arith.cmpi slt, %add3A_101, %lt3A_102 : i32
      %convert_element_type3A_104 = arith.extui %lt3A_103 : i1 to i32
      %cond3A_105 = arith.constant 0 : i32
      %cond3A_106 = arith.cmpi ne, %convert_element_type3A_104, %cond3A_105 : i32
      scf.if %cond3A_106 {
        %mul3A_267 = arith.constant 32 : i32
        %mul3A_268 = arith.muli %mul3A_267, %add3A_98 : i32
        %add3A_269 = arith.addi %add3A, %mul3A_268 : i32
        %mul3A_270 = arith.constant 128 : i32
        %mul3A_271 = arith.muli %add3A_269, %mul3A_270 : i32
        %dma_start3A = tpu.memref_slice %arg3[%mul3A_271] : memref<640000xi32, #tpu.memory_space<hbm>> -> memref<128xi32, #tpu.memory_space<hbm>>
        %dma_start3A_272 = tpu.memref_slice %arg3[%mul3A_271] : memref<640000xi32, #tpu.memory_space<hbm>> -> memref<128xi32, #tpu.memory_space<hbm>>
        tpu.enqueue_dma source(%dma_start3A_272 : memref<128xi32, #tpu.memory_space<hbm>>) target(%arg6 : memref<128xi32, #tpu.memory_space<vmem>>) target_semaphore(%arg25 : memref<!tpu.dma_semaphore, #tpu.memory_space<semaphore_mem>>)
        %add3A_273 = arith.constant 320000 : i32
        %add3A_274 = arith.addi %add3A_273, %mul3A_271 : i32
        %dma_start3A_275 = tpu.memref_slice %arg3[%add3A_274] : memref<640000xi32, #tpu.memory_space<hbm>> -> memref<128xi32, #tpu.memory_space<hbm>>
        %dma_start3A_276 = tpu.memref_slice %arg3[%add3A_274] : memref<640000xi32, #tpu.memory_space<hbm>> -> memref<128xi32, #tpu.memory_space<hbm>>
        tpu.enqueue_dma source(%dma_start3A_276 : memref<128xi32, #tpu.memory_space<hbm>>) target(%arg12 : memref<128xi32, #tpu.memory_space<vmem>>) target_semaphore(%arg31 : memref<!tpu.dma_semaphore, #tpu.memory_space<semaphore_mem>>)
      } else {
      }
      %add3A_107 = arith.constant 3 : i32
      %add3A_108 = arith.addi %add3A_88, %add3A_107 : i32
      %mul3A_109 = arith.constant 32 : i32
      %mul3A_110 = arith.muli %mul3A_109, %add3A_108 : i32
      %add3A_111 = arith.addi %add3A, %mul3A_110 : i32
      %lt3A_112 = arith.constant 2500 : i32
      %lt3A_113 = arith.cmpi slt, %add3A_111, %lt3A_112 : i32
      %convert_element_type3A_114 = arith.extui %lt3A_113 : i1 to i32
      %cond3A_115 = arith.constant 0 : i32
      %cond3A_116 = arith.cmpi ne, %convert_element_type3A_114, %cond3A_115 : i32
      scf.if %cond3A_116 {
        %mul3A_267 = arith.constant 32 : i32
        %mul3A_268 = arith.muli %mul3A_267, %add3A_108 : i32
        %add3A_269 = arith.addi %add3A, %mul3A_268 : i32
        %mul3A_270 = arith.constant 128 : i32
        %mul3A_271 = arith.muli %add3A_269, %mul3A_270 : i32
        %dma_wait3A = tpu.memref_slice %arg3[%mul3A_271] : memref<640000xi32, #tpu.memory_space<hbm>> -> memref<128xi32, #tpu.memory_space<hbm>>
        %dma_wait3A_272 = tpu.memref_slice %arg3[%mul3A_271] : memref<640000xi32, #tpu.memory_space<hbm>> -> memref<128xi32, #tpu.memory_space<hbm>>
        tpu.wait_dma2 semaphore(%arg28 : memref<!tpu.dma_semaphore, #tpu.memory_space<semaphore_mem>>) src(%dma_wait3A_272 : memref<128xi32, #tpu.memory_space<hbm>>) dst(%arg9 : memref<128xi32, #tpu.memory_space<vmem>>)
        %dma_start3A = arith.constant 0 : i32
        %dma_start3A_273 = arith.constant 0 : i32
        %dma_start3A_274 = tpu.memref_slice %arg2[%dma_start3A, %dma_start3A_273] : memref<10000x128xf32, #tpu.memory_space<hbm>> -> memref<10000x128xf32, #tpu.memory_space<hbm>>
        tpu.enqueue_indirect_dma source(%dma_start3A_274 : memref<10000x128xf32, #tpu.memory_space<hbm>>) target(%arg18 : memref<128x128xf32, #tpu.memory_space<vmem>>) offsets(%arg9 : memref<128xi32, #tpu.memory_space<vmem>>) semaphore(%arg22 : memref<!tpu.dma_semaphore, #tpu.memory_space<semaphore_mem>>)
      } else {
      }
      %add3A_117 = arith.constant 1 : i32
      %add3A_118 = arith.addi %add3A_86, %add3A_117 : i32
      %mul3A_119 = arith.constant 32 : i32
      %mul3A_120 = arith.muli %mul3A_119, %add3A_118 : i32
      %add3A_121 = arith.addi %add3A, %mul3A_120 : i32
      %lt3A_122 = arith.constant 2500 : i32
      %lt3A_123 = arith.cmpi slt, %add3A_121, %lt3A_122 : i32
      %convert_element_type3A_124 = arith.extui %lt3A_123 : i1 to i32
      %cond3A_125 = arith.constant 0 : i32
      %cond3A_126 = arith.cmpi ne, %convert_element_type3A_124, %cond3A_125 : i32
      scf.if %cond3A_126 {
        %mul3A_267 = arith.constant 32 : i32
        %mul3A_268 = arith.muli %mul3A_267, %add3A_118 : i32
        %add3A_269 = arith.addi %add3A, %mul3A_268 : i32
        %mul3A_270 = arith.constant 128 : i32
        %mul3A_271 = arith.muli %add3A_269, %mul3A_270 : i32
        %dma_wait3A = arith.constant 0 : i32
        %dma_wait3A_272 = arith.constant 0 : i32
        %dma_wait3A_273 = tpu.memref_slice %arg2[%dma_wait3A, %dma_wait3A_272] : memref<10000x128xf32, #tpu.memory_space<hbm>> -> memref<10000x128xf32, #tpu.memory_space<hbm>>
        tpu.wait_indirect_dma semaphore(%arg23 : memref<!tpu.dma_semaphore, #tpu.memory_space<semaphore_mem>>) src(%dma_wait3A_273 : memref<10000x128xf32, #tpu.memory_space<hbm>>) dst(%arg19 : memref<128x128xf32, #tpu.memory_space<vmem>>)
        %add3A_274 = arith.constant 320000 : i32
        %add3A_275 = arith.addi %add3A_274, %mul3A_271 : i32
        %dma_wait3A_276 = tpu.memref_slice %arg3[%add3A_275] : memref<640000xi32, #tpu.memory_space<hbm>> -> memref<128xi32, #tpu.memory_space<hbm>>
        %dma_wait3A_277 = tpu.memref_slice %arg3[%add3A_275] : memref<640000xi32, #tpu.memory_space<hbm>> -> memref<128xi32, #tpu.memory_space<hbm>>
        tpu.wait_dma2 semaphore(%arg32 : memref<!tpu.dma_semaphore, #tpu.memory_space<semaphore_mem>>) src(%dma_wait3A_277 : memref<128xi32, #tpu.memory_space<hbm>>) dst(%arg13 : memref<128xi32, #tpu.memory_space<vmem>>)
        "tpu.region"() ({
          %run_scoped3A = tpu.sem_alloc : memref<!tpu.dma_semaphore, #tpu.memory_space<semaphore_mem>>
          %dma_start3A = arith.constant 0 : i32
          %dma_start3A_278 = arith.constant 0 : i32
          %dma_start3A_279 = tpu.memref_slice %arg21[%dma_start3A, %dma_start3A_278] : memref<10000x128xf32, #tpu.memory_space<vmem_shared>> -> memref<10000x128xf32, #tpu.memory_space<vmem_shared>>
          tpu.enqueue_indirect_dma source(%arg19 : memref<128x128xf32, #tpu.memory_space<vmem>>) target(%dma_start3A_279 : memref<10000x128xf32, #tpu.memory_space<vmem_shared>>) offsets(%arg13 : memref<128xi32, #tpu.memory_space<vmem>>) semaphore(%run_scoped3A : memref<!tpu.dma_semaphore, #tpu.memory_space<semaphore_mem>>) {add = true}
          %dma_wait3A_280 = arith.constant 0 : i32
          %dma_wait3A_281 = arith.constant 0 : i32
          %dma_wait3A_282 = tpu.memref_slice %arg21[%dma_wait3A_280, %dma_wait3A_281] : memref<10000x128xf32, #tpu.memory_space<vmem_shared>> -> memref<10000x128xf32, #tpu.memory_space<vmem_shared>>
          tpu.wait_indirect_dma semaphore(%run_scoped3A : memref<!tpu.dma_semaphore, #tpu.memory_space<semaphore_mem>>) src(%arg19 : memref<128x128xf32, #tpu.memory_space<vmem>>) dst(%dma_wait3A_282 : memref<10000x128xf32, #tpu.memory_space<vmem_shared>>)
          tpu.yield
        }) : () -> ()
      } else {
      }
      %add3A_127 = arith.constant 6 : i32
      %add3A_128 = arith.addi %add3A_118, %add3A_127 : i32
      %mul3A_129 = arith.constant 32 : i32
      %mul3A_130 = arith.muli %mul3A_129, %add3A_128 : i32
      %add3A_131 = arith.addi %add3A, %mul3A_130 : i32
      %lt3A_132 = arith.constant 2500 : i32
      %lt3A_133 = arith.cmpi slt, %add3A_131, %lt3A_132 : i32
      %convert_element_type3A_134 = arith.extui %lt3A_133 : i1 to i32
      %cond3A_135 = arith.constant 0 : i32
      %cond3A_136 = arith.cmpi ne, %convert_element_type3A_134, %cond3A_135 : i32
      scf.if %cond3A_136 {
        %mul3A_267 = arith.constant 32 : i32
        %mul3A_268 = arith.muli %mul3A_267, %add3A_128 : i32
        %add3A_269 = arith.addi %add3A, %mul3A_268 : i32
        %mul3A_270 = arith.constant 128 : i32
        %mul3A_271 = arith.muli %add3A_269, %mul3A_270 : i32
        %dma_start3A = tpu.memref_slice %arg3[%mul3A_271] : memref<640000xi32, #tpu.memory_space<hbm>> -> memref<128xi32, #tpu.memory_space<hbm>>
        %dma_start3A_272 = tpu.memref_slice %arg3[%mul3A_271] : memref<640000xi32, #tpu.memory_space<hbm>> -> memref<128xi32, #tpu.memory_space<hbm>>
        tpu.enqueue_dma source(%dma_start3A_272 : memref<128xi32, #tpu.memory_space<hbm>>) target(%arg7 : memref<128xi32, #tpu.memory_space<vmem>>) target_semaphore(%arg26 : memref<!tpu.dma_semaphore, #tpu.memory_space<semaphore_mem>>)
        %add3A_273 = arith.constant 320000 : i32
        %add3A_274 = arith.addi %add3A_273, %mul3A_271 : i32
        %dma_start3A_275 = tpu.memref_slice %arg3[%add3A_274] : memref<640000xi32, #tpu.memory_space<hbm>> -> memref<128xi32, #tpu.memory_space<hbm>>
        %dma_start3A_276 = tpu.memref_slice %arg3[%add3A_274] : memref<640000xi32, #tpu.memory_space<hbm>> -> memref<128xi32, #tpu.memory_space<hbm>>
        tpu.enqueue_dma source(%dma_start3A_276 : memref<128xi32, #tpu.memory_space<hbm>>) target(%arg13 : memref<128xi32, #tpu.memory_space<vmem>>) target_semaphore(%arg32 : memref<!tpu.dma_semaphore, #tpu.memory_space<semaphore_mem>>)
      } else {
      }
      %add3A_137 = arith.constant 3 : i32
      %add3A_138 = arith.addi %add3A_118, %add3A_137 : i32
      %mul3A_139 = arith.constant 32 : i32
      %mul3A_140 = arith.muli %mul3A_139, %add3A_138 : i32
      %add3A_141 = arith.addi %add3A, %mul3A_140 : i32
      %lt3A_142 = arith.constant 2500 : i32
      %lt3A_143 = arith.cmpi slt, %add3A_141, %lt3A_142 : i32
      %convert_element_type3A_144 = arith.extui %lt3A_143 : i1 to i32
      %cond3A_145 = arith.constant 0 : i32
      %cond3A_146 = arith.cmpi ne, %convert_element_type3A_144, %cond3A_145 : i32
      scf.if %cond3A_146 {
        %mul3A_267 = arith.constant 32 : i32
        %mul3A_268 = arith.muli %mul3A_267, %add3A_138 : i32
        %add3A_269 = arith.addi %add3A, %mul3A_268 : i32
        %mul3A_270 = arith.constant 128 : i32
        %mul3A_271 = arith.muli %add3A_269, %mul3A_270 : i32
        %dma_wait3A = tpu.memref_slice %arg3[%mul3A_271] : memref<640000xi32, #tpu.memory_space<hbm>> -> memref<128xi32, #tpu.memory_space<hbm>>
        %dma_wait3A_272 = tpu.memref_slice %arg3[%mul3A_271] : memref<640000xi32, #tpu.memory_space<hbm>> -> memref<128xi32, #tpu.memory_space<hbm>>
        tpu.wait_dma2 semaphore(%arg29 : memref<!tpu.dma_semaphore, #tpu.memory_space<semaphore_mem>>) src(%dma_wait3A_272 : memref<128xi32, #tpu.memory_space<hbm>>) dst(%arg10 : memref<128xi32, #tpu.memory_space<vmem>>)
        %dma_start3A = arith.constant 0 : i32
        %dma_start3A_273 = arith.constant 0 : i32
        %dma_start3A_274 = tpu.memref_slice %arg2[%dma_start3A, %dma_start3A_273] : memref<10000x128xf32, #tpu.memory_space<hbm>> -> memref<10000x128xf32, #tpu.memory_space<hbm>>
        tpu.enqueue_indirect_dma source(%dma_start3A_274 : memref<10000x128xf32, #tpu.memory_space<hbm>>) target(%arg19 : memref<128x128xf32, #tpu.memory_space<vmem>>) offsets(%arg10 : memref<128xi32, #tpu.memory_space<vmem>>) semaphore(%arg23 : memref<!tpu.dma_semaphore, #tpu.memory_space<semaphore_mem>>)
      } else {
      }
      %add3A_147 = arith.constant 2 : i32
      %add3A_148 = arith.addi %add3A_86, %add3A_147 : i32
      %mul3A_149 = arith.constant 32 : i32
      %mul3A_150 = arith.muli %mul3A_149, %add3A_148 : i32
      %add3A_151 = arith.addi %add3A, %mul3A_150 : i32
      %lt3A_152 = arith.constant 2500 : i32
      %lt3A_153 = arith.cmpi slt, %add3A_151, %lt3A_152 : i32
      %convert_element_type3A_154 = arith.extui %lt3A_153 : i1 to i32
      %cond3A_155 = arith.constant 0 : i32
      %cond3A_156 = arith.cmpi ne, %convert_element_type3A_154, %cond3A_155 : i32
      scf.if %cond3A_156 {
        %mul3A_267 = arith.constant 32 : i32
        %mul3A_268 = arith.muli %mul3A_267, %add3A_148 : i32
        %add3A_269 = arith.addi %add3A, %mul3A_268 : i32
        %mul3A_270 = arith.constant 128 : i32
        %mul3A_271 = arith.muli %add3A_269, %mul3A_270 : i32
        %dma_wait3A = arith.constant 0 : i32
        %dma_wait3A_272 = arith.constant 0 : i32
        %dma_wait3A_273 = tpu.memref_slice %arg2[%dma_wait3A, %dma_wait3A_272] : memref<10000x128xf32, #tpu.memory_space<hbm>> -> memref<10000x128xf32, #tpu.memory_space<hbm>>
        tpu.wait_indirect_dma semaphore(%arg24 : memref<!tpu.dma_semaphore, #tpu.memory_space<semaphore_mem>>) src(%dma_wait3A_273 : memref<10000x128xf32, #tpu.memory_space<hbm>>) dst(%arg20 : memref<128x128xf32, #tpu.memory_space<vmem>>)
        %add3A_274 = arith.constant 320000 : i32
        %add3A_275 = arith.addi %add3A_274, %mul3A_271 : i32
        %dma_wait3A_276 = tpu.memref_slice %arg3[%add3A_275] : memref<640000xi32, #tpu.memory_space<hbm>> -> memref<128xi32, #tpu.memory_space<hbm>>
        %dma_wait3A_277 = tpu.memref_slice %arg3[%add3A_275] : memref<640000xi32, #tpu.memory_space<hbm>> -> memref<128xi32, #tpu.memory_space<hbm>>
        tpu.wait_dma2 semaphore(%arg33 : memref<!tpu.dma_semaphore, #tpu.memory_space<semaphore_mem>>) src(%dma_wait3A_277 : memref<128xi32, #tpu.memory_space<hbm>>) dst(%arg14 : memref<128xi32, #tpu.memory_space<vmem>>)
        "tpu.region"() ({
          %run_scoped3A = tpu.sem_alloc : memref<!tpu.dma_semaphore, #tpu.memory_space<semaphore_mem>>
          %dma_start3A = arith.constant 0 : i32
          %dma_start3A_278 = arith.constant 0 : i32
          %dma_start3A_279 = tpu.memref_slice %arg21[%dma_start3A, %dma_start3A_278] : memref<10000x128xf32, #tpu.memory_space<vmem_shared>> -> memref<10000x128xf32, #tpu.memory_space<vmem_shared>>
          tpu.enqueue_indirect_dma source(%arg20 : memref<128x128xf32, #tpu.memory_space<vmem>>) target(%dma_start3A_279 : memref<10000x128xf32, #tpu.memory_space<vmem_shared>>) offsets(%arg14 : memref<128xi32, #tpu.memory_space<vmem>>) semaphore(%run_scoped3A : memref<!tpu.dma_semaphore, #tpu.memory_space<semaphore_mem>>) {add = true}
          %dma_wait3A_280 = arith.constant 0 : i32
          %dma_wait3A_281 = arith.constant 0 : i32
          %dma_wait3A_282 = tpu.memref_slice %arg21[%dma_wait3A_280, %dma_wait3A_281] : memref<10000x128xf32, #tpu.memory_space<vmem_shared>> -> memref<10000x128xf32, #tpu.memory_space<vmem_shared>>
          tpu.wait_indirect_dma semaphore(%run_scoped3A : memref<!tpu.dma_semaphore, #tpu.memory_space<semaphore_mem>>) src(%arg20 : memref<128x128xf32, #tpu.memory_space<vmem>>) dst(%dma_wait3A_282 : memref<10000x128xf32, #tpu.memory_space<vmem_shared>>)
          tpu.yield
        }) : () -> ()
      } else {
      }
      %add3A_157 = arith.constant 6 : i32
      %add3A_158 = arith.addi %add3A_148, %add3A_157 : i32
      %mul3A_159 = arith.constant 32 : i32
      %mul3A_160 = arith.muli %mul3A_159, %add3A_158 : i32
      %add3A_161 = arith.addi %add3A, %mul3A_160 : i32
      %lt3A_162 = arith.constant 2500 : i32
      %lt3A_163 = arith.cmpi slt, %add3A_161, %lt3A_162 : i32
      %convert_element_type3A_164 = arith.extui %lt3A_163 : i1 to i32
      %cond3A_165 = arith.constant 0 : i32
      %cond3A_166 = arith.cmpi ne, %convert_element_type3A_164, %cond3A_165 : i32
      scf.if %cond3A_166 {
        %mul3A_267 = arith.constant 32 : i32
        %mul3A_268 = arith.muli %mul3A_267, %add3A_158 : i32
        %add3A_269 = arith.addi %add3A, %mul3A_268 : i32
        %mul3A_270 = arith.constant 128 : i32
        %mul3A_271 = arith.muli %add3A_269, %mul3A_270 : i32
        %dma_start3A = tpu.memref_slice %arg3[%mul3A_271] : memref<640000xi32, #tpu.memory_space<hbm>> -> memref<128xi32, #tpu.memory_space<hbm>>
        %dma_start3A_272 = tpu.memref_slice %arg3[%mul3A_271] : memref<640000xi32, #tpu.memory_space<hbm>> -> memref<128xi32, #tpu.memory_space<hbm>>
        tpu.enqueue_dma source(%dma_start3A_272 : memref<128xi32, #tpu.memory_space<hbm>>) target(%arg8 : memref<128xi32, #tpu.memory_space<vmem>>) target_semaphore(%arg27 : memref<!tpu.dma_semaphore, #tpu.memory_space<semaphore_mem>>)
        %add3A_273 = arith.constant 320000 : i32
        %add3A_274 = arith.addi %add3A_273, %mul3A_271 : i32
        %dma_start3A_275 = tpu.memref_slice %arg3[%add3A_274] : memref<640000xi32, #tpu.memory_space<hbm>> -> memref<128xi32, #tpu.memory_space<hbm>>
        %dma_start3A_276 = tpu.memref_slice %arg3[%add3A_274] : memref<640000xi32, #tpu.memory_space<hbm>> -> memref<128xi32, #tpu.memory_space<hbm>>
        tpu.enqueue_dma source(%dma_start3A_276 : memref<128xi32, #tpu.memory_space<hbm>>) target(%arg14 : memref<128xi32, #tpu.memory_space<vmem>>) target_semaphore(%arg33 : memref<!tpu.dma_semaphore, #tpu.memory_space<semaphore_mem>>)
      } else {
      }
      %add3A_167 = arith.constant 3 : i32
      %add3A_168 = arith.addi %add3A_148, %add3A_167 : i32
      %mul3A_169 = arith.constant 32 : i32
      %mul3A_170 = arith.muli %mul3A_169, %add3A_168 : i32
      %add3A_171 = arith.addi %add3A, %mul3A_170 : i32
      %lt3A_172 = arith.constant 2500 : i32
      %lt3A_173 = arith.cmpi slt, %add3A_171, %lt3A_172 : i32
      %convert_element_type3A_174 = arith.extui %lt3A_173 : i1 to i32
      %cond3A_175 = arith.constant 0 : i32
      %cond3A_176 = arith.cmpi ne, %convert_element_type3A_174, %cond3A_175 : i32
      scf.if %cond3A_176 {
        %mul3A_267 = arith.constant 32 : i32
        %mul3A_268 = arith.muli %mul3A_267, %add3A_168 : i32
        %add3A_269 = arith.addi %add3A, %mul3A_268 : i32
        %mul3A_270 = arith.constant 128 : i32
        %mul3A_271 = arith.muli %add3A_269, %mul3A_270 : i32
        %dma_wait3A = tpu.memref_slice %arg3[%mul3A_271] : memref<640000xi32, #tpu.memory_space<hbm>> -> memref<128xi32, #tpu.memory_space<hbm>>
        %dma_wait3A_272 = tpu.memref_slice %arg3[%mul3A_271] : memref<640000xi32, #tpu.memory_space<hbm>> -> memref<128xi32, #tpu.memory_space<hbm>>
        tpu.wait_dma2 semaphore(%arg30 : memref<!tpu.dma_semaphore, #tpu.memory_space<semaphore_mem>>) src(%dma_wait3A_272 : memref<128xi32, #tpu.memory_space<hbm>>) dst(%arg11 : memref<128xi32, #tpu.memory_space<vmem>>)
        %dma_start3A = arith.constant 0 : i32
        %dma_start3A_273 = arith.constant 0 : i32
        %dma_start3A_274 = tpu.memref_slice %arg2[%dma_start3A, %dma_start3A_273] : memref<10000x128xf32, #tpu.memory_space<hbm>> -> memref<10000x128xf32, #tpu.memory_space<hbm>>
        tpu.enqueue_indirect_dma source(%dma_start3A_274 : memref<10000x128xf32, #tpu.memory_space<hbm>>) target(%arg20 : memref<128x128xf32, #tpu.memory_space<vmem>>) offsets(%arg11 : memref<128xi32, #tpu.memory_space<vmem>>) semaphore(%arg24 : memref<!tpu.dma_semaphore, #tpu.memory_space<semaphore_mem>>)
      } else {
      }
      %add3A_177 = arith.constant 3 : i32
      %add3A_178 = arith.addi %add3A_86, %add3A_177 : i32
      %mul3A_179 = arith.constant 32 : i32
      %mul3A_180 = arith.muli %mul3A_179, %add3A_178 : i32
      %add3A_181 = arith.addi %add3A, %mul3A_180 : i32
      %lt3A_182 = arith.constant 2500 : i32
      %lt3A_183 = arith.cmpi slt, %add3A_181, %lt3A_182 : i32
      %convert_element_type3A_184 = arith.extui %lt3A_183 : i1 to i32
      %cond3A_185 = arith.constant 0 : i32
      %cond3A_186 = arith.cmpi ne, %convert_element_type3A_184, %cond3A_185 : i32
      scf.if %cond3A_186 {
        %mul3A_267 = arith.constant 32 : i32
        %mul3A_268 = arith.muli %mul3A_267, %add3A_178 : i32
        %add3A_269 = arith.addi %add3A, %mul3A_268 : i32
        %mul3A_270 = arith.constant 128 : i32
        %mul3A_271 = arith.muli %add3A_269, %mul3A_270 : i32
        %dma_wait3A = arith.constant 0 : i32
        %dma_wait3A_272 = arith.constant 0 : i32
        %dma_wait3A_273 = tpu.memref_slice %arg2[%dma_wait3A, %dma_wait3A_272] : memref<10000x128xf32, #tpu.memory_space<hbm>> -> memref<10000x128xf32, #tpu.memory_space<hbm>>
        tpu.wait_indirect_dma semaphore(%arg22 : memref<!tpu.dma_semaphore, #tpu.memory_space<semaphore_mem>>) src(%dma_wait3A_273 : memref<10000x128xf32, #tpu.memory_space<hbm>>) dst(%arg18 : memref<128x128xf32, #tpu.memory_space<vmem>>)
        %add3A_274 = arith.constant 320000 : i32
        %add3A_275 = arith.addi %add3A_274, %mul3A_271 : i32
        %dma_wait3A_276 = tpu.memref_slice %arg3[%add3A_275] : memref<640000xi32, #tpu.memory_space<hbm>> -> memref<128xi32, #tpu.memory_space<hbm>>
        %dma_wait3A_277 = tpu.memref_slice %arg3[%add3A_275] : memref<640000xi32, #tpu.memory_space<hbm>> -> memref<128xi32, #tpu.memory_space<hbm>>
        tpu.wait_dma2 semaphore(%arg34 : memref<!tpu.dma_semaphore, #tpu.memory_space<semaphore_mem>>) src(%dma_wait3A_277 : memref<128xi32, #tpu.memory_space<hbm>>) dst(%arg15 : memref<128xi32, #tpu.memory_space<vmem>>)
        "tpu.region"() ({
          %run_scoped3A = tpu.sem_alloc : memref<!tpu.dma_semaphore, #tpu.memory_space<semaphore_mem>>
          %dma_start3A = arith.constant 0 : i32
          %dma_start3A_278 = arith.constant 0 : i32
          %dma_start3A_279 = tpu.memref_slice %arg21[%dma_start3A, %dma_start3A_278] : memref<10000x128xf32, #tpu.memory_space<vmem_shared>> -> memref<10000x128xf32, #tpu.memory_space<vmem_shared>>
          tpu.enqueue_indirect_dma source(%arg18 : memref<128x128xf32, #tpu.memory_space<vmem>>) target(%dma_start3A_279 : memref<10000x128xf32, #tpu.memory_space<vmem_shared>>) offsets(%arg15 : memref<128xi32, #tpu.memory_space<vmem>>) semaphore(%run_scoped3A : memref<!tpu.dma_semaphore, #tpu.memory_space<semaphore_mem>>) {add = true}
          %dma_wait3A_280 = arith.constant 0 : i32
          %dma_wait3A_281 = arith.constant 0 : i32
          %dma_wait3A_282 = tpu.memref_slice %arg21[%dma_wait3A_280, %dma_wait3A_281] : memref<10000x128xf32, #tpu.memory_space<vmem_shared>> -> memref<10000x128xf32, #tpu.memory_space<vmem_shared>>
          tpu.wait_indirect_dma semaphore(%run_scoped3A : memref<!tpu.dma_semaphore, #tpu.memory_space<semaphore_mem>>) src(%arg18 : memref<128x128xf32, #tpu.memory_space<vmem>>) dst(%dma_wait3A_282 : memref<10000x128xf32, #tpu.memory_space<vmem_shared>>)
          tpu.yield
        }) : () -> ()
      } else {
      }
      %add3A_187 = arith.constant 6 : i32
      %add3A_188 = arith.addi %add3A_178, %add3A_187 : i32
      %mul3A_189 = arith.constant 32 : i32
      %mul3A_190 = arith.muli %mul3A_189, %add3A_188 : i32
      %add3A_191 = arith.addi %add3A, %mul3A_190 : i32
      %lt3A_192 = arith.constant 2500 : i32
      %lt3A_193 = arith.cmpi slt, %add3A_191, %lt3A_192 : i32
      %convert_element_type3A_194 = arith.extui %lt3A_193 : i1 to i32
      %cond3A_195 = arith.constant 0 : i32
      %cond3A_196 = arith.cmpi ne, %convert_element_type3A_194, %cond3A_195 : i32
      scf.if %cond3A_196 {
        %mul3A_267 = arith.constant 32 : i32
        %mul3A_268 = arith.muli %mul3A_267, %add3A_188 : i32
        %add3A_269 = arith.addi %add3A, %mul3A_268 : i32
        %mul3A_270 = arith.constant 128 : i32
        %mul3A_271 = arith.muli %add3A_269, %mul3A_270 : i32
        %dma_start3A = tpu.memref_slice %arg3[%mul3A_271] : memref<640000xi32, #tpu.memory_space<hbm>> -> memref<128xi32, #tpu.memory_space<hbm>>
        %dma_start3A_272 = tpu.memref_slice %arg3[%mul3A_271] : memref<640000xi32, #tpu.memory_space<hbm>> -> memref<128xi32, #tpu.memory_space<hbm>>
        tpu.enqueue_dma source(%dma_start3A_272 : memref<128xi32, #tpu.memory_space<hbm>>) target(%arg9 : memref<128xi32, #tpu.memory_space<vmem>>) target_semaphore(%arg28 : memref<!tpu.dma_semaphore, #tpu.memory_space<semaphore_mem>>)
        %add3A_273 = arith.constant 320000 : i32
        %add3A_274 = arith.addi %add3A_273, %mul3A_271 : i32
        %dma_start3A_275 = tpu.memref_slice %arg3[%add3A_274] : memref<640000xi32, #tpu.memory_space<hbm>> -> memref<128xi32, #tpu.memory_space<hbm>>
        %dma_start3A_276 = tpu.memref_slice %arg3[%add3A_274] : memref<640000xi32, #tpu.memory_space<hbm>> -> memref<128xi32, #tpu.memory_space<hbm>>
        tpu.enqueue_dma source(%dma_start3A_276 : memref<128xi32, #tpu.memory_space<hbm>>) target(%arg15 : memref<128xi32, #tpu.memory_space<vmem>>) target_semaphore(%arg34 : memref<!tpu.dma_semaphore, #tpu.memory_space<semaphore_mem>>)
      } else {
      }
      %add3A_197 = arith.constant 3 : i32
      %add3A_198 = arith.addi %add3A_178, %add3A_197 : i32
      %mul3A_199 = arith.constant 32 : i32
      %mul3A_200 = arith.muli %mul3A_199, %add3A_198 : i32
      %add3A_201 = arith.addi %add3A, %mul3A_200 : i32
      %lt3A_202 = arith.constant 2500 : i32
      %lt3A_203 = arith.cmpi slt, %add3A_201, %lt3A_202 : i32
      %convert_element_type3A_204 = arith.extui %lt3A_203 : i1 to i32
      %cond3A_205 = arith.constant 0 : i32
      %cond3A_206 = arith.cmpi ne, %convert_element_type3A_204, %cond3A_205 : i32
      scf.if %cond3A_206 {
        %mul3A_267 = arith.constant 32 : i32
        %mul3A_268 = arith.muli %mul3A_267, %add3A_198 : i32
        %add3A_269 = arith.addi %add3A, %mul3A_268 : i32
        %mul3A_270 = arith.constant 128 : i32
        %mul3A_271 = arith.muli %add3A_269, %mul3A_270 : i32
        %dma_wait3A = tpu.memref_slice %arg3[%mul3A_271] : memref<640000xi32, #tpu.memory_space<hbm>> -> memref<128xi32, #tpu.memory_space<hbm>>
        %dma_wait3A_272 = tpu.memref_slice %arg3[%mul3A_271] : memref<640000xi32, #tpu.memory_space<hbm>> -> memref<128xi32, #tpu.memory_space<hbm>>
        tpu.wait_dma2 semaphore(%arg25 : memref<!tpu.dma_semaphore, #tpu.memory_space<semaphore_mem>>) src(%dma_wait3A_272 : memref<128xi32, #tpu.memory_space<hbm>>) dst(%arg6 : memref<128xi32, #tpu.memory_space<vmem>>)
        %dma_start3A = arith.constant 0 : i32
        %dma_start3A_273 = arith.constant 0 : i32
        %dma_start3A_274 = tpu.memref_slice %arg2[%dma_start3A, %dma_start3A_273] : memref<10000x128xf32, #tpu.memory_space<hbm>> -> memref<10000x128xf32, #tpu.memory_space<hbm>>
        tpu.enqueue_indirect_dma source(%dma_start3A_274 : memref<10000x128xf32, #tpu.memory_space<hbm>>) target(%arg18 : memref<128x128xf32, #tpu.memory_space<vmem>>) offsets(%arg6 : memref<128xi32, #tpu.memory_space<vmem>>) semaphore(%arg22 : memref<!tpu.dma_semaphore, #tpu.memory_space<semaphore_mem>>)
      } else {
      }
      %add3A_207 = arith.constant 4 : i32
      %add3A_208 = arith.addi %add3A_86, %add3A_207 : i32
      %mul3A_209 = arith.constant 32 : i32
      %mul3A_210 = arith.muli %mul3A_209, %add3A_208 : i32
      %add3A_211 = arith.addi %add3A, %mul3A_210 : i32
      %lt3A_212 = arith.constant 2500 : i32
      %lt3A_213 = arith.cmpi slt, %add3A_211, %lt3A_212 : i32
      %convert_element_type3A_214 = arith.extui %lt3A_213 : i1 to i32
      %cond3A_215 = arith.constant 0 : i32
      %cond3A_216 = arith.cmpi ne, %convert_element_type3A_214, %cond3A_215 : i32
      scf.if %cond3A_216 {
        %mul3A_267 = arith.constant 32 : i32
        %mul3A_268 = arith.muli %mul3A_267, %add3A_208 : i32
        %add3A_269 = arith.addi %add3A, %mul3A_268 : i32
        %mul3A_270 = arith.constant 128 : i32
        %mul3A_271 = arith.muli %add3A_269, %mul3A_270 : i32
        %dma_wait3A = arith.constant 0 : i32
        %dma_wait3A_272 = arith.constant 0 : i32
        %dma_wait3A_273 = tpu.memref_slice %arg2[%dma_wait3A, %dma_wait3A_272] : memref<10000x128xf32, #tpu.memory_space<hbm>> -> memref<10000x128xf32, #tpu.memory_space<hbm>>
        tpu.wait_indirect_dma semaphore(%arg23 : memref<!tpu.dma_semaphore, #tpu.memory_space<semaphore_mem>>) src(%dma_wait3A_273 : memref<10000x128xf32, #tpu.memory_space<hbm>>) dst(%arg19 : memref<128x128xf32, #tpu.memory_space<vmem>>)
        %add3A_274 = arith.constant 320000 : i32
        %add3A_275 = arith.addi %add3A_274, %mul3A_271 : i32
        %dma_wait3A_276 = tpu.memref_slice %arg3[%add3A_275] : memref<640000xi32, #tpu.memory_space<hbm>> -> memref<128xi32, #tpu.memory_space<hbm>>
        %dma_wait3A_277 = tpu.memref_slice %arg3[%add3A_275] : memref<640000xi32, #tpu.memory_space<hbm>> -> memref<128xi32, #tpu.memory_space<hbm>>
        tpu.wait_dma2 semaphore(%arg35 : memref<!tpu.dma_semaphore, #tpu.memory_space<semaphore_mem>>) src(%dma_wait3A_277 : memref<128xi32, #tpu.memory_space<hbm>>) dst(%arg16 : memref<128xi32, #tpu.memory_space<vmem>>)
        "tpu.region"() ({
          %run_scoped3A = tpu.sem_alloc : memref<!tpu.dma_semaphore, #tpu.memory_space<semaphore_mem>>
          %dma_start3A = arith.constant 0 : i32
          %dma_start3A_278 = arith.constant 0 : i32
          %dma_start3A_279 = tpu.memref_slice %arg21[%dma_start3A, %dma_start3A_278] : memref<10000x128xf32, #tpu.memory_space<vmem_shared>> -> memref<10000x128xf32, #tpu.memory_space<vmem_shared>>
          tpu.enqueue_indirect_dma source(%arg19 : memref<128x128xf32, #tpu.memory_space<vmem>>) target(%dma_start3A_279 : memref<10000x128xf32, #tpu.memory_space<vmem_shared>>) offsets(%arg16 : memref<128xi32, #tpu.memory_space<vmem>>) semaphore(%run_scoped3A : memref<!tpu.dma_semaphore, #tpu.memory_space<semaphore_mem>>) {add = true}
          %dma_wait3A_280 = arith.constant 0 : i32
          %dma_wait3A_281 = arith.constant 0 : i32
          %dma_wait3A_282 = tpu.memref_slice %arg21[%dma_wait3A_280, %dma_wait3A_281] : memref<10000x128xf32, #tpu.memory_space<vmem_shared>> -> memref<10000x128xf32, #tpu.memory_space<vmem_shared>>
          tpu.wait_indirect_dma semaphore(%run_scoped3A : memref<!tpu.dma_semaphore, #tpu.memory_space<semaphore_mem>>) src(%arg19 : memref<128x128xf32, #tpu.memory_space<vmem>>) dst(%dma_wait3A_282 : memref<10000x128xf32, #tpu.memory_space<vmem_shared>>)
          tpu.yield
        }) : () -> ()
      } else {
      }
      %add3A_217 = arith.constant 6 : i32
      %add3A_218 = arith.addi %add3A_208, %add3A_217 : i32
      %mul3A_219 = arith.constant 32 : i32
      %mul3A_220 = arith.muli %mul3A_219, %add3A_218 : i32
      %add3A_221 = arith.addi %add3A, %mul3A_220 : i32
      %lt3A_222 = arith.constant 2500 : i32
      %lt3A_223 = arith.cmpi slt, %add3A_221, %lt3A_222 : i32
      %convert_element_type3A_224 = arith.extui %lt3A_223 : i1 to i32
      %cond3A_225 = arith.constant 0 : i32
      %cond3A_226 = arith.cmpi ne, %convert_element_type3A_224, %cond3A_225 : i32
      scf.if %cond3A_226 {
        %mul3A_267 = arith.constant 32 : i32
        %mul3A_268 = arith.muli %mul3A_267, %add3A_218 : i32
        %add3A_269 = arith.addi %add3A, %mul3A_268 : i32
        %mul3A_270 = arith.constant 128 : i32
        %mul3A_271 = arith.muli %add3A_269, %mul3A_270 : i32
        %dma_start3A = tpu.memref_slice %arg3[%mul3A_271] : memref<640000xi32, #tpu.memory_space<hbm>> -> memref<128xi32, #tpu.memory_space<hbm>>
        %dma_start3A_272 = tpu.memref_slice %arg3[%mul3A_271] : memref<640000xi32, #tpu.memory_space<hbm>> -> memref<128xi32, #tpu.memory_space<hbm>>
        tpu.enqueue_dma source(%dma_start3A_272 : memref<128xi32, #tpu.memory_space<hbm>>) target(%arg10 : memref<128xi32, #tpu.memory_space<vmem>>) target_semaphore(%arg29 : memref<!tpu.dma_semaphore, #tpu.memory_space<semaphore_mem>>)
        %add3A_273 = arith.constant 320000 : i32
        %add3A_274 = arith.addi %add3A_273, %mul3A_271 : i32
        %dma_start3A_275 = tpu.memref_slice %arg3[%add3A_274] : memref<640000xi32, #tpu.memory_space<hbm>> -> memref<128xi32, #tpu.memory_space<hbm>>
        %dma_start3A_276 = tpu.memref_slice %arg3[%add3A_274] : memref<640000xi32, #tpu.memory_space<hbm>> -> memref<128xi32, #tpu.memory_space<hbm>>
        tpu.enqueue_dma source(%dma_start3A_276 : memref<128xi32, #tpu.memory_space<hbm>>) target(%arg16 : memref<128xi32, #tpu.memory_space<vmem>>) target_semaphore(%arg35 : memref<!tpu.dma_semaphore, #tpu.memory_space<semaphore_mem>>)
      } else {
      }
      %add3A_227 = arith.constant 3 : i32
      %add3A_228 = arith.addi %add3A_208, %add3A_227 : i32
      %mul3A_229 = arith.constant 32 : i32
      %mul3A_230 = arith.muli %mul3A_229, %add3A_228 : i32
      %add3A_231 = arith.addi %add3A, %mul3A_230 : i32
      %lt3A_232 = arith.constant 2500 : i32
      %lt3A_233 = arith.cmpi slt, %add3A_231, %lt3A_232 : i32
      %convert_element_type3A_234 = arith.extui %lt3A_233 : i1 to i32
      %cond3A_235 = arith.constant 0 : i32
      %cond3A_236 = arith.cmpi ne, %convert_element_type3A_234, %cond3A_235 : i32
      scf.if %cond3A_236 {
        %mul3A_267 = arith.constant 32 : i32
        %mul3A_268 = arith.muli %mul3A_267, %add3A_228 : i32
        %add3A_269 = arith.addi %add3A, %mul3A_268 : i32
        %mul3A_270 = arith.constant 128 : i32
        %mul3A_271 = arith.muli %add3A_269, %mul3A_270 : i32
        %dma_wait3A = tpu.memref_slice %arg3[%mul3A_271] : memref<640000xi32, #tpu.memory_space<hbm>> -> memref<128xi32, #tpu.memory_space<hbm>>
        %dma_wait3A_272 = tpu.memref_slice %arg3[%mul3A_271] : memref<640000xi32, #tpu.memory_space<hbm>> -> memref<128xi32, #tpu.memory_space<hbm>>
        tpu.wait_dma2 semaphore(%arg26 : memref<!tpu.dma_semaphore, #tpu.memory_space<semaphore_mem>>) src(%dma_wait3A_272 : memref<128xi32, #tpu.memory_space<hbm>>) dst(%arg7 : memref<128xi32, #tpu.memory_space<vmem>>)
        %dma_start3A = arith.constant 0 : i32
        %dma_start3A_273 = arith.constant 0 : i32
        %dma_start3A_274 = tpu.memref_slice %arg2[%dma_start3A, %dma_start3A_273] : memref<10000x128xf32, #tpu.memory_space<hbm>> -> memref<10000x128xf32, #tpu.memory_space<hbm>>
        tpu.enqueue_indirect_dma source(%dma_start3A_274 : memref<10000x128xf32, #tpu.memory_space<hbm>>) target(%arg19 : memref<128x128xf32, #tpu.memory_space<vmem>>) offsets(%arg7 : memref<128xi32, #tpu.memory_space<vmem>>) semaphore(%arg23 : memref<!tpu.dma_semaphore, #tpu.memory_space<semaphore_mem>>)
      } else {
      }
      %add3A_237 = arith.constant 5 : i32
      %add3A_238 = arith.addi %add3A_86, %add3A_237 : i32
      %mul3A_239 = arith.constant 32 : i32
      %mul3A_240 = arith.muli %mul3A_239, %add3A_238 : i32
      %add3A_241 = arith.addi %add3A, %mul3A_240 : i32
      %lt3A_242 = arith.constant 2500 : i32
      %lt3A_243 = arith.cmpi slt, %add3A_241, %lt3A_242 : i32
      %convert_element_type3A_244 = arith.extui %lt3A_243 : i1 to i32
      %cond3A_245 = arith.constant 0 : i32
      %cond3A_246 = arith.cmpi ne, %convert_element_type3A_244, %cond3A_245 : i32
      scf.if %cond3A_246 {
        %mul3A_267 = arith.constant 32 : i32
        %mul3A_268 = arith.muli %mul3A_267, %add3A_238 : i32
        %add3A_269 = arith.addi %add3A, %mul3A_268 : i32
        %mul3A_270 = arith.constant 128 : i32
        %mul3A_271 = arith.muli %add3A_269, %mul3A_270 : i32
        %dma_wait3A = arith.constant 0 : i32
        %dma_wait3A_272 = arith.constant 0 : i32
        %dma_wait3A_273 = tpu.memref_slice %arg2[%dma_wait3A, %dma_wait3A_272] : memref<10000x128xf32, #tpu.memory_space<hbm>> -> memref<10000x128xf32, #tpu.memory_space<hbm>>
        tpu.wait_indirect_dma semaphore(%arg24 : memref<!tpu.dma_semaphore, #tpu.memory_space<semaphore_mem>>) src(%dma_wait3A_273 : memref<10000x128xf32, #tpu.memory_space<hbm>>) dst(%arg20 : memref<128x128xf32, #tpu.memory_space<vmem>>)
        %add3A_274 = arith.constant 320000 : i32
        %add3A_275 = arith.addi %add3A_274, %mul3A_271 : i32
        %dma_wait3A_276 = tpu.memref_slice %arg3[%add3A_275] : memref<640000xi32, #tpu.memory_space<hbm>> -> memref<128xi32, #tpu.memory_space<hbm>>
        %dma_wait3A_277 = tpu.memref_slice %arg3[%add3A_275] : memref<640000xi32, #tpu.memory_space<hbm>> -> memref<128xi32, #tpu.memory_space<hbm>>
        tpu.wait_dma2 semaphore(%arg36 : memref<!tpu.dma_semaphore, #tpu.memory_space<semaphore_mem>>) src(%dma_wait3A_277 : memref<128xi32, #tpu.memory_space<hbm>>) dst(%arg17 : memref<128xi32, #tpu.memory_space<vmem>>)
        "tpu.region"() ({
          %run_scoped3A = tpu.sem_alloc : memref<!tpu.dma_semaphore, #tpu.memory_space<semaphore_mem>>
          %dma_start3A = arith.constant 0 : i32
          %dma_start3A_278 = arith.constant 0 : i32
          %dma_start3A_279 = tpu.memref_slice %arg21[%dma_start3A, %dma_start3A_278] : memref<10000x128xf32, #tpu.memory_space<vmem_shared>> -> memref<10000x128xf32, #tpu.memory_space<vmem_shared>>
          tpu.enqueue_indirect_dma source(%arg20 : memref<128x128xf32, #tpu.memory_space<vmem>>) target(%dma_start3A_279 : memref<10000x128xf32, #tpu.memory_space<vmem_shared>>) offsets(%arg17 : memref<128xi32, #tpu.memory_space<vmem>>) semaphore(%run_scoped3A : memref<!tpu.dma_semaphore, #tpu.memory_space<semaphore_mem>>) {add = true}
          %dma_wait3A_280 = arith.constant 0 : i32
          %dma_wait3A_281 = arith.constant 0 : i32
          %dma_wait3A_282 = tpu.memref_slice %arg21[%dma_wait3A_280, %dma_wait3A_281] : memref<10000x128xf32, #tpu.memory_space<vmem_shared>> -> memref<10000x128xf32, #tpu.memory_space<vmem_shared>>
          tpu.wait_indirect_dma semaphore(%run_scoped3A : memref<!tpu.dma_semaphore, #tpu.memory_space<semaphore_mem>>) src(%arg20 : memref<128x128xf32, #tpu.memory_space<vmem>>) dst(%dma_wait3A_282 : memref<10000x128xf32, #tpu.memory_space<vmem_shared>>)
          tpu.yield
        }) : () -> ()
      } else {
      }
      %add3A_247 = arith.constant 6 : i32
      %add3A_248 = arith.addi %add3A_238, %add3A_247 : i32
      %mul3A_249 = arith.constant 32 : i32
      %mul3A_250 = arith.muli %mul3A_249, %add3A_248 : i32
      %add3A_251 = arith.addi %add3A, %mul3A_250 : i32
      %lt3A_252 = arith.constant 2500 : i32
      %lt3A_253 = arith.cmpi slt, %add3A_251, %lt3A_252 : i32
      %convert_element_type3A_254 = arith.extui %lt3A_253 : i1 to i32
      %cond3A_255 = arith.constant 0 : i32
      %cond3A_256 = arith.cmpi ne, %convert_element_type3A_254, %cond3A_255 : i32
      scf.if %cond3A_256 {
        %mul3A_267 = arith.constant 32 : i32
        %mul3A_268 = arith.muli %mul3A_267, %add3A_248 : i32
        %add3A_269 = arith.addi %add3A, %mul3A_268 : i32
        %mul3A_270 = arith.constant 128 : i32
        %mul3A_271 = arith.muli %add3A_269, %mul3A_270 : i32
        %dma_start3A = tpu.memref_slice %arg3[%mul3A_271] : memref<640000xi32, #tpu.memory_space<hbm>> -> memref<128xi32, #tpu.memory_space<hbm>>
        %dma_start3A_272 = tpu.memref_slice %arg3[%mul3A_271] : memref<640000xi32, #tpu.memory_space<hbm>> -> memref<128xi32, #tpu.memory_space<hbm>>
        tpu.enqueue_dma source(%dma_start3A_272 : memref<128xi32, #tpu.memory_space<hbm>>) target(%arg11 : memref<128xi32, #tpu.memory_space<vmem>>) target_semaphore(%arg30 : memref<!tpu.dma_semaphore, #tpu.memory_space<semaphore_mem>>)
        %add3A_273 = arith.constant 320000 : i32
        %add3A_274 = arith.addi %add3A_273, %mul3A_271 : i32
        %dma_start3A_275 = tpu.memref_slice %arg3[%add3A_274] : memref<640000xi32, #tpu.memory_space<hbm>> -> memref<128xi32, #tpu.memory_space<hbm>>
        %dma_start3A_276 = tpu.memref_slice %arg3[%add3A_274] : memref<640000xi32, #tpu.memory_space<hbm>> -> memref<128xi32, #tpu.memory_space<hbm>>
        tpu.enqueue_dma source(%dma_start3A_276 : memref<128xi32, #tpu.memory_space<hbm>>) target(%arg17 : memref<128xi32, #tpu.memory_space<vmem>>) target_semaphore(%arg36 : memref<!tpu.dma_semaphore, #tpu.memory_space<semaphore_mem>>)
      } else {
      }
      %add3A_257 = arith.constant 3 : i32
      %add3A_258 = arith.addi %add3A_238, %add3A_257 : i32
      %mul3A_259 = arith.constant 32 : i32
      %mul3A_260 = arith.muli %mul3A_259, %add3A_258 : i32
      %add3A_261 = arith.addi %add3A, %mul3A_260 : i32
      %lt3A_262 = arith.constant 2500 : i32
      %lt3A_263 = arith.cmpi slt, %add3A_261, %lt3A_262 : i32
      %convert_element_type3A_264 = arith.extui %lt3A_263 : i1 to i32
      %cond3A_265 = arith.constant 0 : i32
      %cond3A_266 = arith.cmpi ne, %convert_element_type3A_264, %cond3A_265 : i32
      scf.if %cond3A_266 {
        %mul3A_267 = arith.constant 32 : i32
        %mul3A_268 = arith.muli %mul3A_267, %add3A_258 : i32
        %add3A_269 = arith.addi %add3A, %mul3A_268 : i32
        %mul3A_270 = arith.constant 128 : i32
        %mul3A_271 = arith.muli %add3A_269, %mul3A_270 : i32
        %dma_wait3A = tpu.memref_slice %arg3[%mul3A_271] : memref<640000xi32, #tpu.memory_space<hbm>> -> memref<128xi32, #tpu.memory_space<hbm>>
        %dma_wait3A_272 = tpu.memref_slice %arg3[%mul3A_271] : memref<640000xi32, #tpu.memory_space<hbm>> -> memref<128xi32, #tpu.memory_space<hbm>>
        tpu.wait_dma2 semaphore(%arg27 : memref<!tpu.dma_semaphore, #tpu.memory_space<semaphore_mem>>) src(%dma_wait3A_272 : memref<128xi32, #tpu.memory_space<hbm>>) dst(%arg8 : memref<128xi32, #tpu.memory_space<vmem>>)
        %dma_start3A = arith.constant 0 : i32
        %dma_start3A_273 = arith.constant 0 : i32
        %dma_start3A_274 = tpu.memref_slice %arg2[%dma_start3A, %dma_start3A_273] : memref<10000x128xf32, #tpu.memory_space<hbm>> -> memref<10000x128xf32, #tpu.memory_space<hbm>>
        tpu.enqueue_indirect_dma source(%dma_start3A_274 : memref<10000x128xf32, #tpu.memory_space<hbm>>) target(%arg20 : memref<128x128xf32, #tpu.memory_space<vmem>>) offsets(%arg8 : memref<128xi32, #tpu.memory_space<vmem>>) semaphore(%arg24 : memref<!tpu.dma_semaphore, #tpu.memory_space<semaphore_mem>>)
      } else {
      }
    }
    %scan3A_75 = arith.constant 14 : i32
    %barrier3A_76 = arith.constant 0 : index
    tpu.barrier barrier_id(%barrier3A_76)
    "tpu.region"() ({
      %run_scoped3A = tpu.sem_alloc : memref<!tpu.dma_semaphore, #tpu.memory_space<semaphore_mem>>
      %dma_start3A = arith.constant 0 : i32
      %dma_start3A_82 = arith.constant 0 : i32
      %dma_start3A_83 = tpu.memref_slice %arg5[%arg0, %dma_start3A, %dma_start3A_82] : memref<2x10000x128xf32, #tpu.memory_space<hbm>> -> memref<1x10000x128xf32, #tpu.memory_space<hbm>>
      %dma_start3A_84 = tpu.memref_squeeze %dma_start3A_83 : memref<1x10000x128xf32, #tpu.memory_space<hbm>> -> memref<10000x128xf32, #tpu.memory_space<hbm>>
      %dma_start3A_85 = arith.constant 0 : i32
      %dma_start3A_86 = tpu.memref_slice %dma_start3A_84[%mul3A_41, %dma_start3A_85] : memref<10000x128xf32, #tpu.memory_space<hbm>> -> memref<624x128xf32, #tpu.memory_space<hbm>>
      %dma_start3A_87 = arith.constant 0 : i32
      %dma_start3A_88 = tpu.memref_slice %arg21[%mul3A_41, %dma_start3A_87] : memref<10000x128xf32, #tpu.memory_space<vmem_shared>> -> memref<624x128xf32, #tpu.memory_space<vmem_shared>>
      tpu.enqueue_dma source(%dma_start3A_88 : memref<624x128xf32, #tpu.memory_space<vmem_shared>>) target(%dma_start3A_86 : memref<624x128xf32, #tpu.memory_space<hbm>>) target_semaphore(%run_scoped3A : memref<!tpu.dma_semaphore, #tpu.memory_space<semaphore_mem>>)
      %dma_wait3A = arith.constant 0 : i32
      %dma_wait3A_89 = arith.constant 0 : i32
      %dma_wait3A_90 = tpu.memref_slice %arg5[%arg0, %dma_wait3A, %dma_wait3A_89] : memref<2x10000x128xf32, #tpu.memory_space<hbm>> -> memref<1x10000x128xf32, #tpu.memory_space<hbm>>
      %dma_wait3A_91 = tpu.memref_squeeze %dma_wait3A_90 : memref<1x10000x128xf32, #tpu.memory_space<hbm>> -> memref<10000x128xf32, #tpu.memory_space<hbm>>
      %dma_wait3A_92 = arith.constant 0 : i32
      %dma_wait3A_93 = tpu.memref_slice %dma_wait3A_91[%mul3A_41, %dma_wait3A_92] : memref<10000x128xf32, #tpu.memory_space<hbm>> -> memref<624x128xf32, #tpu.memory_space<hbm>>
      %dma_wait3A_94 = arith.constant 0 : i32
      %dma_wait3A_95 = tpu.memref_slice %arg21[%mul3A_41, %dma_wait3A_94] : memref<10000x128xf32, #tpu.memory_space<vmem_shared>> -> memref<624x128xf32, #tpu.memory_space<vmem_shared>>
      tpu.wait_dma2 semaphore(%run_scoped3A : memref<!tpu.dma_semaphore, #tpu.memory_space<semaphore_mem>>) src(%dma_wait3A_95 : memref<624x128xf32, #tpu.memory_space<vmem_shared>>) dst(%dma_wait3A_93 : memref<624x128xf32, #tpu.memory_space<hbm>>)
      tpu.yield
    }) : () -> ()
    %lt3A_77 = arith.constant 2 : i32
    %lt3A_78 = arith.cmpi slt, %arg1, %lt3A_77 : i32
    %convert_element_type3A_79 = arith.extui %lt3A_78 : i1 to i32
    %cond3A_80 = arith.constant 0 : i32
    %cond3A_81 = arith.cmpi ne, %convert_element_type3A_79, %cond3A_80 : i32
    scf.if %cond3A_81 {
      "tpu.region"() ({
        %run_scoped3A = tpu.sem_alloc : memref<!tpu.dma_semaphore, #tpu.memory_space<semaphore_mem>>
        %dma_start3A = arith.constant 0 : i32
        %dma_start3A_82 = arith.constant 0 : i32
        %dma_start3A_83 = tpu.memref_slice %arg5[%arg0, %dma_start3A, %dma_start3A_82] : memref<2x10000x128xf32, #tpu.memory_space<hbm>> -> memref<1x10000x128xf32, #tpu.memory_space<hbm>>
        %dma_start3A_84 = tpu.memref_squeeze %dma_start3A_83 : memref<1x10000x128xf32, #tpu.memory_space<hbm>> -> memref<10000x128xf32, #tpu.memory_space<hbm>>
        %dma_start3A_85 = arith.constant 0 : i32
        %dma_start3A_86 = tpu.memref_slice %dma_start3A_84[%add3A_45, %dma_start3A_85] : memref<10000x128xf32, #tpu.memory_space<hbm>> -> memref<8x128xf32, #tpu.memory_space<hbm>>
        %dma_start3A_87 = arith.constant 0 : i32
        %dma_start3A_88 = tpu.memref_slice %arg21[%add3A_45, %dma_start3A_87] : memref<10000x128xf32, #tpu.memory_space<vmem_shared>> -> memref<8x128xf32, #tpu.memory_space<vmem_shared>>
        tpu.enqueue_dma source(%dma_start3A_88 : memref<8x128xf32, #tpu.memory_space<vmem_shared>>) target(%dma_start3A_86 : memref<8x128xf32, #tpu.memory_space<hbm>>) target_semaphore(%run_scoped3A : memref<!tpu.dma_semaphore, #tpu.memory_space<semaphore_mem>>)
        %dma_wait3A = arith.constant 0 : i32
        %dma_wait3A_89 = arith.constant 0 : i32
        %dma_wait3A_90 = tpu.memref_slice %arg5[%arg0, %dma_wait3A, %dma_wait3A_89] : memref<2x10000x128xf32, #tpu.memory_space<hbm>> -> memref<1x10000x128xf32, #tpu.memory_space<hbm>>
        %dma_wait3A_91 = tpu.memref_squeeze %dma_wait3A_90 : memref<1x10000x128xf32, #tpu.memory_space<hbm>> -> memref<10000x128xf32, #tpu.memory_space<hbm>>
        %dma_wait3A_92 = arith.constant 0 : i32
        %dma_wait3A_93 = tpu.memref_slice %dma_wait3A_91[%add3A_45, %dma_wait3A_92] : memref<10000x128xf32, #tpu.memory_space<hbm>> -> memref<8x128xf32, #tpu.memory_space<hbm>>
        %dma_wait3A_94 = arith.constant 0 : i32
        %dma_wait3A_95 = tpu.memref_slice %arg21[%add3A_45, %dma_wait3A_94] : memref<10000x128xf32, #tpu.memory_space<vmem_shared>> -> memref<8x128xf32, #tpu.memory_space<vmem_shared>>
        tpu.wait_dma2 semaphore(%run_scoped3A : memref<!tpu.dma_semaphore, #tpu.memory_space<semaphore_mem>>) src(%dma_wait3A_95 : memref<8x128xf32, #tpu.memory_space<vmem_shared>>) dst(%dma_wait3A_93 : memref<8x128xf32, #tpu.memory_space<hbm>>)
        tpu.yield
      }) : () -> ()
    } else {
    }
    return
  }
}

module attributes {stable_mosaic.version = 14 : i64} {
  func.func @body(%arg0: i32, %arg1: memref<1xf32, #tpu.memory_space<smem>>, %arg2: memref<5000x128xf32, #tpu.memory_space<vmem>>, %arg3: memref<2x5000x128xf32, #tpu.memory_space<vmem>>, %arg4: memref<128x128xf32, #tpu.memory_space<vmem>>, %arg5: memref<1x128xf32, #tpu.memory_space<vmem>>, %arg6: memref<128x128xf32, #tpu.memory_space<vmem>>, %arg7: memref<1x128xf32, #tpu.memory_space<vmem>>, %arg8: memref<5000x128xf32, #tpu.memory_space<vmem>>) attributes {dimension_semantics = [#tpu.dimension_semantics<arbitrary>], iteration_bounds = array<i64: 2>, scalar_prefetch = 0 : i64, scratch_operands = 0 : i64, tpu.core_type = #tpu.core_type<tc>, window_params = [{transform_indices = @transform_0, window_bounds = array<i64: 1>}, {transform_indices = @transform_1, window_bounds = array<i64: 5000, 128>}, {transform_indices = @transform_2, window_bounds = array<i64: 2, 5000, 128>}, {pipeline_mode = #tpu.pipeline_mode<synchronous>, transform_indices = @transform_3, window_bounds = array<i64: 128, 128>}, {pipeline_mode = #tpu.pipeline_mode<synchronous>, transform_indices = @transform_4, window_bounds = array<i64: 1, 128>}, {pipeline_mode = #tpu.pipeline_mode<synchronous>, transform_indices = @transform_5, window_bounds = array<i64: 128, 128>}, {pipeline_mode = #tpu.pipeline_mode<synchronous>, transform_indices = @transform_6, window_bounds = array<i64: 1, 128>}, {transform_indices = @transform_7, window_bounds = array<i64: 5000, 128>}]} {
    %get3A = arith.constant 0 : index
    %get3A_0 = arith.constant 0 : index
    %get3A_1 = vector.load %arg2[%get3A, %get3A_0] : memref<5000x128xf32, #tpu.memory_space<vmem>>, vector<5000x128xf32>
    %get3A_2 = arith.constant 0 : index
    %get3A_3 = memref.load %arg1[%get3A_2] : memref<1xf32, #tpu.memory_space<smem>>
    %add3A = arith.constant 1.000000e+00 : f32
    %add3A_4 = arith.addf %add3A, %get3A_3 : f32
    %mul3A = vector.broadcast %add3A_4 : f32 to vector<5000x128xf32>
    %mul3A_5 = arith.mulf %get3A_1, %mul3A : vector<5000x128xf32>
    %get3A_6 = arith.constant 0 : index
    %get3A_7 = arith.constant 0 : index
    %get3A_8 = arith.constant 0 : index
    %get3A_9 = vector.load %arg3[%get3A_6, %get3A_7, %get3A_8] : memref<2x5000x128xf32, #tpu.memory_space<vmem>>, vector<1x5000x128xf32>
    %get3A_10 = vector.shape_cast %get3A_9 : vector<1x5000x128xf32> to vector<5000x128xf32>
    %add3A_11 = arith.addf %mul3A_5, %get3A_10 : vector<5000x128xf32>
    %get3A_12 = arith.constant 1 : index
    %get3A_13 = arith.constant 0 : index
    %get3A_14 = arith.constant 0 : index
    %get3A_15 = vector.load %arg3[%get3A_12, %get3A_13, %get3A_14] : memref<2x5000x128xf32, #tpu.memory_space<vmem>>, vector<1x5000x128xf32>
    %get3A_16 = vector.shape_cast %get3A_15 : vector<1x5000x128xf32> to vector<5000x128xf32>
    %add3A_17 = arith.addf %add3A_11, %get3A_16 : vector<5000x128xf32>
    %get3A_18 = arith.constant 0 : index
    %get3A_19 = arith.constant 0 : index
    %get3A_20 = vector.load %arg4[%get3A_18, %get3A_19] : memref<128x128xf32, #tpu.memory_space<vmem>>, vector<128x128xf32>
    %dot_general3A = arith.constant dense<0.000000e+00> : vector<5000x128xf32>
    %dot_general3A_21 = tpu.matmul %add3A_17, %get3A_20, %dot_general3A {dimension_numbers = #tpu.dot_dimension_numbers<[1], [0], [0], [1], [0, 0, 1, 1], [], []>, transpose_lhs_hint = false} : vector<5000x128xf32>, vector<128x128xf32>, vector<5000x128xf32> -> vector<5000x128xf32>
    %get3A_22 = arith.constant 0 : index
    %get3A_23 = arith.constant 0 : index
    %get3A_24 = vector.load %arg5[%get3A_22, %get3A_23] : memref<1x128xf32, #tpu.memory_space<vmem>>, vector<1x128xf32>
    %add3A_25 = vector.broadcast %get3A_24 : vector<1x128xf32> to vector<5000x128xf32>
    %add3A_26 = arith.addf %dot_general3A_21, %add3A_25 : vector<5000x128xf32>
    %max3A = arith.constant 0.000000e+00 : f32
    %max3A_27 = vector.broadcast %max3A : f32 to vector<5000x128xf32>
    %max3A_28 = arith.maximumf %add3A_26, %max3A_27 : vector<5000x128xf32>
    %get3A_29 = arith.constant 0 : index
    %get3A_30 = arith.constant 0 : index
    %get3A_31 = vector.load %arg6[%get3A_29, %get3A_30] : memref<128x128xf32, #tpu.memory_space<vmem>>, vector<128x128xf32>
    %dot_general3A_32 = arith.constant dense<0.000000e+00> : vector<5000x128xf32>
    %dot_general3A_33 = tpu.matmul %max3A_28, %get3A_31, %dot_general3A_32 {dimension_numbers = #tpu.dot_dimension_numbers<[1], [0], [0], [1], [0, 0, 1, 1], [], []>, transpose_lhs_hint = false} : vector<5000x128xf32>, vector<128x128xf32>, vector<5000x128xf32> -> vector<5000x128xf32>
    %get3A_34 = arith.constant 0 : index
    %get3A_35 = arith.constant 0 : index
    %get3A_36 = vector.load %arg7[%get3A_34, %get3A_35] : memref<1x128xf32, #tpu.memory_space<vmem>>, vector<1x128xf32>
    %add3A_37 = vector.broadcast %get3A_36 : vector<1x128xf32> to vector<5000x128xf32>
    %add3A_38 = arith.addf %dot_general3A_33, %add3A_37 : vector<5000x128xf32>
    %max3A_39 = arith.constant 0.000000e+00 : f32
    %max3A_40 = vector.broadcast %max3A_39 : f32 to vector<5000x128xf32>
    %max3A_41 = arith.maximumf %add3A_38, %max3A_40 : vector<5000x128xf32>
    %swap3A = arith.constant 0 : index
    %swap3A_42 = arith.constant 0 : index
    %swap3A_43 = vector.load %arg8[%swap3A, %swap3A_42] : memref<5000x128xf32, #tpu.memory_space<vmem>>, vector<5000x128xf32>
    tpu.vector_store %arg8[%swap3A, %swap3A_42], %max3A_41 {strides = array<i32>} : memref<5000x128xf32, #tpu.memory_space<vmem>>, vector<5000x128xf32>,
    return
  }
  func.func @transform_0(%arg0: i32) -> i32 {
    %c0_i32 = arith.constant 0 : i32
    %c0_i32_0 = arith.constant 0 : i32
    return %c0_i32 : i32
  }
  func.func @transform_1(%arg0: i32) -> (i32, i32) {
    %c0_i32 = arith.constant 0 : i32
    %c0_i32_0 = arith.constant 0 : i32
    return %arg0, %c0_i32 : i32, i32
  }
  func.func @transform_2(%arg0: i32) -> (i32, i32, i32) {
    %c0_i32 = arith.constant 0 : i32
    %c0_i32_0 = arith.constant 0 : i32
    %c0_i32_1 = arith.constant 0 : i32
    return %c0_i32, %arg0, %c0_i32_0 : i32, i32, i32
  }
  func.func @transform_3(%arg0: i32) -> (i32, i32) {
    %c0_i32 = arith.constant 0 : i32
    %c0_i32_0 = arith.constant 0 : i32
    %c0_i32_1 = arith.constant 0 : i32
    return %c0_i32, %c0_i32_0 : i32, i32
  }
  func.func @transform_4(%arg0: i32) -> (i32, i32) {
    %c0_i32 = arith.constant 0 : i32
    %c0_i32_0 = arith.constant 0 : i32
    %c0_i32_1 = arith.constant 0 : i32
    return %c0_i32, %c0_i32_0 : i32, i32
  }
  func.func @transform_5(%arg0: i32) -> (i32, i32) {
    %c0_i32 = arith.constant 0 : i32
    %c0_i32_0 = arith.constant 0 : i32
    %c0_i32_1 = arith.constant 0 : i32
    return %c0_i32, %c0_i32_0 : i32, i32
  }
  func.func @transform_6(%arg0: i32) -> (i32, i32) {
    %c0_i32 = arith.constant 0 : i32
    %c0_i32_0 = arith.constant 0 : i32
    %c0_i32_1 = arith.constant 0 : i32
    return %c0_i32, %c0_i32_0 : i32, i32
  }
  func.func @transform_7(%arg0: i32) -> (i32, i32) {
    %c0_i32 = arith.constant 0 : i32
    %c0_i32_0 = arith.constant 0 : i32
    return %arg0, %c0_i32 : i32, i32
  }
}

module attributes {stable_mosaic.version = 14 : i64} {
  func.func @body(%arg0: i32, %arg1: memref<1xf32, #tpu.memory_space<smem>>, %arg2: memref<5000x128xf32, #tpu.memory_space<vmem>>, %arg3: memref<2x5000x128xf32, #tpu.memory_space<vmem>>, %arg4: memref<128x128xf32, #tpu.memory_space<vmem>>, %arg5: memref<1x128xf32, #tpu.memory_space<vmem>>, %arg6: memref<128x64xf32, #tpu.memory_space<vmem>>, %arg7: memref<1x64xf32, #tpu.memory_space<vmem>>, %arg8: memref<5000x64xf32, #tpu.memory_space<vmem>>) attributes {dimension_semantics = [#tpu.dimension_semantics<arbitrary>], iteration_bounds = array<i64: 2>, scalar_prefetch = 0 : i64, scratch_operands = 0 : i64, tpu.core_type = #tpu.core_type<tc>, window_params = [{transform_indices = @transform_0, window_bounds = array<i64: 1>}, {transform_indices = @transform_1, window_bounds = array<i64: 5000, 128>}, {transform_indices = @transform_2, window_bounds = array<i64: 2, 5000, 128>}, {pipeline_mode = #tpu.pipeline_mode<synchronous>, transform_indices = @transform_3, window_bounds = array<i64: 128, 128>}, {pipeline_mode = #tpu.pipeline_mode<synchronous>, transform_indices = @transform_4, window_bounds = array<i64: 1, 128>}, {pipeline_mode = #tpu.pipeline_mode<synchronous>, transform_indices = @transform_5, window_bounds = array<i64: 128, 64>}, {pipeline_mode = #tpu.pipeline_mode<synchronous>, transform_indices = @transform_6, window_bounds = array<i64: 1, 64>}, {transform_indices = @transform_7, window_bounds = array<i64: 5000, 64>}]} {
    %get3A = arith.constant 0 : index
    %get3A_0 = arith.constant 0 : index
    %get3A_1 = vector.load %arg2[%get3A, %get3A_0] : memref<5000x128xf32, #tpu.memory_space<vmem>>, vector<5000x128xf32>
    %get3A_2 = arith.constant 0 : index
    %get3A_3 = memref.load %arg1[%get3A_2] : memref<1xf32, #tpu.memory_space<smem>>
    %add3A = arith.constant 1.000000e+00 : f32
    %add3A_4 = arith.addf %add3A, %get3A_3 : f32
    %mul3A = vector.broadcast %add3A_4 : f32 to vector<5000x128xf32>
    %mul3A_5 = arith.mulf %get3A_1, %mul3A : vector<5000x128xf32>
    %get3A_6 = arith.constant 0 : index
    %get3A_7 = arith.constant 0 : index
    %get3A_8 = arith.constant 0 : index
    %get3A_9 = vector.load %arg3[%get3A_6, %get3A_7, %get3A_8] : memref<2x5000x128xf32, #tpu.memory_space<vmem>>, vector<1x5000x128xf32>
    %get3A_10 = vector.shape_cast %get3A_9 : vector<1x5000x128xf32> to vector<5000x128xf32>
    %add3A_11 = arith.addf %mul3A_5, %get3A_10 : vector<5000x128xf32>
    %get3A_12 = arith.constant 1 : index
    %get3A_13 = arith.constant 0 : index
    %get3A_14 = arith.constant 0 : index
    %get3A_15 = vector.load %arg3[%get3A_12, %get3A_13, %get3A_14] : memref<2x5000x128xf32, #tpu.memory_space<vmem>>, vector<1x5000x128xf32>
    %get3A_16 = vector.shape_cast %get3A_15 : vector<1x5000x128xf32> to vector<5000x128xf32>
    %add3A_17 = arith.addf %add3A_11, %get3A_16 : vector<5000x128xf32>
    %get3A_18 = arith.constant 0 : index
    %get3A_19 = arith.constant 0 : index
    %get3A_20 = vector.load %arg4[%get3A_18, %get3A_19] : memref<128x128xf32, #tpu.memory_space<vmem>>, vector<128x128xf32>
    %dot_general3A = arith.constant dense<0.000000e+00> : vector<5000x128xf32>
    %dot_general3A_21 = tpu.matmul %add3A_17, %get3A_20, %dot_general3A {dimension_numbers = #tpu.dot_dimension_numbers<[1], [0], [0], [1], [0, 0, 1, 1], [], []>, transpose_lhs_hint = false} : vector<5000x128xf32>, vector<128x128xf32>, vector<5000x128xf32> -> vector<5000x128xf32>
    %get3A_22 = arith.constant 0 : index
    %get3A_23 = arith.constant 0 : index
    %get3A_24 = vector.load %arg5[%get3A_22, %get3A_23] : memref<1x128xf32, #tpu.memory_space<vmem>>, vector<1x128xf32>
    %add3A_25 = vector.broadcast %get3A_24 : vector<1x128xf32> to vector<5000x128xf32>
    %add3A_26 = arith.addf %dot_general3A_21, %add3A_25 : vector<5000x128xf32>
    %max3A = arith.constant 0.000000e+00 : f32
    %max3A_27 = vector.broadcast %max3A : f32 to vector<5000x128xf32>
    %max3A_28 = arith.maximumf %add3A_26, %max3A_27 : vector<5000x128xf32>
    %get3A_29 = arith.constant 0 : index
    %get3A_30 = arith.constant 0 : index
    %get3A_31 = vector.load %arg6[%get3A_29, %get3A_30] : memref<128x64xf32, #tpu.memory_space<vmem>>, vector<128x64xf32>
    %dot_general3A_32 = arith.constant dense<0.000000e+00> : vector<5000x64xf32>
    %dot_general3A_33 = tpu.matmul %max3A_28, %get3A_31, %dot_general3A_32 {dimension_numbers = #tpu.dot_dimension_numbers<[1], [0], [0], [1], [0, 0, 1, 1], [], []>, transpose_lhs_hint = false} : vector<5000x128xf32>, vector<128x64xf32>, vector<5000x64xf32> -> vector<5000x64xf32>
    %get3A_34 = arith.constant 0 : index
    %get3A_35 = arith.constant 0 : index
    %get3A_36 = vector.load %arg7[%get3A_34, %get3A_35] : memref<1x64xf32, #tpu.memory_space<vmem>>, vector<1x64xf32>
    %add3A_37 = vector.broadcast %get3A_36 : vector<1x64xf32> to vector<5000x64xf32>
    %add3A_38 = arith.addf %dot_general3A_33, %add3A_37 : vector<5000x64xf32>
    %swap3A = arith.constant 0 : index
    %swap3A_39 = arith.constant 0 : index
    %swap3A_40 = vector.load %arg8[%swap3A, %swap3A_39] : memref<5000x64xf32, #tpu.memory_space<vmem>>, vector<5000x64xf32>
    tpu.vector_store %arg8[%swap3A, %swap3A_39], %add3A_38 {strides = array<i32>} : memref<5000x64xf32, #tpu.memory_space<vmem>>, vector<5000x64xf32>,
    return
  }
  func.func @transform_0(%arg0: i32) -> i32 {
    %c0_i32 = arith.constant 0 : i32
    %c0_i32_0 = arith.constant 0 : i32
    return %c0_i32 : i32
  }
  func.func @transform_1(%arg0: i32) -> (i32, i32) {
    %c0_i32 = arith.constant 0 : i32
    %c0_i32_0 = arith.constant 0 : i32
    return %arg0, %c0_i32 : i32, i32
  }
  func.func @transform_2(%arg0: i32) -> (i32, i32, i32) {
    %c0_i32 = arith.constant 0 : i32
    %c0_i32_0 = arith.constant 0 : i32
    %c0_i32_1 = arith.constant 0 : i32
    return %c0_i32, %arg0, %c0_i32_0 : i32, i32, i32
  }
  func.func @transform_3(%arg0: i32) -> (i32, i32) {
    %c0_i32 = arith.constant 0 : i32
    %c0_i32_0 = arith.constant 0 : i32
    %c0_i32_1 = arith.constant 0 : i32
    return %c0_i32, %c0_i32_0 : i32, i32
  }
  func.func @transform_4(%arg0: i32) -> (i32, i32) {
    %c0_i32 = arith.constant 0 : i32
    %c0_i32_0 = arith.constant 0 : i32
    %c0_i32_1 = arith.constant 0 : i32
    return %c0_i32, %c0_i32_0 : i32, i32
  }
  func.func @transform_5(%arg0: i32) -> (i32, i32) {
    %c0_i32 = arith.constant 0 : i32
    %c0_i32_0 = arith.constant 0 : i32
    %c0_i32_1 = arith.constant 0 : i32
    return %c0_i32, %c0_i32_0 : i32, i32
  }
  func.func @transform_6(%arg0: i32) -> (i32, i32) {
    %c0_i32 = arith.constant 0 : i32
    %c0_i32_0 = arith.constant 0 : i32
    %c0_i32_1 = arith.constant 0 : i32
    return %c0_i32, %c0_i32_0 : i32, i32
  }
  func.func @transform_7(%arg0: i32) -> (i32, i32) {
    %c0_i32 = arith.constant 0 : i32
    %c0_i32_0 = arith.constant 0 : i32
    return %arg0, %c0_i32 : i32, i32
  }
}

</mosaic_0001>

<sc_bundles>
// kernel: kernel.6.cloned.1.call-start
scs
__scs_entry_jumppad:
0x0: {  	(pc) =	sbr.rel $0x88, $3  }
0x1: {  	(tag) =	ssettag $0x0;
	lr =	simm.s32 $0x1  }
0x2: {  	[smem:$0x3F95] =	sst lr;
	_ =	strace $0xD0000000  }
0x3: {  	_ = 	snop  }
0x4: {  	_ = 	snop  }
0x5: {  	_ = 	snop  }
0x6: {  	_ = 	snop  }
0x7: {  	_ = 	snop  }
__scs_overlays_trampoline_lowered:
0x8: {  	[smem:$0x3FA4] =	sst s0  }
0x9: {  	[smem:$0x3FA5] =	sst s1  }
0xa: {  	[smem:$0x3FA6] =	sst s2  }
0xb: {  	[smem:$0x3FA7] =	sst s3  }
0xc: {  	[smem:$0x3FA8] =	sst s4  }
0xd: {  	[smem:$0x3FA9] =	sst s5  }
0xe: {  	[smem:$0x3FAA] =	sst s6  }
0xf: {  	[smem:$0x3FAB] =	sst s7  }
0x10: {  	[smem:$0x3FAC] =	sst s8  }
0x11: {  	[smem:$0x3FAD] =	sst s9;
	s0 =	simm.s32 @!p0 $0x0  }
0x12: {  	s1 =	sld [smem:$0x3F93];
	s0 =	simm.s32 @p0 $0x1  }
0x13: {  	[smem:$0x3FAE] =	sst s0;
	s0 =	simm.s32 @!p1 $0x0  }
0x14: {  	s2 =	sld [smem:$0x3F92];
	s0 =	simm.s32 @p1 $0x1  }
0x15: {  	[smem:$0x3FAF] =	sst s0;
	s0 =	simm.s32 @!p2 $0x0  }
0x16: {  	s3 =	sld [smem:$0x3FDB];
	s0 =	simm.s32 @p2 $0x1  }
0x17: {  	s4 =	simm.s32 $0x1BF5;
	[smem:$0x3FB1] =	sst s0  }
0x18: {  	s0 =	sld [smem:$0x3F94];
	_ =	swait.ge [sflag:s4], $0x0  }
0x19: {  	s7 =	sld [smem:$0x3F95]  }
0x1a: {  	s8 =	sadd.s32 $0xFFFFE003, lr  }
0x1b: {  	s9 =	sadd.s32 $0xFFFFFEF7, lr;
	s5 =	simm.s32 $0xFFFFFFFF;
	p2 =	slt.u32 s8, $0xFFFFF086  }
0x1c: {  	p1 =	slt.u32 s9, $0xF7A;
	s5 =	simm.s32 @!p2 $0x0  }
0x1d: {  	s5 =	simm.s32 @p1 $0x1;
	p0 =	seq.s32 s7, s2  }
0x1e: {  	s7 =	smul.u32 @!p0 $0xF7A, s2;
	p2 =	seq.s32 @!p0 s5, $0x0  }
0x1f: {  	s9 =	smul.u32 $0xF7A, s1;
	s8 =	simm.s32 @!p0 $0x1BF5;
	p2 =	por !p2, p0  }
0x20: {  	[sflag:s8] =	ssyncset.s32 @!p0 $0xFFFFF086;
	s6 =	sadd.s32 @!p0 s3, s7;
	s7 =	simm.s32 @!p0 $0x108  }
0x21: {  	s3 =	sadd.s32 s3, s9;
	s6 =	sadd.s32 @!p0 $0x88, s6;
	s7 =	simm.s32 @p2 $0x1082  }
0x22: {  	[simem:s7], [sflag:s8] =	dma.local @!p0 [hbm:s6], $0xF7A  }
0x23: {  	s9 =	sor.u32 $0xD0000000, s2;
	s6 =	simm.s32 $0x108;
	_ =	swait.ge @!p0 [sflag:s8], $0x0  }
0x24: {  	s3 =	sadd.s32 $0x88, s3;
	s6 =	simm.s32 @!p1 $0x1082;
	[sflag:s4] =	ssyncset.s32 $0xFFFFF086  }
0x25: {  	[simem:s6], [sflag:s4] =	dma.local [hbm:s3], $0xF7A  }
0x26: {  	[smem:$0x3F95] =	sst s1;
	(tag) =	ssettag s2;
	_ =	strace s9  }
0x27: {  	s1 =	sld [smem:$0x3FA5]  }
0x28: {  	s2 =	sld [smem:$0x3FA6]  }
0x29: {  	s4 =	sld [smem:$0x3FA8]  }
0x2a: {  	p0 =	seq.s32 s5, $0x0;
	s5 =	sld [smem:$0x3FA9]  }
0x2b: {  	s6 =	sld [smem:$0x3FAA]  }
0x2c: {  	s7 =	sld [smem:$0x3FAB]  }
0x2d: {  	s3 =	simm.s32 $0x108;
	s8 =	sld [smem:$0x3FAC]  }
0x2e: {  	s3 =	simm.s32 @!p0 $0x1082;
	s9 =	sld [smem:$0x3FAD]  }
0x2f: {  	lr =	sadd.s32 s0, s3;
	s0 =	sld [smem:$0x3FA4]  }
0x30: {  	s3 =	sld [smem:$0x3FA7]  }
0x31: {  	[smem:$0x3FB0] =	sst s10  }
0x32: {  	s10 =	sld [smem:$0x3FAE];
	_ =	sdelay $0x3  }
0x33: {  	p0 =	seq.s32 s10, $0x1;
	s10 =	sld [smem:$0x3FB0];
	_ =	sdelay $0x3  }
0x34: {  	[smem:$0x3FB0] =	sst s10  }
0x35: {  	s10 =	sld [smem:$0x3FAF];
	_ =	sdelay $0x3  }
0x36: {  	p1 =	seq.s32 s10, $0x1;
	s10 =	sld [smem:$0x3FB0];
	_ =	sdelay $0x3  }
0x37: {  	[smem:$0x3FB0] =	sst s10  }
0x38: {  	s10 =	sld [smem:$0x3FB1]  }
0x39: {  	_ = 	snop;
	(pc) =	sbr.ind lr, $3  }
0x3a: {  	_ = 	snop  }
0x3b: {  	_ = 	snop  }
0x3c: {  	p2 =	seq.s32 s10, $0x1;
	s10 =	sld [smem:$0x3FB0]  }
0x3d: {  	_ =	shalt  }
0x3e: {  	_ =	shalt  }
0x3f: {  	_ =	shalt  }
0x40: {  	_ =	shalt  }
0x41: {  	_ =	shalt  }
0x42: {  	_ =	shalt  }
0x43: {  	_ =	shalt  }
0x44: {  	_ =	shalt  }
0x45: {  	_ =	shalt  }
0x46: {  	_ =	shalt  }
0x47: {  	_ =	shalt  }
0x48: {  	_ =	shalt  }
0x49: {  	_ =	shalt  }
0x4a: {  	_ =	shalt  }
0x4b: {  	_ =	shalt  }
0x4c: {  	_ =	shalt  }
0x4d: {  	_ =	shalt  }
0x4e: {  	_ =	shalt  }
0x4f: {  	_ =	shalt  }
0x50: {  	_ =	shalt  }
0x51: {  	_ =	shalt  }
0x52: {  	_ =	shalt  }
0x53: {  	_ =	shalt  }
0x54: {  	_ =	shalt  }
0x55: {  	_ =	shalt  }
0x56: {  	_ =	shalt  }
0x57: {  	_ =	shalt  }
0x58: {  	_ =	shalt  }
0x59: {  	_ =	shalt  }
0x5a: {  	_ =	shalt  }
0x5b: {  	_ =	shalt  }
0x5c: {  	_ =	shalt  }
0x5d: {  	_ =	shalt  }
0x5e: {  	_ =	shalt  }
0x5f: {  	_ =	shalt  }
0x60: {  	_ =	shalt  }
0x61: {  	_ =	shalt  }
0x62: {  	_ =	shalt  }
0x63: {  	_ =	shalt  }
0x64: {  	_ =	shalt  }
0x65: {  	_ =	shalt  }
0x66: {  	_ =	shalt  }
0x67: {  	_ =	shalt  }
0x68: {  	_ =	shalt  }
0x69: {  	_ =	shalt  }
0x6a: {  	_ =	shalt  }
0x6b: {  	_ =	shalt  }
0x6c: {  	_ =	shalt  }
0x6d: {  	_ =	shalt  }
0x6e: {  	_ =	shalt  }
0x6f: {  	_ =	shalt  }
0x70: {  	_ =	shalt  }
0x71: {  	_ =	shalt  }
0x72: {  	_ =	shalt  }
0x73: {  	_ =	shalt  }
0x74: {  	_ =	shalt  }
0x75: {  	_ =	shalt  }
0x76: {  	_ =	shalt  }
0x77: {  	_ =	shalt  }
0x78: {  	_ =	shalt  }
0x79: {  	_ =	shalt  }
0x7a: {  	_ =	shalt  }
0x7b: {  	_ =	shalt  }
0x7c: {  	_ =	shalt  }
0x7d: {  	_ =	shalt  }
0x7e: {  	_ =	shalt  }
0x7f: {  	_ =	shalt  }
0x80: {  	_ =	shalt  }
0x81: {  	_ =	shalt  }
0x82: {  	_ =	shalt  }
0x83: {  	_ =	shalt  }
0x84: {  	_ =	shalt  }
0x85: {  	_ =	shalt  }
0x86: {  	_ =	shalt  }
0x87: {  	_ =	shalt  }
.Lfunc_end0:
.L_simem_size_0:
called_computation_lowered:
.L_overlay_start_0:
0x88: {  	s2 =	sld [smem:$0x3FD9]  }
0x89: {  	s3 =	sld [smem:$0x3FFE];
	_ =	sdelay $0x1  }
0x8a: {  	s1 =	srdreg.scid  }
0x8b: {  	s0 =	sand.u32 $0x1, s1  }
0x8c: {  	s17 =	sshll.u32 s0, $0xA;
	s2 =	sadd.s32 s3, s2  }
0x8d: {  	s2 =	sadd.s32 s2, s17  }
0x8e: {  	[smem:$0x3FBC] =	sst s2  }
0x8f: {  	_ = 	snop  }
0x90: {  	s2 =	sld [smem:$0x3FC9]  }
0x91: {  	s18 =	sld [smem:$0x3FD0];
	(tm) =	ssettm $0x1  }
0x92: {  	s4 =	sld [smem:$0x3FFB];
	_ =	sdelay $0x3  }
0x93: {  	_ =	strace s4  }
0x94: {  	s4 =	sld [smem:$0x3FFC];
	_ =	sdelay $0x3  }
0x95: {  	_ =	strace s4  }
0x96: {  	s4 =	sld [smem:$0x3FFD];
	_ =	sdelay $0x3  }
0x97: {  	_ =	strace s4  }
0x98: {  	_ =	strace $0x8FFFFFFF  }
0x99: {  	s19 =	sld [smem:$0x3FDB];
	_ =	sdelay $0x1  }
0x9a: {  	s5 =	simm.s32 $_scs_section_size  }
0x9b: {  	s6 =	simm.s32 $_size__tile_overlayer_lowered;
	s7 =	simm.s32 $_tile_overlayer_lowered  }
0x9c: {  	s22 =	simm.s32 $0x1BFF;
	s21 =	sshll.u32 s7, $0x1;
	s4 =	sadd.s32 s5, s19  }
0x9d: {  	s8 =	simm.s32 $0x0;
	s20 =	sshll.u32 s6, $0x1;
	s6 =	sadd.s32 s21, s4  }
0x9e: {  	[timem:s8], [sflag:s22] =	dma.local [hbm:s6], s20  }
0x9f: {  	_ =	swait.ge [sflag:s22], s20  }
0xa0: {  	s5 =	ssub.s32 $0x0, s20;
	[sflag:s22] =	ssyncset.done $0x0  }
0xa1: {  	[sflag:s22] =	ssyncadd.s32 s5;
	_ =	sdelay $0x1  }
0xa2: {  	s23 =	simm.s32 $0x1B8B  }
0xa3: {  	_ =	swait.ge [sflag:s23], $0x1  }
0xa4: {  	[sflag:s23] =	ssyncset.done $0x0  }
0xa5: {  	s25 =	simm.s32 $0x1B8E;
	s24 =	sld [smem:$0x3FFE];
	[sflag:s23] =	ssyncadd.s32 $0xFFFFFFFF  }
0xa6: {  	s26 =	simm.s32 $execute0_lowered;
	[smem:$0x3FD2] =	sst s25  }
0xa7: {  	s6 =	sshll.u32 s26, $0x1;
	_ =	strace $0x80000046;
	[dreg:$0x1] =	wrdreg $0xFFFFFFFF  }
0xa8: {  	s28 =	simm.s32 $_size_execute0_lowered;
	s4 =	sadd.s32 s4, s6;
	[dreg:$0x0] =	wrdreg $0x0  }
0xa9: {  	s6 =	sshll.u32 s28, $0x1;
	[dreg:$0x2] =	wrdreg s4  }
0xaa: {  	[dreg:$0x3] =	wrdreg s6  }
0xab: {  	[dreg:$0x4] =	wrdreg $0xC0  }
0xac: {  	_ =	task [dreg:s8], $0x5FFFF  }
0xad: {  	[dreg:$0x1] =	wrdreg $0xFFFFFFFF  }
0xae: {  	[dreg:$0x0] =	wrdreg $0x60  }
0xaf: {  	[dreg:$0x2] =	wrdreg s2  }
0xb0: {  	[dreg:$0x3] =	wrdreg s18  }
0xb1: {  	[dreg:$0x4] =	wrdreg s24  }
0xb2: {  	[dreg:$0x5] =	wrdreg $0xC6000  }
0xb3: {  	[dreg:$0x6] =	wrdreg $0x9  }
0xb4: {  	_ =	task.clear_ibuf [dreg:s8], $0x7FFFF;
	_ =	strace $0x90000046  }
0xb5: {  	s29 =	simm.s32 $0x9;
	_ =	strace $0x80000048  }
0xb6: {  	_ =	swait.ge [sflag:s29], $0x1  }
0xb7: {  	[sflag:s29] =	ssyncadd.s32 $0xFFFFFFFF  }
0xb8: {  	_ =	strace $0x90000048  }
0xb9: {  	_ =	sfence  }
0xba: {  	s30 =	sld [smem:$0x0];
	_ =	sdelay $0x2  }
0xbb: {  	s31 =	sshll.u32 s1, $0xD;
	s1 =	sshrl.u32 s1, $0x2  }
0xbc: {  	s3 =	sand.u32 $0x4000, s31;
	s1 =	sadd.s32 s1, s30  }
0xbd: {  	s0 =	sor.u32 s3, s0;
	s1 =	sshll.u32 s1, $0x11  }
0xbe: {  	s0 =	sor.u32 s1, s0  }
0xbf: {  	s0 =	sadd.s32 $0x8F2B, s0  }
0xc0: {  	[sflag:s0] =	ssyncadd.remote.s32 $0x1  }
0xc1: {  	_ =	sfence.sel $0xFFFF  }
0xc2: {  	[dreg:$0x0] =	wrdreg $0xFFFFFFFF;
	(pc) =	sbr.abs _section_cstart, $3  }
0xc3: {  	[dreg:$0x1] =	wrdreg $0xFFFFFFFF  }
0xc4: {  	_ =	task.clear_ibuf [dreg:s8], $0x2FFFF;
	_ =	strace $0x9FFFFFFF  }
0xc5: {  	(tm) =	ssettm $0x7FFFFFFF  }
tec
execute0_lowered:
.L_overlay_start_1:
0x0: {  	(tag) =	ssettag $0x1  }
0x1: {  	s1 =	rddreg [dreg:$0x0];
	s5 =	srdreg.scid  }
0x2: {  	s0 =	rddreg [dreg:$0x1];
	s7 =	sand.u32 $0x1, s5  }
0x3: {  	s3 =	rddreg [dreg:$0x2];
	s13 =	stileid.u32;
	s5 =	sshll.u32 s7, $0x4  }
0x4: {  	s2 =	rddreg [dreg:$0x3];
	s4 =	simm.s32 $0x0;
	s5 =	sor.u32 s13, s5  }
0x5: {  	[smem:$0x7FF] =	sst s4;
	s12 =	smul.u32 $0x4E000, s13;
	s14 =	ssub.s32 $0x9C4, s5  }
0x6: {  	_ =	strace $0x80000047;
	s15 =	ssub.s32 $0x964, s5;
	[dreg:$0x5] =	wrdreg s14  }
0x7: {  	s16 =	ssub.s32 $0x944, s5;
	[dreg:$0x6] =	wrdreg s15  }
0x8: {  	s12 =	sshrl.u32 s12, $0x2;
	s17 =	ssub.s32 $0x984, s5;
	[dreg:$0x8] =	wrdreg s16  }
0x9: {  	s8 =	sadd.s32 $0x2800, s3;
	s12 =	sadd.s32 s12, s2;
	[dreg:$0x9] =	wrdreg s17  }
0xa: {  	s6 =	smul.u32 $0x27100, s7;
	s18 =	ssub.s32 $0x924, s5;
	[dreg:$0x16] =	wrdreg s12  }
0xb: {  	s10 =	sshll.u32 s5, $0x4;
	s19 =	ssub.s32 $0x9A4, s5;
	[dreg:$0xa] =	wrdreg s18  }
0xc: {  	s3 =	sadd.s32 s6, s3;
	s6 =	sadd.s32 s0, s10;
	[dreg:$0x7] =	wrdreg s19  }
0xd: {  	s10 =	sadd.s32 $0x9C40, s6;
	[dreg:$0xb] =	wrdreg s6  }
0xe: {  	s30 =	simm.s32 $0x80;
	s20 =	sadd.s32 $0x200, s6;
	[dreg:$0xc] =	wrdreg s10  }
0xf: {  	s29 =	simm.s32 $0x10;
	s21 =	sadd.s32 $0x9E40, s6;
	[dreg:$0xd] =	wrdreg s20  }
0x10: {  	s31 =	sshll.u32 s13, $0x3;
	s22 =	sadd.s32 $0x400, s6;
	[dreg:$0xe] =	wrdreg s21  }
0x11: {  	p1 =	sgt.u32 s13, $0x1;
	s23 =	sadd.s32 $0xA040, s6;
	[dreg:$0xf] =	wrdreg s22  }
0x12: {  	s9 =	ssub.s32 $0x2, s7;
	s24 =	sadd.s32 $0x600, s6;
	[dreg:$0x10] =	wrdreg s23  }
0x13: {  	s7 =	sshll.u32 s7, $0x8;
	s25 =	sadd.s32 $0xA240, s6;
	[dreg:$0x11] =	wrdreg s24  }
0x14: {  	s11 =	sshrl.u32 s9, $0x1;
	s26 =	sadd.s32 $0x800, s6;
	[dreg:$0x12] =	wrdreg s25  }
0x15: {  	s14 =	smul.u32 $0x2700, s13;
	s28 =	sadd.s32 $0xA440, s6;
	[dreg:$0x13] =	wrdreg s26  }
0x16: {  	s9 =	ssub.s32 s9, s11;
	s0 =	sadd.s32 s7, s0;
	[dreg:$0x14] =	wrdreg s28  }
0x17: {  	s7 =	simm.s32 $0x6;
	[dreg:$0x15] =	wrdreg s14;
	s20 =	sadd.s32 s8, s14  }
0x18: {  	s10 =	sor.u32 $0x2700, s31;
	s26 =	smax.u32 s9, $0x1;
	[dreg:$0x17] =	wrdreg s20  }
0x19: {  	s21 =	sshll.u32 s13, $0x6;
	s28 =	sadd.s32 $0xA00, s6;
	[dreg:$0x1b] =	wrdreg s26  }
0x1a: {  	s22 =	sshll.u32 s13, $0x4;
	s31 =	sadd.s32 $0xA640, s6;
	[dreg:$0x1c] =	wrdreg s28  }
0x1b: {  	s23 =	sshll.u32 s10, $0x7;
	s24 =	sshll.u32 s10, $0x4;
	[dreg:$0x1d] =	wrdreg s31  }
0x1c: {  	s19 =	sadd.s32 s22, s0;
	s0 =	sadd.s32 s23, s2;
	[dreg:$0x18] =	wrdreg s24  }
0x1d: {  	s25 =	sadd.s32 s8, s24;
	[dreg:$0x19] =	wrdreg s0;
	s0 =	simm.s32 @!p1 $0x0  }
0x1e: {  	s21 =	sor.u32 $0x1C10, s21;
	[dreg:$0x1a] =	wrdreg s25;
	s0 =	simm.s32 @p1 $0x1  }
0x1f: {  	s24 =	sadd.s32 $0x29A00, s3;
	s8 =	simm.s32 $0x0;
	[smem:$0x7FD] =	sst s0  }
.LBB2_1:
0x20: {  	s0 =	rddreg [dreg:$0xb]  }
0x21: {  	s6 =	rddreg [dreg:$0xc]  }
0x22: {  	s9 =	rddreg [dreg:$0xd]  }
0x23: {  	[tilespmem:s4], [sflag:$0x4] =	stream.linear.gather [hbm4b:s0+s4], $0x80, $0x38;
	[tilespmem:$0x1FE80] =	vst v63  }
0x24: {  	s3 =	simm.s32 $0x300;
	s10 =	rddreg [dreg:$0xe]  }
0x25: {  	[tilespmem:s3], [sflag:$0xA] =	stream.linear.gather [hbm4b:s6+s4], $0x80, $0x38;
	[tilespmem:$0x1FE80] =	vst v63  }
0x26: {  	s12 =	rddreg [dreg:$0xf]  }
0x27: {  	[tilespmem:s30], [sflag:$0x5] =	stream.linear.gather [hbm4b:s9+s4], $0x80, $0x38;
	[tilespmem:$0x1FE80] =	vst v63  }
0x28: {  	s11 =	simm.s32 $0x380;
	s13 =	rddreg [dreg:$0x10]  }
0x29: {  	[tilespmem:s11], [sflag:$0xB] =	stream.linear.gather [hbm4b:s10+s4], $0x80, $0x38;
	[tilespmem:$0x1FE80] =	vst v63  }
0x2a: {  	s14 =	rddreg [dreg:$0x11];
	s3 =	simm.s32 $0x100  }
0x2b: {  	[tilespmem:s3], [sflag:$0x6] =	stream.linear.gather [hbm4b:s12+s4], $0x80, $0x38;
	[tilespmem:$0x1FE80] =	vst v63  }
0x2c: {  	s16 =	rddreg [dreg:$0x12];
	s6 =	simm.s32 $0x400  }
0x2d: {  	[tilespmem:s6], [sflag:$0xC] =	stream.linear.gather [hbm4b:s13+s4], $0x80, $0x38;
	[tilespmem:$0x1FE80] =	vst v63  }
0x2e: {  	s15 =	simm.s32 $0x180;
	s18 =	rddreg [dreg:$0x13]  }
0x2f: {  	[tilespmem:s15], [sflag:$0x7] =	stream.linear.gather [hbm4b:s14+s4], $0x80, $0x38;
	[tilespmem:$0x1FE80] =	vst v63  }
0x30: {  	s17 =	simm.s32 $0x480;
	s22 =	rddreg [dreg:$0x14]  }
0x31: {  	[tilespmem:s17], [sflag:$0xD] =	stream.linear.gather [hbm4b:s16+s4], $0x80, $0x38;
	[tilespmem:$0x1FE80] =	vst v63  }
0x32: {  	s20 =	simm.s32 $0x200;
	s25 =	rddreg [dreg:$0x1c]  }
0x33: {  	[tilespmem:s20], [sflag:$0x8] =	stream.linear.gather [hbm4b:s18+s4], $0x80, $0x38;
	[tilespmem:$0x1FE80] =	vst v63  }
0x34: {  	s23 =	simm.s32 $0x500;
	s28 =	rddreg [dreg:$0x1d]  }
0x35: {  	[tilespmem:s23], [sflag:$0xE] =	stream.linear.gather [hbm4b:s22+s4], $0x80, $0x38;
	[tilespmem:$0x1FE80] =	vst v63  }
0x36: {  	s26 =	simm.s32 $0x280;
	s9 =	rddreg [dreg:$0x16]  }
0x37: {  	[tilespmem:s26], [sflag:$0x9] =	stream.linear.gather [hbm4b:s25+s4], $0x80, $0x38;
	[tilespmem:$0x1FE80] =	vst v63  }
0x38: {  	s31 =	simm.s32 $0x580;
	s9 =	sshrl.u32 s9, $0x3;
	s10 =	rddreg [dreg:$0x17]  }
0x39: {  	[tilespmem:s31], [sflag:$0xF] =	stream.linear.gather [hbm4b:s28+s4], $0x80, $0x38;
	[tilespmem:$0x1FE80] =	vst v63  }
0x3a: {  	[spmem:s9], [sflag:s21] =	dma.local [hbm:s10], $0x2700  }
0x3b: {  	_ =	swait.ge [sflag:s29], $0x2700  }
0x3c: {  	[sflag:s29] =	ssyncset.done $0x0;
	s0 =	rddreg [dreg:$0x19]  }
0x3d: {  	[sflag:s29] =	ssyncadd.s32 $0xFFFFD900;
	s10 =	sshrl.u32 @!p1 s0, $0x3;
	s0 =	rddreg [dreg:$0x1a]  }
0x3e: {  	[spmem:s10], [sflag:s21] =	dma.local @!p1 [hbm:s0], $0x80  }
0x3f: {  	s0 =	simm.s32 @!p1 $0x10  }
0x40: {  	_ =	swait.ge @!p1 [sflag:s0], $0x80  }
0x41: {  	[sflag:s0] =	ssyncset.done @!p1 $0x0  }
0x42: {  	[sflag:s0] =	ssyncadd.s32 @!p1 $0xFFFFFF80  }
0x43: {  	s11 =	simm.s32 $0x4;
	[bflag:$0x0] =	sbarrier.arrive $0xFFFF  }
0x44: {  	_ =	swait.ge [sflag:s11], $0x80  }
0x45: {  	[sflag:s11] =	ssyncset.done $0x0  }
0x46: {  	s12 =	simm.s32 $0x600;
	s13 =	simm.s32 $0x5;
	[sflag:s11] =	ssyncadd.s32 $0xFFFFFF80  }
0x47: {  	[tilespmem:s12], [sflag:$0x1] =	stream.indirect.gather [hbm4b:s1+s30], $0x80, s4, s30, $0xb8;
	[tilespmem:$0x1FE80] =	vst v63  }
0x48: {  	_ =	swait.ge [sflag:s13], $0x80  }
0x49: {  	[sflag:s13] =	ssyncset.done $0x0  }
0x4a: {  	s14 =	simm.s32 $0x4600;
	[sflag:s13] =	ssyncadd.s32 $0xFFFFFF80  }
0x4b: {  	[tilespmem:s14], [sflag:$0x2] =	stream.indirect.gather [hbm4b:s1+s30], $0x80, s30, s30, $0xb8;
	[tilespmem:$0x1FE80] =	vst v63  }
0x4c: {  	_ =	swait.ge [sflag:s7], $0x80  }
0x4d: {  	[sflag:s7] =	ssyncset.done $0x0;
	s15 =	rddreg [dreg:$0x5]  }
0x4e: {  	s16 =	simm.s32 $0x8600;
	[sflag:s7] =	ssyncadd.s32 $0xFFFFFF80;
	p1 =	sle.u32 s15, $0x0  }
0x4f: {  	[tilespmem:s16], [sflag:$0x3] =	stream.indirect.gather [hbm4b:s1+s30], $0x80, s3, s30, $0xb8;
	[tilespmem:$0x1FE80] =	vst v63  }
0x50: {  	s0 =	simm.s32 @!p1 $0x1  }
0x51: {  	_ =	swait.ge @!p1 [sflag:s0], $0x4000  }
0x52: {  	[sflag:s0] =	ssyncset.done @!p1 $0x0  }
0x53: {  	s11 =	sadd.s32 $0x0, s5;
	[sflag:s0] =	ssyncadd.s32 @!p1 $0xFFFFC000;
	s0 =	simm.s32 @!p1 $0xA  }
0x54: {  	s14 =	sadd.s32 $0xC0, s11;
	_ =	swait.ge @!p1 [sflag:s0], $0x80  }
0x55: {  	s12 =	simm.s32 @!p1 $0x10;
	s13 =	simm.s32 @!p1 $0x600;
	[sflag:s0] =	ssyncset.done @!p1 $0x0  }
0x56: {  	s15 =	simm.s32 @!p1 $0x300;
	[sflag:s0] =	ssyncadd.s32 @!p1 $0xFFFFFF80;
	s0 =	simm.s32 @!p1 $0x80  }
0x57: {  	[spmem:s2] =	stream.indirect.scatter.add.f32 @!p1 [tilespmem:s13], [sflag:$0x10], $0x80, s15, s0, $0xb8;
	[tilespmem:$0x1FE80] =	vst v63  }
0x58: {  	p0 =	sgt.u32 s14, $0x9C3;
	_ =	swait.ge @!p1 [sflag:s12], $0x4000  }
0x59: {  	s13 =	sadd.s32 @!p0 $0x0, s19;
	s0 =	simm.s32 @!p0 $0x0;
	[sflag:s12] =	ssyncset.done @!p1 $0x0  }
0x5a: {  	s17 =	rddreg [dreg:$0x6];
	[sflag:s12] =	ssyncadd.s32 @!p1 $0xFFFFC000;
	s12 =	sadd.s32 @!p0 $0xC00, s13  }
0x5b: {  	[tilespmem:s0], [sflag:$0x4] =	stream.linear.gather @!p0 [hbm4b:s12+s0], $0x80, $0x38;
	[tilespmem:$0x1FE80] =	vst v63  }
0x5c: {  	p3 =	sle.u32 s17, $0x0;
	s12 =	sadd.s32 @!p0 $0xA840, s13;
	s13 =	simm.s32 @!p0 $0x300  }
0x5d: {  	[tilespmem:s13], [sflag:$0xA] =	stream.linear.gather @!p0 [hbm4b:s12+s0], $0x80, $0x38;
	[tilespmem:$0x1FE80] =	vst v63  }
0x5e: {  	s12 =	simm.s32 @!p3 $0x7  }
0x5f: {  	s15 =	simm.s32 @!p3 $0x80;
	_ =	swait.ge @!p3 [sflag:s12], $0x80  }
0x60: {  	s13 =	simm.s32 @!p3 $0x600;
	[sflag:s12] =	ssyncset.done @!p3 $0x0;
	s18 =	rddreg [dreg:$0x7]  }
0x61: {  	[sflag:s12] =	ssyncadd.s32 @!p3 $0xFFFFFF80;
	s12 =	simm.s32 @!p3 $0x180;
	p2 =	sle.u32 s18, $0x0  }
0x62: {  	[tilespmem:s13], [sflag:$0x1] =	stream.indirect.gather @!p3 [hbm4b:s1+s15], $0x80, s12, s15, $0xb8;
	[tilespmem:$0x1FE80] =	vst v63  }
0x63: {  	s12 =	simm.s32 @!p2 $0x2  }
0x64: {  	_ =	swait.ge @!p2 [sflag:s12], $0x4000  }
0x65: {  	[sflag:s12] =	ssyncset.done @!p2 $0x0  }
0x66: {  	s20 =	sadd.s32 $0xE0, s11;
	s14 =	simm.s32 @!p2 $0xB;
	[sflag:s12] =	ssyncadd.s32 @!p2 $0xFFFFC000  }
0x67: {  	p6 =	sgt.u32 s20, $0x9C3;
	_ =	swait.ge @!p2 [sflag:s14], $0x80  }
0x68: {  	s16 =	simm.s32 @!p2 $0x4600;
	s17 =	simm.s32 @!p2 $0x80;
	[sflag:s14] =	ssyncset.done @!p2 $0x0  }
0x69: {  	s18 =	simm.s32 @!p2 $0x380;
	[sflag:s14] =	ssyncadd.s32 @!p2 $0xFFFFFF80;
	s14 =	simm.s32 @!p2 $0x10  }
0x6a: {  	[spmem:s2] =	stream.indirect.scatter.add.f32 @!p2 [tilespmem:s16], [sflag:$0x10], $0x80, s18, s17, $0xb8;
	[tilespmem:$0x1FE80] =	vst v63  }
0x6b: {  	s16 =	sadd.s32 @!p6 $0x0, s19;
	_ =	swait.ge @!p2 [sflag:s14], $0x4000  }
0x6c: {  	s12 =	simm.s32 @!p6 $0x80;
	s18 =	sadd.s32 @!p6 $0xE00, s16;
	[sflag:s14] =	ssyncset.done @!p2 $0x0  }
0x6d: {  	s22 =	rddreg [dreg:$0x8];
	[sflag:s14] =	ssyncadd.s32 @!p2 $0xFFFFC000;
	s14 =	simm.s32 @!p6 $0x0  }
0x6e: {  	[tilespmem:s12], [sflag:$0x5] =	stream.linear.gather @!p6 [hbm4b:s18+s14], $0x80, $0x38;
	[tilespmem:$0x1FE80] =	vst v63  }
0x6f: {  	s16 =	sadd.s32 @!p6 $0xAA40, s16;
	p4 =	sle.u32 s22, $0x0;
	s18 =	simm.s32 @!p6 $0x380  }
0x70: {  	[tilespmem:s18], [sflag:$0xB] =	stream.linear.gather @!p6 [hbm4b:s16+s14], $0x80, $0x38;
	[tilespmem:$0x1FE80] =	vst v63  }
0x71: {  	s14 =	simm.s32 @!p4 $0x8  }
0x72: {  	s17 =	simm.s32 @!p4 $0x80;
	_ =	swait.ge @!p4 [sflag:s14], $0x80  }
0x73: {  	s16 =	simm.s32 @!p4 $0x4600;
	[sflag:s14] =	ssyncset.done @!p4 $0x0;
	s23 =	rddreg [dreg:$0x9]  }
0x74: {  	[sflag:s14] =	ssyncadd.s32 @!p4 $0xFFFFFF80;
	s14 =	simm.s32 @!p4 $0x200;
	p5 =	sle.u32 s23, $0x0  }
0x75: {  	[tilespmem:s16], [sflag:$0x2] =	stream.indirect.gather @!p4 [hbm4b:s1+s17], $0x80, s14, s17, $0xb8;
	[tilespmem:$0x1FE80] =	vst v63  }
0x76: {  	s14 =	simm.s32 @!p5 $0x3  }
0x77: {  	_ =	swait.ge @!p5 [sflag:s14], $0x4000  }
0x78: {  	[sflag:s14] =	ssyncset.done @!p5 $0x0  }
0x79: {  	s25 =	sadd.s32 $0x100, s11;
	s18 =	simm.s32 @!p5 $0xC;
	[sflag:s14] =	ssyncadd.s32 @!p5 $0xFFFFC000  }
0x7a: {  	p1 =	sgt.u32 s25, $0x9C3;
	_ =	swait.ge @!p5 [sflag:s18], $0x80  }
0x7b: {  	s20 =	simm.s32 @!p5 $0x8600;
	s22 =	simm.s32 @!p5 $0x80;
	[sflag:s18] =	ssyncset.done @!p5 $0x0  }
0x7c: {  	s23 =	simm.s32 @!p5 $0x400;
	[sflag:s18] =	ssyncadd.s32 @!p5 $0xFFFFFF80;
	s18 =	simm.s32 @!p5 $0x10  }
0x7d: {  	[spmem:s2] =	stream.indirect.scatter.add.f32 @!p5 [tilespmem:s20], [sflag:$0x10], $0x80, s23, s22, $0xb8;
	[tilespmem:$0x1FE80] =	vst v63  }
0x7e: {  	s20 =	sadd.s32 @!p1 $0x0, s19;
	_ =	swait.ge @!p5 [sflag:s18], $0x4000  }
0x7f: {  	s14 =	simm.s32 @!p1 $0x100;
	s22 =	sadd.s32 @!p1 $0x1000, s20;
	[sflag:s18] =	ssyncset.done @!p5 $0x0  }
0x80: {  	s26 =	rddreg [dreg:$0xa];
	[sflag:s18] =	ssyncadd.s32 @!p5 $0xFFFFC000;
	s18 =	simm.s32 @!p1 $0x0  }
0x81: {  	[tilespmem:s14], [sflag:$0x6] =	stream.linear.gather @!p1 [hbm4b:s22+s18], $0x80, $0x38;
	[tilespmem:$0x1FE80] =	vst v63  }
0x82: {  	s20 =	sadd.s32 @!p1 $0xAC40, s20;
	p5 =	sle.u32 s26, $0x0;
	s22 =	simm.s32 @!p1 $0x400  }
0x83: {  	[tilespmem:s22], [sflag:$0xC] =	stream.linear.gather @!p1 [hbm4b:s20+s18], $0x80, $0x38;
	[tilespmem:$0x1FE80] =	vst v63  }
0x84: {  	s20 =	simm.s32 @!p5 $0x9  }
0x85: {  	_ =	swait.ge @!p5 [sflag:s20], $0x80  }
0x86: {  	s23 =	simm.s32 @!p5 $0x280;
	s18 =	simm.s32 @!p5 $0x8600;
	[sflag:s20] =	ssyncset.done @!p5 $0x0  }
0x87: {  	s22 =	simm.s32 @!p3 $0x1;
	[sflag:s20] =	ssyncadd.s32 @!p5 $0xFFFFFF80;
	s20 =	simm.s32 @!p5 $0x80  }
0x88: {  	[tilespmem:s18], [sflag:$0x3] =	stream.indirect.gather @!p5 [hbm4b:s1+s20], $0x80, s23, s20, $0xb8;
	[tilespmem:$0x1FE80] =	vst v63  }
0x89: {  	_ =	swait.ge @!p3 [sflag:s22], $0x4000  }
0x8a: {  	[sflag:s22] =	ssyncset.done @!p3 $0x0  }
0x8b: {  	[sflag:s22] =	ssyncadd.s32 @!p3 $0xFFFFC000;
	s22 =	simm.s32 @!p3 $0xD  }
0x8c: {  	_ =	swait.ge @!p3 [sflag:s22], $0x80  }
0x8d: {  	s28 =	sadd.s32 $0x120, s11;
	[sflag:s22] =	ssyncset.done @!p3 $0x0  }
0x8e: {  	s23 =	simm.s32 @!p3 $0x10;
	[sflag:s22] =	ssyncadd.s32 @!p3 $0xFFFFFF80;
	s22 =	simm.s32 @!p3 $0x480  }
0x8f: {  	[spmem:s2] =	stream.indirect.scatter.add.f32 @!p3 [tilespmem:s13], [sflag:$0x10], $0x80, s22, s15, $0xb8;
	[tilespmem:$0x1FE80] =	vst v63  }
0x90: {  	p2 =	sgt.u32 s28, $0x9C3;
	_ =	swait.ge @!p3 [sflag:s23], $0x4000  }
0x91: {  	s13 =	sadd.s32 @!p2 $0x0, s19;
	s15 =	simm.s32 @!p2 $0x180;
	[sflag:s23] =	ssyncset.done @!p3 $0x0  }
0x92: {  	s22 =	sadd.s32 @!p2 $0x1200, s13;
	[sflag:s23] =	ssyncadd.s32 @!p3 $0xFFFFC000;
	s23 =	simm.s32 @!p2 $0x0  }
0x93: {  	[tilespmem:s15], [sflag:$0x7] =	stream.linear.gather @!p2 [hbm4b:s22+s23], $0x80, $0x38;
	[tilespmem:$0x1FE80] =	vst v63  }
0x94: {  	s13 =	sadd.s32 @!p2 $0xAE40, s13;
	s15 =	simm.s32 @!p2 $0x480  }
0x95: {  	[tilespmem:s15], [sflag:$0xD] =	stream.linear.gather @!p2 [hbm4b:s13+s23], $0x80, $0x38;
	[tilespmem:$0x1FE80] =	vst v63  }
0x96: {  	s13 =	simm.s32 @!p0 $0x4  }
0x97: {  	_ =	swait.ge @!p0 [sflag:s13], $0x80  }
0x98: {  	[sflag:s13] =	ssyncset.done @!p0 $0x0  }
0x99: {  	s15 =	simm.s32 @!p0 $0x600;
	[sflag:s13] =	ssyncadd.s32 @!p0 $0xFFFFFF80;
	s13 =	simm.s32 @!p0 $0x80  }
0x9a: {  	[tilespmem:s15], [sflag:$0x1] =	stream.indirect.gather @!p0 [hbm4b:s1+s13], $0x80, s0, s13, $0xb8;
	[tilespmem:$0x1FE80] =	vst v63  }
0x9b: {  	s0 =	simm.s32 @!p4 $0x2  }
0x9c: {  	_ =	swait.ge @!p4 [sflag:s0], $0x4000  }
0x9d: {  	[sflag:s0] =	ssyncset.done @!p4 $0x0  }
0x9e: {  	[sflag:s0] =	ssyncadd.s32 @!p4 $0xFFFFC000;
	s0 =	simm.s32 @!p4 $0xE  }
0x9f: {  	_ =	swait.ge @!p4 [sflag:s0], $0x80  }
0xa0: {  	s31 =	sadd.s32 $0x140, s11;
	[sflag:s0] =	ssyncset.done @!p4 $0x0  }
0xa1: {  	s13 =	simm.s32 @!p4 $0x10;
	[sflag:s0] =	ssyncadd.s32 @!p4 $0xFFFFFF80;
	s0 =	simm.s32 @!p4 $0x500  }
0xa2: {  	[spmem:s2] =	stream.indirect.scatter.add.f32 @!p4 [tilespmem:s16], [sflag:$0x10], $0x80, s0, s17, $0xb8;
	[tilespmem:$0x1FE80] =	vst v63  }
0xa3: {  	p0 =	sgt.u32 s31, $0x9C3;
	_ =	swait.ge @!p4 [sflag:s13], $0x4000  }
0xa4: {  	s0 =	sadd.s32 @!p0 $0x0, s19;
	s16 =	simm.s32 @!p0 $0x0;
	[sflag:s13] =	ssyncset.done @!p4 $0x0  }
0xa5: {  	s15 =	sadd.s32 @!p0 $0x1400, s0;
	[sflag:s13] =	ssyncadd.s32 @!p4 $0xFFFFC000;
	s13 =	simm.s32 @!p0 $0x200  }
0xa6: {  	[tilespmem:s13], [sflag:$0x8] =	stream.linear.gather @!p0 [hbm4b:s15+s16], $0x80, $0x38;
	[tilespmem:$0x1FE80] =	vst v63  }
0xa7: {  	s0 =	sadd.s32 @!p0 $0xB040, s0;
	s13 =	simm.s32 @!p0 $0x500  }
0xa8: {  	[tilespmem:s13], [sflag:$0xE] =	stream.linear.gather @!p0 [hbm4b:s0+s16], $0x80, $0x38;
	[tilespmem:$0x1FE80] =	vst v63  }
0xa9: {  	s0 =	simm.s32 @!p6 $0x5  }
0xaa: {  	_ =	swait.ge @!p6 [sflag:s0], $0x80  }
0xab: {  	[sflag:s0] =	ssyncset.done @!p6 $0x0  }
0xac: {  	[sflag:s0] =	ssyncadd.s32 @!p6 $0xFFFFFF80;
	s0 =	simm.s32 @!p6 $0x4600  }
0xad: {  	[tilespmem:s0], [sflag:$0x2] =	stream.indirect.gather @!p6 [hbm4b:s1+s12], $0x80, s12, s12, $0xb8;
	[tilespmem:$0x1FE80] =	vst v63  }
0xae: {  	s0 =	simm.s32 @!p5 $0x3  }
0xaf: {  	_ =	swait.ge @!p5 [sflag:s0], $0x4000  }
0xb0: {  	[sflag:s0] =	ssyncset.done @!p5 $0x0  }
0xb1: {  	[sflag:s0] =	ssyncadd.s32 @!p5 $0xFFFFC000;
	s0 =	simm.s32 @!p5 $0xF  }
0xb2: {  	_ =	swait.ge @!p5 [sflag:s0], $0x80  }
0xb3: {  	[sflag:s0] =	ssyncset.done @!p5 $0x0  }
0xb4: {  	[sflag:s0] =	ssyncadd.s32 @!p5 $0xFFFFFF80;
	s0 =	simm.s32 @!p5 $0x580  }
0xb5: {  	[spmem:s2] =	stream.indirect.scatter.add.f32 @!p5 [tilespmem:s18], [sflag:$0x10], $0x80, s0, s20, $0xb8;
	[tilespmem:$0x1FE80] =	vst v63  }
0xb6: {  	s0 =	simm.s32 @!p5 $0x10  }
0xb7: {  	s11 =	sadd.s32 $0x160, s11;
	_ =	swait.ge @!p5 [sflag:s0], $0x4000  }
0xb8: {  	p0 =	sgt.u32 s11, $0x9C3;
	[sflag:s0] =	ssyncset.done @!p5 $0x0  }
0xb9: {  	[sflag:s0] =	ssyncadd.s32 @!p5 $0xFFFFC000;
	s0 =	sadd.s32 @!p0 $0x0, s19  }
0xba: {  	s11 =	simm.s32 @!p0 $0x280;
	s13 =	simm.s32 @!p0 $0x0;
	s12 =	sadd.s32 @!p0 $0x1600, s0  }
0xbb: {  	[tilespmem:s11], [sflag:$0x9] =	stream.linear.gather @!p0 [hbm4b:s12+s13], $0x80, $0x38;
	[tilespmem:$0x1FE80] =	vst v63  }
0xbc: {  	s0 =	sadd.s32 @!p0 $0xB240, s0;
	s11 =	simm.s32 @!p0 $0x580  }
0xbd: {  	[tilespmem:s11], [sflag:$0xF] =	stream.linear.gather @!p0 [hbm4b:s0+s13], $0x80, $0x38;
	[tilespmem:$0x1FE80] =	vst v63  }
0xbe: {  	s12 =	simm.s32 $0x0;
	s11 =	simm.s32 $0xC00;
	s0 =	simm.s32 @!p1 $0x6  }
.LBB2_2:
0xbf: {  	_ =	swait.ge @!p1 [sflag:s0], $0x80;
	s12 =	sadd.s32 $0xC0, s12  }
0xc0: {  	s13 =	smov.u32 s11;
	s11 =	sadd.s32 $0xC00, s11;
	s16 =	simm.s32 @!p1 $0x8600  }
0xc1: {  	s15 =	rddreg [dreg:$0x5];
	p0 =	sne.s32 s11, $0xA800;
	[sflag:s0] =	ssyncset.done @!p1 $0x0  }
0xc2: {  	s3 =	simm.s32 @!p0 $0x0;
	[sflag:s0] =	ssyncadd.s32 @!p1 $0xFFFFFF80;
	s0 =	simm.s32 @!p1 $0x80  }
0xc3: {  	[tilespmem:s16], [sflag:$0x3] =	stream.indirect.gather @!p1 [hbm4b:s1+s0], $0x80, s14, s0, $0xb8;
	[tilespmem:$0x1FE80] =	vst v63  }
0xc4: {  	s3 =	simm.s32 @p0 $0x1;
	p0 =	sge.u32 s12, s15  }
0xc5: {  	[smem:$0x7FC] =	sst s3;
	s0 =	simm.s32 @!p0 $0x1  }
0xc6: {  	_ =	swait.ge @!p0 [sflag:s0], $0x4000  }
0xc7: {  	s28 =	sadd.s32 s12, s5;
	[sflag:s0] =	ssyncset.done @!p0 $0x0  }
0xc8: {  	s17 =	sadd.s32 $0xC0, s28;
	[sflag:s0] =	ssyncadd.s32 @!p0 $0xFFFFC000;
	s0 =	simm.s32 @!p0 $0xA  }
0xc9: {  	p3 =	sgt.u32 s17, $0x9C3;
	_ =	swait.ge @!p0 [sflag:s0], $0x80  }
0xca: {  	s14 =	simm.s32 @!p0 $0x10;
	s16 =	simm.s32 @!p0 $0x600;
	[sflag:s0] =	ssyncset.done @!p0 $0x0  }
0xcb: {  	s18 =	simm.s32 @!p0 $0x300;
	[sflag:s0] =	ssyncadd.s32 @!p0 $0xFFFFFF80;
	s0 =	simm.s32 @!p0 $0x80  }
0xcc: {  	[spmem:s2] =	stream.indirect.scatter.add.f32 @!p0 [tilespmem:s16], [sflag:$0x10], $0x80, s18, s0, $0xb8;
	[tilespmem:$0x1FE80] =	vst v63  }
0xcd: {  	s0 =	sadd.s32 @!p3 s13, s19;
	_ =	swait.ge @!p0 [sflag:s14], $0x4000  }
0xce: {  	s18 =	simm.s32 @!p3 $0x0;
	[sflag:s14] =	ssyncset.done @!p0 $0x0;
	s31 =	rddreg [dreg:$0x6]  }
0xcf: {  	[sflag:s14] =	ssyncadd.s32 @!p0 $0xFFFFC000;
	s14 =	sadd.s32 @!p3 $0xC00, s0;
	p5 =	sge.u32 s12, s31  }
0xd0: {  	[tilespmem:s18], [sflag:$0x4] =	stream.linear.gather @!p3 [hbm4b:s14+s18], $0x80, $0x38;
	[tilespmem:$0x1FE80] =	vst v63  }
0xd1: {  	s0 =	sadd.s32 @!p3 $0xA840, s0;
	s14 =	simm.s32 @!p3 $0x300;
	s20 =	simm.s32 @!p5 $0x7  }
0xd2: {  	[tilespmem:s14], [sflag:$0xA] =	stream.linear.gather @!p3 [hbm4b:s0+s18], $0x80, $0x38;
	[tilespmem:$0x1FE80] =	vst v63  }
0xd3: {  	s23 =	simm.s32 @!p5 $0x600;
	_ =	swait.ge @!p5 [sflag:s20], $0x80  }
0xd4: {  	s25 =	simm.s32 @!p5 $0x80;
	[sflag:s20] =	ssyncset.done @!p5 $0x0;
	s22 =	rddreg [dreg:$0x7]  }
0xd5: {  	[sflag:s20] =	ssyncadd.s32 @!p5 $0xFFFFFF80;
	s20 =	simm.s32 @!p5 $0x180;
	p0 =	sge.u32 s12, s22  }
0xd6: {  	[tilespmem:s23], [sflag:$0x1] =	stream.indirect.gather @!p5 [hbm4b:s1+s25], $0x80, s20, s25, $0xb8;
	[tilespmem:$0x1FE80] =	vst v63  }
0xd7: {  	s20 =	simm.s32 @!p0 $0x2  }
0xd8: {  	s17 =	sadd.s32 $0x140, s28;
	_ =	swait.ge @!p0 [sflag:s20], $0x4000  }
0xd9: {  	s15 =	sadd.s32 $0x160, s28;
	s3 =	sadd.s32 $0xE0, s28;
	[sflag:s20] =	ssyncset.done @!p0 $0x0  }
0xda: {  	p4 =	sgt.u32 s3, $0x9C3;
	s22 =	simm.s32 @!p0 $0xB;
	[sflag:s20] =	ssyncadd.s32 @!p0 $0xFFFFC000  }
0xdb: {  	s14 =	sadd.s32 $0x100, s28;
	s0 =	sadd.s32 $0x120, s28;
	_ =	swait.ge @!p0 [sflag:s22], $0x80  }
0xdc: {  	s26 =	simm.s32 @!p0 $0x80;
	s28 =	simm.s32 @!p0 $0x380;
	[sflag:s22] =	ssyncset.done @!p0 $0x0  }
0xdd: {  	s6 =	simm.s32 @!p0 $0x10;
	s20 =	simm.s32 @!p0 $0x4600;
	[sflag:s22] =	ssyncadd.s32 @!p0 $0xFFFFFF80  }
0xde: {  	[spmem:s2] =	stream.indirect.scatter.add.f32 @!p0 [tilespmem:s20], [sflag:$0x10], $0x80, s28, s26, $0xb8;
	[tilespmem:$0x1FE80] =	vst v63  }
0xdf: {  	s16 =	sadd.s32 @!p4 s13, s19;
	_ =	swait.ge @!p0 [sflag:s6], $0x4000  }
0xe0: {  	s22 =	simm.s32 @!p4 $0x80;
	s20 =	sadd.s32 @!p4 $0xE00, s16;
	[sflag:s6] =	ssyncset.done @!p0 $0x0  }
0xe1: {  	s3 =	rddreg [dreg:$0x8];
	[sflag:s6] =	ssyncadd.s32 @!p0 $0xFFFFC000;
	s6 =	simm.s32 @!p4 $0x0  }
0xe2: {  	[tilespmem:s22], [sflag:$0x5] =	stream.linear.gather @!p4 [hbm4b:s20+s6], $0x80, $0x38;
	[tilespmem:$0x1FE80] =	vst v63  }
0xe3: {  	s16 =	sadd.s32 @!p4 $0xAA40, s16;
	p6 =	sge.u32 s12, s3;
	s20 =	simm.s32 @!p4 $0x380  }
0xe4: {  	[tilespmem:s20], [sflag:$0xB] =	stream.linear.gather @!p4 [hbm4b:s16+s6], $0x80, $0x38;
	[tilespmem:$0x1FE80] =	vst v63  }
0xe5: {  	s6 =	simm.s32 @!p6 $0x8  }
0xe6: {  	s26 =	simm.s32 @!p6 $0x80;
	_ =	swait.ge @!p6 [sflag:s6], $0x80  }
0xe7: {  	s16 =	simm.s32 @!p6 $0x4600;
	[sflag:s6] =	ssyncset.done @!p6 $0x0;
	s28 =	rddreg [dreg:$0x9]  }
0xe8: {  	[sflag:s6] =	ssyncadd.s32 @!p6 $0xFFFFFF80;
	s6 =	simm.s32 @!p6 $0x200;
	p0 =	sge.u32 s12, s28  }
0xe9: {  	[tilespmem:s16], [sflag:$0x2] =	stream.indirect.gather @!p6 [hbm4b:s1+s26], $0x80, s6, s26, $0xb8;
	[tilespmem:$0x1FE80] =	vst v63  }
0xea: {  	s6 =	simm.s32 @!p0 $0x3  }
0xeb: {  	_ =	swait.ge @!p0 [sflag:s6], $0x4000  }
0xec: {  	[sflag:s6] =	ssyncset.done @!p0 $0x0  }
0xed: {  	s20 =	simm.s32 @!p0 $0xC;
	[sflag:s6] =	ssyncadd.s32 @!p0 $0xFFFFC000  }
0xee: {  	p1 =	sgt.u32 s14, $0x9C3;
	_ =	swait.ge @!p0 [sflag:s20], $0x80  }
0xef: {  	s28 =	simm.s32 @!p0 $0x80;
	s31 =	simm.s32 @!p0 $0x400;
	[sflag:s20] =	ssyncset.done @!p0 $0x0  }
0xf0: {  	s3 =	simm.s32 @!p0 $0x10;
	s6 =	simm.s32 @!p0 $0x8600;
	[sflag:s20] =	ssyncadd.s32 @!p0 $0xFFFFFF80  }
0xf1: {  	[spmem:s2] =	stream.indirect.scatter.add.f32 @!p0 [tilespmem:s6], [sflag:$0x10], $0x80, s31, s28, $0xb8;
	[tilespmem:$0x1FE80] =	vst v63  }
0xf2: {  	s6 =	sadd.s32 @!p1 s13, s19;
	_ =	swait.ge @!p0 [sflag:s3], $0x4000  }
0xf3: {  	s14 =	simm.s32 @!p1 $0x100;
	s20 =	sadd.s32 @!p1 $0x1000, s6;
	[sflag:s3] =	ssyncset.done @!p0 $0x0  }
0xf4: {  	s31 =	rddreg [dreg:$0xa];
	[sflag:s3] =	ssyncadd.s32 @!p0 $0xFFFFC000;
	s3 =	simm.s32 @!p1 $0x0  }
0xf5: {  	[tilespmem:s14], [sflag:$0x6] =	stream.linear.gather @!p1 [hbm4b:s20+s3], $0x80, $0x38;
	[tilespmem:$0x1FE80] =	vst v63  }
0xf6: {  	s6 =	sadd.s32 @!p1 $0xAC40, s6;
	p0 =	sge.u32 s12, s31;
	s20 =	simm.s32 @!p1 $0x400  }
0xf7: {  	[tilespmem:s20], [sflag:$0xC] =	stream.linear.gather @!p1 [hbm4b:s6+s3], $0x80, $0x38;
	[tilespmem:$0x1FE80] =	vst v63  }
0xf8: {  	s3 =	simm.s32 @!p0 $0x9  }
0xf9: {  	_ =	swait.ge @!p0 [sflag:s3], $0x80  }
0xfa: {  	s28 =	simm.s32 @!p0 $0x8600;
	s6 =	simm.s32 @!p5 $0x1;
	[sflag:s3] =	ssyncset.done @!p0 $0x0  }
0xfb: {  	s20 =	simm.s32 @!p0 $0x80;
	[sflag:s3] =	ssyncadd.s32 @!p0 $0xFFFFFF80;
	s3 =	simm.s32 @!p0 $0x280  }
0xfc: {  	[tilespmem:s28], [sflag:$0x3] =	stream.indirect.gather @!p0 [hbm4b:s1+s20], $0x80, s3, s20, $0xb8;
	[tilespmem:$0x1FE80] =	vst v63  }
0xfd: {  	_ =	swait.ge @!p5 [sflag:s6], $0x4000  }
0xfe: {  	[sflag:s6] =	ssyncset.done @!p5 $0x0  }
0xff: {  	s3 =	simm.s32 @!p5 $0xD;
	[sflag:s6] =	ssyncadd.s32 @!p5 $0xFFFFC000  }
0x100: {  	_ =	swait.ge @!p5 [sflag:s3], $0x80  }
0x101: {  	[sflag:s3] =	ssyncset.done @!p5 $0x0  }
0x102: {  	s6 =	simm.s32 @!p5 $0x10;
	[sflag:s3] =	ssyncadd.s32 @!p5 $0xFFFFFF80;
	s3 =	simm.s32 @!p5 $0x480  }
0x103: {  	[spmem:s2] =	stream.indirect.scatter.add.f32 @!p5 [tilespmem:s23], [sflag:$0x10], $0x80, s3, s25, $0xb8;
	[tilespmem:$0x1FE80] =	vst v63  }
0x104: {  	p2 =	sgt.u32 s0, $0x9C3;
	_ =	swait.ge @!p5 [sflag:s6], $0x4000  }
0x105: {  	s0 =	sadd.s32 @!p2 s13, s19;
	s3 =	simm.s32 @!p2 $0x180;
	[sflag:s6] =	ssyncset.done @!p5 $0x0  }
0x106: {  	s23 =	simm.s32 @!p2 $0x0;
	[sflag:s6] =	ssyncadd.s32 @!p5 $0xFFFFC000;
	s6 =	sadd.s32 @!p2 $0x1200, s0  }
0x107: {  	[tilespmem:s3], [sflag:$0x7] =	stream.linear.gather @!p2 [hbm4b:s6+s23], $0x80, $0x38;
	[tilespmem:$0x1FE80] =	vst v63  }
0x108: {  	s0 =	sadd.s32 @!p2 $0xAE40, s0;
	s3 =	simm.s32 @!p2 $0x480;
	s6 =	simm.s32 @!p3 $0x4  }
0x109: {  	[tilespmem:s3], [sflag:$0xD] =	stream.linear.gather @!p2 [hbm4b:s0+s23], $0x80, $0x38;
	[tilespmem:$0x1FE80] =	vst v63  }
0x10a: {  	_ =	swait.ge @!p3 [sflag:s6], $0x80  }
0x10b: {  	s0 =	simm.s32 @!p6 $0x2;
	[sflag:s6] =	ssyncset.done @!p3 $0x0  }
0x10c: {  	s3 =	simm.s32 @!p3 $0x80;
	[sflag:s6] =	ssyncadd.s32 @!p3 $0xFFFFFF80;
	s6 =	simm.s32 @!p3 $0x600  }
0x10d: {  	[tilespmem:s6], [sflag:$0x1] =	stream.indirect.gather @!p3 [hbm4b:s1+s3], $0x80, s18, s3, $0xb8;
	[tilespmem:$0x1FE80] =	vst v63  }
0x10e: {  	_ =	swait.ge @!p6 [sflag:s0], $0x4000  }
0x10f: {  	[sflag:s0] =	ssyncset.done @!p6 $0x0  }
0x110: {  	[sflag:s0] =	ssyncadd.s32 @!p6 $0xFFFFC000;
	s0 =	simm.s32 @!p6 $0xE  }
0x111: {  	_ =	swait.ge @!p6 [sflag:s0], $0x80  }
0x112: {  	[sflag:s0] =	ssyncset.done @!p6 $0x0  }
0x113: {  	s3 =	simm.s32 @!p6 $0x10;
	[sflag:s0] =	ssyncadd.s32 @!p6 $0xFFFFFF80;
	s0 =	simm.s32 @!p6 $0x500  }
0x114: {  	[spmem:s2] =	stream.indirect.scatter.add.f32 @!p6 [tilespmem:s16], [sflag:$0x10], $0x80, s0, s26, $0xb8;
	[tilespmem:$0x1FE80] =	vst v63  }
0x115: {  	p2 =	sgt.u32 s17, $0x9C3;
	_ =	swait.ge @!p6 [sflag:s3], $0x4000  }
0x116: {  	s6 =	simm.s32 @!p2 $0x200;
	s0 =	sadd.s32 @!p2 s13, s19;
	[sflag:s3] =	ssyncset.done @!p6 $0x0  }
0x117: {  	s16 =	simm.s32 @!p2 $0x0;
	[sflag:s3] =	ssyncadd.s32 @!p6 $0xFFFFC000;
	s3 =	sadd.s32 @!p2 $0x1400, s0  }
0x118: {  	[tilespmem:s6], [sflag:$0x8] =	stream.linear.gather @!p2 [hbm4b:s3+s16], $0x80, $0x38;
	[tilespmem:$0x1FE80] =	vst v63  }
0x119: {  	s0 =	sadd.s32 @!p2 $0xB040, s0;
	s3 =	simm.s32 @!p2 $0x500;
	s6 =	simm.s32 @!p4 $0x5  }
0x11a: {  	[tilespmem:s3], [sflag:$0xE] =	stream.linear.gather @!p2 [hbm4b:s0+s16], $0x80, $0x38;
	[tilespmem:$0x1FE80] =	vst v63  }
0x11b: {  	_ =	swait.ge @!p4 [sflag:s6], $0x80  }
0x11c: {  	[sflag:s6] =	ssyncset.done @!p4 $0x0  }
0x11d: {  	s0 =	simm.s32 @!p4 $0x4600;
	s3 =	simm.s32 @!p0 $0x3;
	[sflag:s6] =	ssyncadd.s32 @!p4 $0xFFFFFF80  }
0x11e: {  	[tilespmem:s0], [sflag:$0x2] =	stream.indirect.gather @!p4 [hbm4b:s1+s22], $0x80, s22, s22, $0xb8;
	[tilespmem:$0x1FE80] =	vst v63  }
0x11f: {  	_ =	swait.ge @!p0 [sflag:s3], $0x4000  }
0x120: {  	[sflag:s3] =	ssyncset.done @!p0 $0x0  }
0x121: {  	s0 =	simm.s32 @!p0 $0xF;
	[sflag:s3] =	ssyncadd.s32 @!p0 $0xFFFFC000  }
0x122: {  	_ =	swait.ge @!p0 [sflag:s0], $0x80  }
0x123: {  	[sflag:s0] =	ssyncset.done @!p0 $0x0  }
0x124: {  	s3 =	simm.s32 @!p0 $0x10;
	[sflag:s0] =	ssyncadd.s32 @!p0 $0xFFFFFF80;
	s0 =	simm.s32 @!p0 $0x580  }
0x125: {  	[spmem:s2] =	stream.indirect.scatter.add.f32 @!p0 [tilespmem:s28], [sflag:$0x10], $0x80, s0, s20, $0xb8;
	[tilespmem:$0x1FE80] =	vst v63  }
0x126: {  	_ =	swait.ge @!p0 [sflag:s3], $0x4000  }
0x127: {  	s31 =	sld [smem:$0x7FC];
	_ =	sdelay $0x1  }
0x128: {  	[sflag:s3] =	ssyncset.done @!p0 $0x0  }
0x129: {  	p2 =	sgt.u32 s15, $0x9C3;
	[sflag:s3] =	ssyncadd.s32 @!p0 $0xFFFFC000;
	p0 =	seq.s32 s31, $0x1  }
.Ltmp0:
0x12a: {  	s0 =	sadd.s32 @!p2 s13, s19;
	(pc) =	sbr.rel @p0 .LBB2_2-.Ltmp0, $4  }
0x12b: {  	s6 =	simm.s32 @!p2 $0x280;
	s13 =	simm.s32 @!p2 $0x0;
	s3 =	sadd.s32 @!p2 $0x1600, s0  }
0x12c: {  	[tilespmem:s6], [sflag:$0x9] =	stream.linear.gather @!p2 [hbm4b:s3+s13], $0x80, $0x38;
	[tilespmem:$0x1FE80] =	vst v63  }
0x12d: {  	s3 =	sadd.s32 @!p2 $0xB240, s0;
	s6 =	simm.s32 @!p2 $0x580;
	s0 =	simm.s32 @!p1 $0x6  }
0x12e: {  	[tilespmem:s6], [sflag:$0xF] =	stream.linear.gather @!p2 [hbm4b:s3+s13], $0x80, $0x38;
	[tilespmem:$0x1FE80] =	vst v63  }
0x12f: {  	_ =	swait.ge @!p1 [sflag:s0], $0x80  }
0x130: {  	[sflag:s0] =	ssyncset.done @!p1 $0x0  }
0x131: {  	s3 =	simm.s32 @!p1 $0x8600;
	[sflag:s0] =	ssyncadd.s32 @!p1 $0xFFFFFF80;
	s0 =	simm.s32 @!p1 $0x80  }
0x132: {  	[tilespmem:s3], [sflag:$0x3] =	stream.indirect.gather @!p1 [hbm4b:s1+s0], $0x80, s14, s0, $0xb8;
	[tilespmem:$0x1FE80] =	vst v63  }
0x133: {  	[bflag:$0x0] =	sbarrier.arrive $0xFFFF  }
0x134: {  	s26 =	rddreg [dreg:$0x15]  }
0x135: {  	s0 =	sadd.s32 s26, s24  }
0x136: {  	[hbm:s0], [sflag:s21] =	dma.local [spmem:s9], $0x2700  }
0x137: {  	_ =	swait.ge [sflag:s29], $0x2700  }
0x138: {  	s28 =	sld [smem:$0x7FD];
	_ =	sdelay $0x2  }
0x139: {  	[sflag:s29] =	ssyncset.done $0x0;
	s0 =	rddreg [dreg:$0x18];
	p1 =	seq.s32 s28, $0x1  }
0x13a: {  	[sflag:s29] =	ssyncadd.s32 $0xFFFFD900;
	s0 =	sadd.s32 @!p1 s0, s24  }
0x13b: {  	[hbm:s0], [sflag:s21] =	dma.local @!p1 [spmem:s10], $0x80  }
0x13c: {  	s0 =	simm.s32 @!p1 $0x10  }
0x13d: {  	_ =	swait.ge @!p1 [sflag:s0], $0x80  }
0x13e: {  	s8 =	sadd.s32 $0x1, s8;
	s31 =	rddreg [dreg:$0x1b]  }
0x13f: {  	p0 =	sne.s32 s8, s31  }
.Ltmp1:
0x140: {  	_ = 	snop;
	(pc) =	sbr.rel @p0 .LBB2_1-.Ltmp1, $3  }
0x141: {  	_ =	sdelay $0x1  }
0x142: {  	[sflag:s0] =	ssyncset.done @!p1 $0x0  }
0x143: {  	[sflag:s0] =	ssyncadd.s32 @!p1 $0xFFFFFF80  }
0x144: {  	_ =	sfence.sel $0x180000  }
0x145: {  	[bflag:$0x0] =	sbarrier.arrive $0xFFFF  }
0x146: {  	_ =	strace $0x90000047  }
0x147: {  	s0 =	stileid.u32;
	[bflag:$0x2] =	sbarrier.arrive $0xFFFF  }
0x148: {  	p0 =	sne.s32 s0, $0x0;
	s0 =	rddreg [dreg:$0x4]  }
0x149: {  	s0 =	sadd.s32 @!p0 $0x100000, s0  }
0x14a: {  	[sflag:s0] =	ssyncadd.tile.s32 @!p0 $0x1;
	_ =	shalt  }
.Lfunc_end2:
_tile_overlayer_lowered:
.L_overlay_start_2:
0x14b: {  	(tag) =	ssettag $0x2  }
0x14c: {  	s0 =	rddreg [dreg:$0x0];
	s2 =	stileid.u32  }
0x14d: {  	s1 =	rddreg [dreg:$0x1];
	p0 =	sne.s32 s2, $0x0  }
0x14e: {  	s3 =	rddreg [dreg:$0x2];
	[bflag:$0x3] =	sbarrier.arrive $0xFFFF;
	s2 =	simm.s32 @!p0 $0x1C10  }
0x14f: {  	[timem:s3], [sflag:s2] =	dma.local @!p0 [hbm:s0], s1  }
0x150: {  	s0 =	simm.s32 @!p0 $0x10  }
0x151: {  	_ =	swait.ge @!p0 [sflag:s0], s1  }
0x152: {  	s1 =	ssub.s32 @!p0 $0x0, s1;
	[sflag:s0] =	ssyncset.done @!p0 $0x0  }
0x153: {  	[sflag:s0] =	ssyncadd.s32 @!p0 s1  }
0x154: {  	[bflag:$0x3] =	sbarrier.arrive $0xFFFF  }
0x155: {  	_ =	shalt  }

// kernel: kernel.9.cloned.1.call-start
scs
__scs_entry_jumppad:
0x0: {  	(pc) =	sbr.rel $0x88, $3  }
0x1: {  	(tag) =	ssettag $0x0;
	lr =	simm.s32 $0x1  }
0x2: {  	[smem:$0x3F95] =	sst lr;
	_ =	strace $0xD0000000  }
0x3: {  	_ = 	snop  }
0x4: {  	_ = 	snop  }
0x5: {  	_ = 	snop  }
0x6: {  	_ = 	snop  }
0x7: {  	_ = 	snop  }
__scs_overlays_trampoline_lowered:
0x8: {  	[smem:$0x3FA4] =	sst s0  }
0x9: {  	[smem:$0x3FA5] =	sst s1  }
0xa: {  	[smem:$0x3FA6] =	sst s2  }
0xb: {  	[smem:$0x3FA7] =	sst s3  }
0xc: {  	[smem:$0x3FA8] =	sst s4  }
0xd: {  	[smem:$0x3FA9] =	sst s5  }
0xe: {  	[smem:$0x3FAA] =	sst s6  }
0xf: {  	[smem:$0x3FAB] =	sst s7  }
0x10: {  	[smem:$0x3FAC] =	sst s8  }
0x11: {  	[smem:$0x3FAD] =	sst s9;
	s0 =	simm.s32 @!p0 $0x0  }
0x12: {  	s1 =	sld [smem:$0x3F93];
	s0 =	simm.s32 @p0 $0x1  }
0x13: {  	[smem:$0x3FAE] =	sst s0;
	s0 =	simm.s32 @!p1 $0x0  }
0x14: {  	s2 =	sld [smem:$0x3F92];
	s0 =	simm.s32 @p1 $0x1  }
0x15: {  	[smem:$0x3FAF] =	sst s0;
	s0 =	simm.s32 @!p2 $0x0  }
0x16: {  	s3 =	sld [smem:$0x3FDB];
	s0 =	simm.s32 @p2 $0x1  }
0x17: {  	s4 =	simm.s32 $0x1BF5;
	[smem:$0x3FB1] =	sst s0  }
0x18: {  	s0 =	sld [smem:$0x3F94];
	_ =	swait.ge [sflag:s4], $0x0  }
0x19: {  	s7 =	sld [smem:$0x3F95]  }
0x1a: {  	s8 =	sadd.s32 $0xFFFFE003, lr  }
0x1b: {  	s9 =	sadd.s32 $0xFFFFFEF7, lr;
	s5 =	simm.s32 $0xFFFFFFFF;
	p2 =	slt.u32 s8, $0xFFFFF086  }
0x1c: {  	p1 =	slt.u32 s9, $0xF7A;
	s5 =	simm.s32 @!p2 $0x0  }
0x1d: {  	s5 =	simm.s32 @p1 $0x1;
	p0 =	seq.s32 s7, s2  }
0x1e: {  	s7 =	smul.u32 @!p0 $0xF7A, s2;
	p2 =	seq.s32 @!p0 s5, $0x0  }
0x1f: {  	s9 =	smul.u32 $0xF7A, s1;
	s8 =	simm.s32 @!p0 $0x1BF5;
	p2 =	por !p2, p0  }
0x20: {  	[sflag:s8] =	ssyncset.s32 @!p0 $0xFFFFF086;
	s6 =	sadd.s32 @!p0 s3, s7;
	s7 =	simm.s32 @!p0 $0x108  }
0x21: {  	s3 =	sadd.s32 s3, s9;
	s6 =	sadd.s32 @!p0 $0x88, s6;
	s7 =	simm.s32 @p2 $0x1082  }
0x22: {  	[simem:s7], [sflag:s8] =	dma.local @!p0 [hbm:s6], $0xF7A  }
0x23: {  	s9 =	sor.u32 $0xD0000000, s2;
	s6 =	simm.s32 $0x108;
	_ =	swait.ge @!p0 [sflag:s8], $0x0  }
0x24: {  	s3 =	sadd.s32 $0x88, s3;
	s6 =	simm.s32 @!p1 $0x1082;
	[sflag:s4] =	ssyncset.s32 $0xFFFFF086  }
0x25: {  	[simem:s6], [sflag:s4] =	dma.local [hbm:s3], $0xF7A  }
0x26: {  	[smem:$0x3F95] =	sst s1;
	(tag) =	ssettag s2;
	_ =	strace s9  }
0x27: {  	s1 =	sld [smem:$0x3FA5]  }
0x28: {  	s2 =	sld [smem:$0x3FA6]  }
0x29: {  	s4 =	sld [smem:$0x3FA8]  }
0x2a: {  	p0 =	seq.s32 s5, $0x0;
	s5 =	sld [smem:$0x3FA9]  }
0x2b: {  	s6 =	sld [smem:$0x3FAA]  }
0x2c: {  	s7 =	sld [smem:$0x3FAB]  }
0x2d: {  	s3 =	simm.s32 $0x108;
	s8 =	sld [smem:$0x3FAC]  }
0x2e: {  	s3 =	simm.s32 @!p0 $0x1082;
	s9 =	sld [smem:$0x3FAD]  }
0x2f: {  	lr =	sadd.s32 s0, s3;
	s0 =	sld [smem:$0x3FA4]  }
0x30: {  	s3 =	sld [smem:$0x3FA7]  }
0x31: {  	[smem:$0x3FB0] =	sst s10  }
0x32: {  	s10 =	sld [smem:$0x3FAE];
	_ =	sdelay $0x3  }
0x33: {  	p0 =	seq.s32 s10, $0x1;
	s10 =	sld [smem:$0x3FB0];
	_ =	sdelay $0x3  }
0x34: {  	[smem:$0x3FB0] =	sst s10  }
0x35: {  	s10 =	sld [smem:$0x3FAF];
	_ =	sdelay $0x3  }
0x36: {  	p1 =	seq.s32 s10, $0x1;
	s10 =	sld [smem:$0x3FB0];
	_ =	sdelay $0x3  }
0x37: {  	[smem:$0x3FB0] =	sst s10  }
0x38: {  	s10 =	sld [smem:$0x3FB1]  }
0x39: {  	_ = 	snop;
	(pc) =	sbr.ind lr, $3  }
0x3a: {  	_ = 	snop  }
0x3b: {  	_ = 	snop  }
0x3c: {  	p2 =	seq.s32 s10, $0x1;
	s10 =	sld [smem:$0x3FB0]  }
0x3d: {  	_ =	shalt  }
0x3e: {  	_ =	shalt  }
0x3f: {  	_ =	shalt  }
0x40: {  	_ =	shalt  }
0x41: {  	_ =	shalt  }
0x42: {  	_ =	shalt  }
0x43: {  	_ =	shalt  }
0x44: {  	_ =	shalt  }
0x45: {  	_ =	shalt  }
0x46: {  	_ =	shalt  }
0x47: {  	_ =	shalt  }
0x48: {  	_ =	shalt  }
0x49: {  	_ =	shalt  }
0x4a: {  	_ =	shalt  }
0x4b: {  	_ =	shalt  }
0x4c: {  	_ =	shalt  }
0x4d: {  	_ =	shalt  }
0x4e: {  	_ =	shalt  }
0x4f: {  	_ =	shalt  }
0x50: {  	_ =	shalt  }
0x51: {  	_ =	shalt  }
0x52: {  	_ =	shalt  }
0x53: {  	_ =	shalt  }
0x54: {  	_ =	shalt  }
0x55: {  	_ =	shalt  }
0x56: {  	_ =	shalt  }
0x57: {  	_ =	shalt  }
0x58: {  	_ =	shalt  }
0x59: {  	_ =	shalt  }
0x5a: {  	_ =	shalt  }
0x5b: {  	_ =	shalt  }
0x5c: {  	_ =	shalt  }
0x5d: {  	_ =	shalt  }
0x5e: {  	_ =	shalt  }
0x5f: {  	_ =	shalt  }
0x60: {  	_ =	shalt  }
0x61: {  	_ =	shalt  }
0x62: {  	_ =	shalt  }
0x63: {  	_ =	shalt  }
0x64: {  	_ =	shalt  }
0x65: {  	_ =	shalt  }
0x66: {  	_ =	shalt  }
0x67: {  	_ =	shalt  }
0x68: {  	_ =	shalt  }
0x69: {  	_ =	shalt  }
0x6a: {  	_ =	shalt  }
0x6b: {  	_ =	shalt  }
0x6c: {  	_ =	shalt  }
0x6d: {  	_ =	shalt  }
0x6e: {  	_ =	shalt  }
0x6f: {  	_ =	shalt  }
0x70: {  	_ =	shalt  }
0x71: {  	_ =	shalt  }
0x72: {  	_ =	shalt  }
0x73: {  	_ =	shalt  }
0x74: {  	_ =	shalt  }
0x75: {  	_ =	shalt  }
0x76: {  	_ =	shalt  }
0x77: {  	_ =	shalt  }
0x78: {  	_ =	shalt  }
0x79: {  	_ =	shalt  }
0x7a: {  	_ =	shalt  }
0x7b: {  	_ =	shalt  }
0x7c: {  	_ =	shalt  }
0x7d: {  	_ =	shalt  }
0x7e: {  	_ =	shalt  }
0x7f: {  	_ =	shalt  }
0x80: {  	_ =	shalt  }
0x81: {  	_ =	shalt  }
0x82: {  	_ =	shalt  }
0x83: {  	_ =	shalt  }
0x84: {  	_ =	shalt  }
0x85: {  	_ =	shalt  }
0x86: {  	_ =	shalt  }
0x87: {  	_ =	shalt  }
.Lfunc_end0:
.L_simem_size_0:
called_computation.1_lowered:
.L_overlay_start_0:
0x88: {  	s2 =	sld [smem:$0x3FD9]  }
0x89: {  	s3 =	sld [smem:$0x3FFE];
	_ =	sdelay $0x1  }
0x8a: {  	s1 =	srdreg.scid  }
0x8b: {  	s0 =	sand.u32 $0x1, s1  }
0x8c: {  	s17 =	sshll.u32 s0, $0xA;
	s2 =	sadd.s32 s3, s2  }
0x8d: {  	s2 =	sadd.s32 s2, s17  }
0x8e: {  	[smem:$0x3FBC] =	sst s2  }
0x8f: {  	_ = 	snop  }
0x90: {  	s2 =	sld [smem:$0x3FD0];
	(tm) =	ssettm $0x1  }
0x91: {  	s18 =	sld [smem:$0x3FFB];
	_ =	sdelay $0x3  }
0x92: {  	_ =	strace s18  }
0x93: {  	s3 =	sld [smem:$0x3FFC];
	_ =	sdelay $0x3  }
0x94: {  	_ =	strace s3  }
0x95: {  	s3 =	sld [smem:$0x3FFD];
	_ =	sdelay $0x3  }
0x96: {  	_ =	strace s3  }
0x97: {  	_ =	strace $0x8FFFFFFF  }
0x98: {  	s19 =	sld [smem:$0x3FDB];
	_ =	sdelay $0x1  }
0x99: {  	s4 =	simm.s32 $_scs_section_size  }
0x9a: {  	s5 =	simm.s32 $_size__tile_overlayer_lowered;
	s6 =	simm.s32 $_tile_overlayer_lowered  }
0x9b: {  	s22 =	simm.s32 $0x1BFF;
	s21 =	sshll.u32 s6, $0x1;
	s3 =	sadd.s32 s4, s19  }
0x9c: {  	s7 =	simm.s32 $0x0;
	s20 =	sshll.u32 s5, $0x1;
	s5 =	sadd.s32 s21, s3  }
0x9d: {  	[timem:s7], [sflag:s22] =	dma.local [hbm:s5], s20  }
0x9e: {  	_ =	swait.ge [sflag:s22], s20  }
0x9f: {  	s4 =	ssub.s32 $0x0, s20;
	[sflag:s22] =	ssyncset.done $0x0  }
0xa0: {  	[sflag:s22] =	ssyncadd.s32 s4;
	_ =	sdelay $0x1  }
0xa1: {  	s23 =	simm.s32 $0x1B8B  }
0xa2: {  	_ =	swait.ge [sflag:s23], $0x1  }
0xa3: {  	[sflag:s23] =	ssyncset.done $0x0  }
0xa4: {  	s25 =	simm.s32 $0x1B8E;
	s24 =	sld [smem:$0x3FFE];
	[sflag:s23] =	ssyncadd.s32 $0xFFFFFFFF  }
0xa5: {  	s26 =	simm.s32 $execute0_lowered;
	[smem:$0x3FD2] =	sst s25  }
0xa6: {  	s5 =	sshll.u32 s26, $0x1;
	_ =	strace $0x80000049;
	[dreg:$0x1] =	wrdreg $0xFFFFFFFF  }
0xa7: {  	s28 =	simm.s32 $_size_execute0_lowered;
	s3 =	sadd.s32 s3, s5;
	[dreg:$0x0] =	wrdreg $0x0  }
0xa8: {  	s5 =	sshll.u32 s28, $0x1;
	[dreg:$0x2] =	wrdreg s3  }
0xa9: {  	[dreg:$0x3] =	wrdreg s5  }
0xaa: {  	[dreg:$0x4] =	wrdreg $0xC0  }
0xab: {  	_ =	task [dreg:s7], $0x5FFFF  }
0xac: {  	[dreg:$0x1] =	wrdreg $0xFFFFFFFF  }
0xad: {  	[dreg:$0x0] =	wrdreg $0x60  }
0xae: {  	[dreg:$0x2] =	wrdreg s24  }
0xaf: {  	[dreg:$0x3] =	wrdreg s2  }
0xb0: {  	[dreg:$0x4] =	wrdreg $0xC6000  }
0xb1: {  	[dreg:$0x5] =	wrdreg $0x9  }
0xb2: {  	_ =	task.clear_ibuf [dreg:s7], $0x6FFFF;
	_ =	strace $0x90000049  }
0xb3: {  	s29 =	simm.s32 $0x9;
	_ =	strace $0x8000004B  }
0xb4: {  	_ =	swait.ge [sflag:s29], $0x1  }
0xb5: {  	[sflag:s29] =	ssyncadd.s32 $0xFFFFFFFF  }
0xb6: {  	_ =	strace $0x9000004B  }
0xb7: {  	_ =	sfence  }
0xb8: {  	s30 =	sld [smem:$0x0];
	_ =	sdelay $0x2  }
0xb9: {  	s31 =	sshll.u32 s1, $0xD;
	s1 =	sshrl.u32 s1, $0x2  }
0xba: {  	s3 =	sand.u32 $0x4000, s31;
	s1 =	sadd.s32 s1, s30  }
0xbb: {  	s0 =	sor.u32 s3, s0;
	s1 =	sshll.u32 s1, $0x11  }
0xbc: {  	s0 =	sor.u32 s1, s0  }
0xbd: {  	s0 =	sadd.s32 $0x8F2B, s0  }
0xbe: {  	[sflag:s0] =	ssyncadd.remote.s32 $0x1  }
0xbf: {  	_ =	sfence.sel $0xFFFF  }
0xc0: {  	[dreg:$0x0] =	wrdreg $0xFFFFFFFF;
	(pc) =	sbr.abs _section_cstart, $3  }
0xc1: {  	[dreg:$0x1] =	wrdreg $0xFFFFFFFF  }
0xc2: {  	_ =	task.clear_ibuf [dreg:s7], $0x2FFFF;
	_ =	strace $0x9FFFFFFF  }
0xc3: {  	(tm) =	ssettm $0x7FFFFFFF  }
tec
execute0_lowered:
.L_overlay_start_1:
0x0: {  	(tag) =	ssettag $0x1  }
0x1: {  	s4 =	srdreg.scid  }
0x2: {  	s0 =	rddreg [dreg:$0x0];
	s7 =	sand.u32 $0x1, s4  }
0x3: {  	s3 =	rddreg [dreg:$0x1];
	s13 =	stileid.u32;
	s5 =	sshll.u32 s7, $0x4  }
0x4: {  	s1 =	rddreg [dreg:$0x2];
	s2 =	simm.s32 $0x0;
	s5 =	sor.u32 s13, s5  }
0x5: {  	[smem:$0x7FF] =	sst s2;
	s12 =	smul.u32 $0x4E000, s13;
	s14 =	ssub.s32 $0x9C4, s5  }
0x6: {  	_ =	strace $0x8000004A;
	s15 =	ssub.s32 $0x964, s5;
	[dreg:$0x4] =	wrdreg s14  }
0x7: {  	s4 =	sadd.s32 $0x29A00, s0;
	s16 =	ssub.s32 $0x944, s5;
	[dreg:$0x5] =	wrdreg s15  }
0x8: {  	s12 =	sshrl.u32 s12, $0x2;
	s17 =	ssub.s32 $0x984, s5;
	[dreg:$0x7] =	wrdreg s16  }
0x9: {  	s8 =	sadd.s32 $0x2800, s0;
	s12 =	sadd.s32 s12, s1;
	[dreg:$0x8] =	wrdreg s17  }
0xa: {  	s6 =	smul.u32 $0x27100, s7;
	s18 =	ssub.s32 $0x924, s5;
	[dreg:$0x15] =	wrdreg s12  }
0xb: {  	s10 =	sshll.u32 s5, $0x4;
	s19 =	ssub.s32 $0x9A4, s5;
	[dreg:$0x9] =	wrdreg s18  }
0xc: {  	s0 =	sadd.s32 s6, s0;
	s6 =	sadd.s32 s3, s10;
	[dreg:$0x6] =	wrdreg s19  }
0xd: {  	s10 =	sadd.s32 $0x9C40, s6;
	[dreg:$0xa] =	wrdreg s6  }
0xe: {  	s30 =	simm.s32 $0x80;
	s20 =	sadd.s32 $0x200, s6;
	[dreg:$0xb] =	wrdreg s10  }
0xf: {  	s29 =	simm.s32 $0x10;
	s21 =	sadd.s32 $0x9E40, s6;
	[dreg:$0xc] =	wrdreg s20  }
0x10: {  	s31 =	sshll.u32 s13, $0x3;
	s22 =	sadd.s32 $0x400, s6;
	[dreg:$0xd] =	wrdreg s21  }
0x11: {  	p1 =	sgt.u32 s13, $0x1;
	s23 =	sadd.s32 $0xA040, s6;
	[dreg:$0xe] =	wrdreg s22  }
0x12: {  	s9 =	ssub.s32 $0x2, s7;
	s24 =	sadd.s32 $0x600, s6;
	[dreg:$0xf] =	wrdreg s23  }
0x13: {  	s7 =	sshll.u32 s7, $0x8;
	s25 =	sadd.s32 $0xA240, s6;
	[dreg:$0x10] =	wrdreg s24  }
0x14: {  	s11 =	sshrl.u32 s9, $0x1;
	s26 =	sadd.s32 $0x800, s6;
	[dreg:$0x11] =	wrdreg s25  }
0x15: {  	s14 =	smul.u32 $0x2700, s13;
	s28 =	sadd.s32 $0xA440, s6;
	[dreg:$0x12] =	wrdreg s26  }
0x16: {  	s9 =	ssub.s32 s9, s11;
	s3 =	sadd.s32 s7, s3;
	[dreg:$0x13] =	wrdreg s28  }
0x17: {  	s7 =	simm.s32 $0x6;
	[dreg:$0x14] =	wrdreg s14;
	s20 =	sadd.s32 s8, s14  }
0x18: {  	s10 =	sor.u32 $0x2700, s31;
	s26 =	smax.u32 s9, $0x1;
	[dreg:$0x16] =	wrdreg s20  }
0x19: {  	s22 =	sshll.u32 s13, $0x4;
	s28 =	sadd.s32 $0xA00, s6;
	[dreg:$0x1a] =	wrdreg s26  }
0x1a: {  	s31 =	sadd.s32 $0xA640, s6;
	s19 =	sadd.s32 s22, s3;
	[dreg:$0x1b] =	wrdreg s28  }
0x1b: {  	s23 =	sshll.u32 s10, $0x7;
	s24 =	sshll.u32 s10, $0x4;
	[dreg:$0x1c] =	wrdreg s31  }
0x1c: {  	s3 =	sadd.s32 s23, s1;
	[dreg:$0x17] =	wrdreg s24;
	s25 =	sadd.s32 s8, s24  }
0x1d: {  	s24 =	sadd.s32 $0x50C00, s0;
	s0 =	simm.s32 @!p1 $0x0;
	[dreg:$0x18] =	wrdreg s3  }
0x1e: {  	s21 =	sshll.u32 s13, $0x6;
	[dreg:$0x19] =	wrdreg s25;
	s0 =	simm.s32 @p1 $0x1  }
0x1f: {  	s21 =	sor.u32 $0x1C10, s21;
	s8 =	simm.s32 $0x0;
	[smem:$0x7FD] =	sst s0  }
.LBB2_1:
0x20: {  	s0 =	rddreg [dreg:$0xa]  }
0x21: {  	s6 =	rddreg [dreg:$0xb]  }
0x22: {  	s9 =	rddreg [dreg:$0xc]  }
0x23: {  	[tilespmem:s2], [sflag:$0x4] =	stream.linear.gather [hbm4b:s0+s2], $0x80, $0x38;
	[tilespmem:$0x1FE80] =	vst v63  }
0x24: {  	s3 =	simm.s32 $0x300;
	s10 =	rddreg [dreg:$0xd]  }
0x25: {  	[tilespmem:s3], [sflag:$0xA] =	stream.linear.gather [hbm4b:s6+s2], $0x80, $0x38;
	[tilespmem:$0x1FE80] =	vst v63  }
0x26: {  	s12 =	rddreg [dreg:$0xe]  }
0x27: {  	[tilespmem:s30], [sflag:$0x5] =	stream.linear.gather [hbm4b:s9+s2], $0x80, $0x38;
	[tilespmem:$0x1FE80] =	vst v63  }
0x28: {  	s11 =	simm.s32 $0x380;
	s13 =	rddreg [dreg:$0xf]  }
0x29: {  	[tilespmem:s11], [sflag:$0xB] =	stream.linear.gather [hbm4b:s10+s2], $0x80, $0x38;
	[tilespmem:$0x1FE80] =	vst v63  }
0x2a: {  	s14 =	rddreg [dreg:$0x10];
	s3 =	simm.s32 $0x100  }
0x2b: {  	[tilespmem:s3], [sflag:$0x6] =	stream.linear.gather [hbm4b:s12+s2], $0x80, $0x38;
	[tilespmem:$0x1FE80] =	vst v63  }
0x2c: {  	s16 =	rddreg [dreg:$0x11];
	s6 =	simm.s32 $0x400  }
0x2d: {  	[tilespmem:s6], [sflag:$0xC] =	stream.linear.gather [hbm4b:s13+s2], $0x80, $0x38;
	[tilespmem:$0x1FE80] =	vst v63  }
0x2e: {  	s15 =	simm.s32 $0x180;
	s18 =	rddreg [dreg:$0x12]  }
0x2f: {  	[tilespmem:s15], [sflag:$0x7] =	stream.linear.gather [hbm4b:s14+s2], $0x80, $0x38;
	[tilespmem:$0x1FE80] =	vst v63  }
0x30: {  	s17 =	simm.s32 $0x480;
	s22 =	rddreg [dreg:$0x13]  }
0x31: {  	[tilespmem:s17], [sflag:$0xD] =	stream.linear.gather [hbm4b:s16+s2], $0x80, $0x38;
	[tilespmem:$0x1FE80] =	vst v63  }
0x32: {  	s20 =	simm.s32 $0x200;
	s25 =	rddreg [dreg:$0x1b]  }
0x33: {  	[tilespmem:s20], [sflag:$0x8] =	stream.linear.gather [hbm4b:s18+s2], $0x80, $0x38;
	[tilespmem:$0x1FE80] =	vst v63  }
0x34: {  	s23 =	simm.s32 $0x500;
	s28 =	rddreg [dreg:$0x1c]  }
0x35: {  	[tilespmem:s23], [sflag:$0xE] =	stream.linear.gather [hbm4b:s22+s2], $0x80, $0x38;
	[tilespmem:$0x1FE80] =	vst v63  }
0x36: {  	s26 =	simm.s32 $0x280;
	s9 =	rddreg [dreg:$0x15]  }
0x37: {  	[tilespmem:s26], [sflag:$0x9] =	stream.linear.gather [hbm4b:s25+s2], $0x80, $0x38;
	[tilespmem:$0x1FE80] =	vst v63  }
0x38: {  	s31 =	simm.s32 $0x580;
	s9 =	sshrl.u32 s9, $0x3;
	s10 =	rddreg [dreg:$0x16]  }
0x39: {  	[tilespmem:s31], [sflag:$0xF] =	stream.linear.gather [hbm4b:s28+s2], $0x80, $0x38;
	[tilespmem:$0x1FE80] =	vst v63  }
0x3a: {  	[spmem:s9], [sflag:s21] =	dma.local [hbm:s10], $0x2700  }
0x3b: {  	_ =	swait.ge [sflag:s29], $0x2700  }
0x3c: {  	[sflag:s29] =	ssyncset.done $0x0;
	s0 =	rddreg [dreg:$0x18]  }
0x3d: {  	[sflag:s29] =	ssyncadd.s32 $0xFFFFD900;
	s10 =	sshrl.u32 @!p1 s0, $0x3;
	s0 =	rddreg [dreg:$0x19]  }
0x3e: {  	[spmem:s10], [sflag:s21] =	dma.local @!p1 [hbm:s0], $0x80  }
0x3f: {  	s0 =	simm.s32 @!p1 $0x10  }
0x40: {  	_ =	swait.ge @!p1 [sflag:s0], $0x80  }
0x41: {  	[sflag:s0] =	ssyncset.done @!p1 $0x0  }
0x42: {  	[sflag:s0] =	ssyncadd.s32 @!p1 $0xFFFFFF80  }
0x43: {  	s11 =	simm.s32 $0x4;
	[bflag:$0x0] =	sbarrier.arrive $0xFFFF  }
0x44: {  	_ =	swait.ge [sflag:s11], $0x80  }
0x45: {  	[sflag:s11] =	ssyncset.done $0x0  }
0x46: {  	s12 =	simm.s32 $0x600;
	s13 =	simm.s32 $0x5;
	[sflag:s11] =	ssyncadd.s32 $0xFFFFFF80  }
0x47: {  	[tilespmem:s12], [sflag:$0x1] =	stream.indirect.gather [hbm4b:s4+s30], $0x80, s2, s30, $0xb8;
	[tilespmem:$0x1FE80] =	vst v63  }
0x48: {  	_ =	swait.ge [sflag:s13], $0x80  }
0x49: {  	[sflag:s13] =	ssyncset.done $0x0  }
0x4a: {  	s14 =	simm.s32 $0x4600;
	[sflag:s13] =	ssyncadd.s32 $0xFFFFFF80  }
0x4b: {  	[tilespmem:s14], [sflag:$0x2] =	stream.indirect.gather [hbm4b:s4+s30], $0x80, s30, s30, $0xb8;
	[tilespmem:$0x1FE80] =	vst v63  }
0x4c: {  	_ =	swait.ge [sflag:s7], $0x80  }
0x4d: {  	[sflag:s7] =	ssyncset.done $0x0;
	s15 =	rddreg [dreg:$0x4]  }
0x4e: {  	s16 =	simm.s32 $0x8600;
	[sflag:s7] =	ssyncadd.s32 $0xFFFFFF80;
	p1 =	sle.u32 s15, $0x0  }
0x4f: {  	[tilespmem:s16], [sflag:$0x3] =	stream.indirect.gather [hbm4b:s4+s30], $0x80, s3, s30, $0xb8;
	[tilespmem:$0x1FE80] =	vst v63  }
0x50: {  	s0 =	simm.s32 @!p1 $0x1  }
0x51: {  	_ =	swait.ge @!p1 [sflag:s0], $0x4000  }
0x52: {  	[sflag:s0] =	ssyncset.done @!p1 $0x0  }
0x53: {  	s11 =	sadd.s32 $0x0, s5;
	[sflag:s0] =	ssyncadd.s32 @!p1 $0xFFFFC000;
	s0 =	simm.s32 @!p1 $0xA  }
0x54: {  	s14 =	sadd.s32 $0xC0, s11;
	_ =	swait.ge @!p1 [sflag:s0], $0x80  }
0x55: {  	s12 =	simm.s32 @!p1 $0x10;
	s13 =	simm.s32 @!p1 $0x600;
	[sflag:s0] =	ssyncset.done @!p1 $0x0  }
0x56: {  	s15 =	simm.s32 @!p1 $0x300;
	[sflag:s0] =	ssyncadd.s32 @!p1 $0xFFFFFF80;
	s0 =	simm.s32 @!p1 $0x80  }
0x57: {  	[spmem:s1] =	stream.indirect.scatter.add.f32 @!p1 [tilespmem:s13], [sflag:$0x10], $0x80, s15, s0, $0xb8;
	[tilespmem:$0x1FE80] =	vst v63  }
0x58: {  	p0 =	sgt.u32 s14, $0x9C3;
	_ =	swait.ge @!p1 [sflag:s12], $0x4000  }
0x59: {  	s13 =	sadd.s32 @!p0 $0x0, s19;
	s0 =	simm.s32 @!p0 $0x0;
	[sflag:s12] =	ssyncset.done @!p1 $0x0  }
0x5a: {  	s17 =	rddreg [dreg:$0x5];
	[sflag:s12] =	ssyncadd.s32 @!p1 $0xFFFFC000;
	s12 =	sadd.s32 @!p0 $0xC00, s13  }
0x5b: {  	[tilespmem:s0], [sflag:$0x4] =	stream.linear.gather @!p0 [hbm4b:s12+s0], $0x80, $0x38;
	[tilespmem:$0x1FE80] =	vst v63  }
0x5c: {  	p3 =	sle.u32 s17, $0x0;
	s12 =	sadd.s32 @!p0 $0xA840, s13;
	s13 =	simm.s32 @!p0 $0x300  }
0x5d: {  	[tilespmem:s13], [sflag:$0xA] =	stream.linear.gather @!p0 [hbm4b:s12+s0], $0x80, $0x38;
	[tilespmem:$0x1FE80] =	vst v63  }
0x5e: {  	s12 =	simm.s32 @!p3 $0x7  }
0x5f: {  	s15 =	simm.s32 @!p3 $0x80;
	_ =	swait.ge @!p3 [sflag:s12], $0x80  }
0x60: {  	s13 =	simm.s32 @!p3 $0x600;
	[sflag:s12] =	ssyncset.done @!p3 $0x0;
	s18 =	rddreg [dreg:$0x6]  }
0x61: {  	[sflag:s12] =	ssyncadd.s32 @!p3 $0xFFFFFF80;
	s12 =	simm.s32 @!p3 $0x180;
	p2 =	sle.u32 s18, $0x0  }
0x62: {  	[tilespmem:s13], [sflag:$0x1] =	stream.indirect.gather @!p3 [hbm4b:s4+s15], $0x80, s12, s15, $0xb8;
	[tilespmem:$0x1FE80] =	vst v63  }
0x63: {  	s12 =	simm.s32 @!p2 $0x2  }
0x64: {  	_ =	swait.ge @!p2 [sflag:s12], $0x4000  }
0x65: {  	[sflag:s12] =	ssyncset.done @!p2 $0x0  }
0x66: {  	s20 =	sadd.s32 $0xE0, s11;
	s14 =	simm.s32 @!p2 $0xB;
	[sflag:s12] =	ssyncadd.s32 @!p2 $0xFFFFC000  }
0x67: {  	p6 =	sgt.u32 s20, $0x9C3;
	_ =	swait.ge @!p2 [sflag:s14], $0x80  }
0x68: {  	s16 =	simm.s32 @!p2 $0x4600;
	s17 =	simm.s32 @!p2 $0x80;
	[sflag:s14] =	ssyncset.done @!p2 $0x0  }
0x69: {  	s18 =	simm.s32 @!p2 $0x380;
	[sflag:s14] =	ssyncadd.s32 @!p2 $0xFFFFFF80;
	s14 =	simm.s32 @!p2 $0x10  }
0x6a: {  	[spmem:s1] =	stream.indirect.scatter.add.f32 @!p2 [tilespmem:s16], [sflag:$0x10], $0x80, s18, s17, $0xb8;
	[tilespmem:$0x1FE80] =	vst v63  }
0x6b: {  	s16 =	sadd.s32 @!p6 $0x0, s19;
	_ =	swait.ge @!p2 [sflag:s14], $0x4000  }
0x6c: {  	s12 =	simm.s32 @!p6 $0x80;
	s18 =	sadd.s32 @!p6 $0xE00, s16;
	[sflag:s14] =	ssyncset.done @!p2 $0x0  }
0x6d: {  	s22 =	rddreg [dreg:$0x7];
	[sflag:s14] =	ssyncadd.s32 @!p2 $0xFFFFC000;
	s14 =	simm.s32 @!p6 $0x0  }
0x6e: {  	[tilespmem:s12], [sflag:$0x5] =	stream.linear.gather @!p6 [hbm4b:s18+s14], $0x80, $0x38;
	[tilespmem:$0x1FE80] =	vst v63  }
0x6f: {  	s16 =	sadd.s32 @!p6 $0xAA40, s16;
	p4 =	sle.u32 s22, $0x0;
	s18 =	simm.s32 @!p6 $0x380  }
0x70: {  	[tilespmem:s18], [sflag:$0xB] =	stream.linear.gather @!p6 [hbm4b:s16+s14], $0x80, $0x38;
	[tilespmem:$0x1FE80] =	vst v63  }
0x71: {  	s14 =	simm.s32 @!p4 $0x8  }
0x72: {  	s17 =	simm.s32 @!p4 $0x80;
	_ =	swait.ge @!p4 [sflag:s14], $0x80  }
0x73: {  	s16 =	simm.s32 @!p4 $0x4600;
	[sflag:s14] =	ssyncset.done @!p4 $0x0;
	s23 =	rddreg [dreg:$0x8]  }
0x74: {  	[sflag:s14] =	ssyncadd.s32 @!p4 $0xFFFFFF80;
	s14 =	simm.s32 @!p4 $0x200;
	p5 =	sle.u32 s23, $0x0  }
0x75: {  	[tilespmem:s16], [sflag:$0x2] =	stream.indirect.gather @!p4 [hbm4b:s4+s17], $0x80, s14, s17, $0xb8;
	[tilespmem:$0x1FE80] =	vst v63  }
0x76: {  	s14 =	simm.s32 @!p5 $0x3  }
0x77: {  	_ =	swait.ge @!p5 [sflag:s14], $0x4000  }
0x78: {  	[sflag:s14] =	ssyncset.done @!p5 $0x0  }
0x79: {  	s25 =	sadd.s32 $0x100, s11;
	s18 =	simm.s32 @!p5 $0xC;
	[sflag:s14] =	ssyncadd.s32 @!p5 $0xFFFFC000  }
0x7a: {  	p1 =	sgt.u32 s25, $0x9C3;
	_ =	swait.ge @!p5 [sflag:s18], $0x80  }
0x7b: {  	s20 =	simm.s32 @!p5 $0x8600;
	s22 =	simm.s32 @!p5 $0x80;
	[sflag:s18] =	ssyncset.done @!p5 $0x0  }
0x7c: {  	s23 =	simm.s32 @!p5 $0x400;
	[sflag:s18] =	ssyncadd.s32 @!p5 $0xFFFFFF80;
	s18 =	simm.s32 @!p5 $0x10  }
0x7d: {  	[spmem:s1] =	stream.indirect.scatter.add.f32 @!p5 [tilespmem:s20], [sflag:$0x10], $0x80, s23, s22, $0xb8;
	[tilespmem:$0x1FE80] =	vst v63  }
0x7e: {  	s20 =	sadd.s32 @!p1 $0x0, s19;
	_ =	swait.ge @!p5 [sflag:s18], $0x4000  }
0x7f: {  	s14 =	simm.s32 @!p1 $0x100;
	s22 =	sadd.s32 @!p1 $0x1000, s20;
	[sflag:s18] =	ssyncset.done @!p5 $0x0  }
0x80: {  	s26 =	rddreg [dreg:$0x9];
	[sflag:s18] =	ssyncadd.s32 @!p5 $0xFFFFC000;
	s18 =	simm.s32 @!p1 $0x0  }
0x81: {  	[tilespmem:s14], [sflag:$0x6] =	stream.linear.gather @!p1 [hbm4b:s22+s18], $0x80, $0x38;
	[tilespmem:$0x1FE80] =	vst v63  }
0x82: {  	s20 =	sadd.s32 @!p1 $0xAC40, s20;
	p5 =	sle.u32 s26, $0x0;
	s22 =	simm.s32 @!p1 $0x400  }
0x83: {  	[tilespmem:s22], [sflag:$0xC] =	stream.linear.gather @!p1 [hbm4b:s20+s18], $0x80, $0x38;
	[tilespmem:$0x1FE80] =	vst v63  }
0x84: {  	s20 =	simm.s32 @!p5 $0x9  }
0x85: {  	_ =	swait.ge @!p5 [sflag:s20], $0x80  }
0x86: {  	s23 =	simm.s32 @!p5 $0x280;
	s18 =	simm.s32 @!p5 $0x8600;
	[sflag:s20] =	ssyncset.done @!p5 $0x0  }
0x87: {  	s22 =	simm.s32 @!p3 $0x1;
	[sflag:s20] =	ssyncadd.s32 @!p5 $0xFFFFFF80;
	s20 =	simm.s32 @!p5 $0x80  }
0x88: {  	[tilespmem:s18], [sflag:$0x3] =	stream.indirect.gather @!p5 [hbm4b:s4+s20], $0x80, s23, s20, $0xb8;
	[tilespmem:$0x1FE80] =	vst v63  }
0x89: {  	_ =	swait.ge @!p3 [sflag:s22], $0x4000  }
0x8a: {  	[sflag:s22] =	ssyncset.done @!p3 $0x0  }
0x8b: {  	[sflag:s22] =	ssyncadd.s32 @!p3 $0xFFFFC000;
	s22 =	simm.s32 @!p3 $0xD  }
0x8c: {  	_ =	swait.ge @!p3 [sflag:s22], $0x80  }
0x8d: {  	s28 =	sadd.s32 $0x120, s11;
	[sflag:s22] =	ssyncset.done @!p3 $0x0  }
0x8e: {  	s23 =	simm.s32 @!p3 $0x10;
	[sflag:s22] =	ssyncadd.s32 @!p3 $0xFFFFFF80;
	s22 =	simm.s32 @!p3 $0x480  }
0x8f: {  	[spmem:s1] =	stream.indirect.scatter.add.f32 @!p3 [tilespmem:s13], [sflag:$0x10], $0x80, s22, s15, $0xb8;
	[tilespmem:$0x1FE80] =	vst v63  }
0x90: {  	p2 =	sgt.u32 s28, $0x9C3;
	_ =	swait.ge @!p3 [sflag:s23], $0x4000  }
0x91: {  	s13 =	sadd.s32 @!p2 $0x0, s19;
	s15 =	simm.s32 @!p2 $0x180;
	[sflag:s23] =	ssyncset.done @!p3 $0x0  }
0x92: {  	s22 =	sadd.s32 @!p2 $0x1200, s13;
	[sflag:s23] =	ssyncadd.s32 @!p3 $0xFFFFC000;
	s23 =	simm.s32 @!p2 $0x0  }
0x93: {  	[tilespmem:s15], [sflag:$0x7] =	stream.linear.gather @!p2 [hbm4b:s22+s23], $0x80, $0x38;
	[tilespmem:$0x1FE80] =	vst v63  }
0x94: {  	s13 =	sadd.s32 @!p2 $0xAE40, s13;
	s15 =	simm.s32 @!p2 $0x480  }
0x95: {  	[tilespmem:s15], [sflag:$0xD] =	stream.linear.gather @!p2 [hbm4b:s13+s23], $0x80, $0x38;
	[tilespmem:$0x1FE80] =	vst v63  }
0x96: {  	s13 =	simm.s32 @!p0 $0x4  }
0x97: {  	_ =	swait.ge @!p0 [sflag:s13], $0x80  }
0x98: {  	[sflag:s13] =	ssyncset.done @!p0 $0x0  }
0x99: {  	s15 =	simm.s32 @!p0 $0x600;
	[sflag:s13] =	ssyncadd.s32 @!p0 $0xFFFFFF80;
	s13 =	simm.s32 @!p0 $0x80  }
0x9a: {  	[tilespmem:s15], [sflag:$0x1] =	stream.indirect.gather @!p0 [hbm4b:s4+s13], $0x80, s0, s13, $0xb8;
	[tilespmem:$0x1FE80] =	vst v63  }
0x9b: {  	s0 =	simm.s32 @!p4 $0x2  }
0x9c: {  	_ =	swait.ge @!p4 [sflag:s0], $0x4000  }
0x9d: {  	[sflag:s0] =	ssyncset.done @!p4 $0x0  }
0x9e: {  	[sflag:s0] =	ssyncadd.s32 @!p4 $0xFFFFC000;
	s0 =	simm.s32 @!p4 $0xE  }
0x9f: {  	_ =	swait.ge @!p4 [sflag:s0], $0x80  }
0xa0: {  	s31 =	sadd.s32 $0x140, s11;
	[sflag:s0] =	ssyncset.done @!p4 $0x0  }
0xa1: {  	s13 =	simm.s32 @!p4 $0x10;
	[sflag:s0] =	ssyncadd.s32 @!p4 $0xFFFFFF80;
	s0 =	simm.s32 @!p4 $0x500  }
0xa2: {  	[spmem:s1] =	stream.indirect.scatter.add.f32 @!p4 [tilespmem:s16], [sflag:$0x10], $0x80, s0, s17, $0xb8;
	[tilespmem:$0x1FE80] =	vst v63  }
0xa3: {  	p0 =	sgt.u32 s31, $0x9C3;
	_ =	swait.ge @!p4 [sflag:s13], $0x4000  }
0xa4: {  	s0 =	sadd.s32 @!p0 $0x0, s19;
	s16 =	simm.s32 @!p0 $0x0;
	[sflag:s13] =	ssyncset.done @!p4 $0x0  }
0xa5: {  	s15 =	sadd.s32 @!p0 $0x1400, s0;
	[sflag:s13] =	ssyncadd.s32 @!p4 $0xFFFFC000;
	s13 =	simm.s32 @!p0 $0x200  }
0xa6: {  	[tilespmem:s13], [sflag:$0x8] =	stream.linear.gather @!p0 [hbm4b:s15+s16], $0x80, $0x38;
	[tilespmem:$0x1FE80] =	vst v63  }
0xa7: {  	s0 =	sadd.s32 @!p0 $0xB040, s0;
	s13 =	simm.s32 @!p0 $0x500  }
0xa8: {  	[tilespmem:s13], [sflag:$0xE] =	stream.linear.gather @!p0 [hbm4b:s0+s16], $0x80, $0x38;
	[tilespmem:$0x1FE80] =	vst v63  }
0xa9: {  	s0 =	simm.s32 @!p6 $0x5  }
0xaa: {  	_ =	swait.ge @!p6 [sflag:s0], $0x80  }
0xab: {  	[sflag:s0] =	ssyncset.done @!p6 $0x0  }
0xac: {  	[sflag:s0] =	ssyncadd.s32 @!p6 $0xFFFFFF80;
	s0 =	simm.s32 @!p6 $0x4600  }
0xad: {  	[tilespmem:s0], [sflag:$0x2] =	stream.indirect.gather @!p6 [hbm4b:s4+s12], $0x80, s12, s12, $0xb8;
	[tilespmem:$0x1FE80] =	vst v63  }
0xae: {  	s0 =	simm.s32 @!p5 $0x3  }
0xaf: {  	_ =	swait.ge @!p5 [sflag:s0], $0x4000  }
0xb0: {  	[sflag:s0] =	ssyncset.done @!p5 $0x0  }
0xb1: {  	[sflag:s0] =	ssyncadd.s32 @!p5 $0xFFFFC000;
	s0 =	simm.s32 @!p5 $0xF  }
0xb2: {  	_ =	swait.ge @!p5 [sflag:s0], $0x80  }
0xb3: {  	[sflag:s0] =	ssyncset.done @!p5 $0x0  }
0xb4: {  	[sflag:s0] =	ssyncadd.s32 @!p5 $0xFFFFFF80;
	s0 =	simm.s32 @!p5 $0x580  }
0xb5: {  	[spmem:s1] =	stream.indirect.scatter.add.f32 @!p5 [tilespmem:s18], [sflag:$0x10], $0x80, s0, s20, $0xb8;
	[tilespmem:$0x1FE80] =	vst v63  }
0xb6: {  	s0 =	simm.s32 @!p5 $0x10  }
0xb7: {  	s11 =	sadd.s32 $0x160, s11;
	_ =	swait.ge @!p5 [sflag:s0], $0x4000  }
0xb8: {  	p0 =	sgt.u32 s11, $0x9C3;
	[sflag:s0] =	ssyncset.done @!p5 $0x0  }
0xb9: {  	[sflag:s0] =	ssyncadd.s32 @!p5 $0xFFFFC000;
	s0 =	sadd.s32 @!p0 $0x0, s19  }
0xba: {  	s11 =	simm.s32 @!p0 $0x280;
	s13 =	simm.s32 @!p0 $0x0;
	s12 =	sadd.s32 @!p0 $0x1600, s0  }
0xbb: {  	[tilespmem:s11], [sflag:$0x9] =	stream.linear.gather @!p0 [hbm4b:s12+s13], $0x80, $0x38;
	[tilespmem:$0x1FE80] =	vst v63  }
0xbc: {  	s0 =	sadd.s32 @!p0 $0xB240, s0;
	s11 =	simm.s32 @!p0 $0x580  }
0xbd: {  	[tilespmem:s11], [sflag:$0xF] =	stream.linear.gather @!p0 [hbm4b:s0+s13], $0x80, $0x38;
	[tilespmem:$0x1FE80] =	vst v63  }
0xbe: {  	s12 =	simm.s32 $0x0;
	s11 =	simm.s32 $0xC00;
	s0 =	simm.s32 @!p1 $0x6  }
.LBB2_2:
0xbf: {  	_ =	swait.ge @!p1 [sflag:s0], $0x80;
	s12 =	sadd.s32 $0xC0, s12  }
0xc0: {  	s13 =	smov.u32 s11;
	s11 =	sadd.s32 $0xC00, s11;
	s16 =	simm.s32 @!p1 $0x8600  }
0xc1: {  	s15 =	rddreg [dreg:$0x4];
	p0 =	sne.s32 s11, $0xA800;
	[sflag:s0] =	ssyncset.done @!p1 $0x0  }
0xc2: {  	s3 =	simm.s32 @!p0 $0x0;
	[sflag:s0] =	ssyncadd.s32 @!p1 $0xFFFFFF80;
	s0 =	simm.s32 @!p1 $0x80  }
0xc3: {  	[tilespmem:s16], [sflag:$0x3] =	stream.indirect.gather @!p1 [hbm4b:s4+s0], $0x80, s14, s0, $0xb8;
	[tilespmem:$0x1FE80] =	vst v63  }
0xc4: {  	s3 =	simm.s32 @p0 $0x1;
	p0 =	sge.u32 s12, s15  }
0xc5: {  	[smem:$0x7FC] =	sst s3;
	s0 =	simm.s32 @!p0 $0x1  }
0xc6: {  	_ =	swait.ge @!p0 [sflag:s0], $0x4000  }
0xc7: {  	s28 =	sadd.s32 s12, s5;
	[sflag:s0] =	ssyncset.done @!p0 $0x0  }
0xc8: {  	s17 =	sadd.s32 $0xC0, s28;
	[sflag:s0] =	ssyncadd.s32 @!p0 $0xFFFFC000;
	s0 =	simm.s32 @!p0 $0xA  }
0xc9: {  	p3 =	sgt.u32 s17, $0x9C3;
	_ =	swait.ge @!p0 [sflag:s0], $0x80  }
0xca: {  	s14 =	simm.s32 @!p0 $0x10;
	s16 =	simm.s32 @!p0 $0x600;
	[sflag:s0] =	ssyncset.done @!p0 $0x0  }
0xcb: {  	s18 =	simm.s32 @!p0 $0x300;
	[sflag:s0] =	ssyncadd.s32 @!p0 $0xFFFFFF80;
	s0 =	simm.s32 @!p0 $0x80  }
0xcc: {  	[spmem:s1] =	stream.indirect.scatter.add.f32 @!p0 [tilespmem:s16], [sflag:$0x10], $0x80, s18, s0, $0xb8;
	[tilespmem:$0x1FE80] =	vst v63  }
0xcd: {  	s0 =	sadd.s32 @!p3 s13, s19;
	_ =	swait.ge @!p0 [sflag:s14], $0x4000  }
0xce: {  	s18 =	simm.s32 @!p3 $0x0;
	[sflag:s14] =	ssyncset.done @!p0 $0x0;
	s31 =	rddreg [dreg:$0x5]  }
0xcf: {  	[sflag:s14] =	ssyncadd.s32 @!p0 $0xFFFFC000;
	s14 =	sadd.s32 @!p3 $0xC00, s0;
	p5 =	sge.u32 s12, s31  }
0xd0: {  	[tilespmem:s18], [sflag:$0x4] =	stream.linear.gather @!p3 [hbm4b:s14+s18], $0x80, $0x38;
	[tilespmem:$0x1FE80] =	vst v63  }
0xd1: {  	s0 =	sadd.s32 @!p3 $0xA840, s0;
	s14 =	simm.s32 @!p3 $0x300;
	s20 =	simm.s32 @!p5 $0x7  }
0xd2: {  	[tilespmem:s14], [sflag:$0xA] =	stream.linear.gather @!p3 [hbm4b:s0+s18], $0x80, $0x38;
	[tilespmem:$0x1FE80] =	vst v63  }
0xd3: {  	s23 =	simm.s32 @!p5 $0x600;
	_ =	swait.ge @!p5 [sflag:s20], $0x80  }
0xd4: {  	s25 =	simm.s32 @!p5 $0x80;
	[sflag:s20] =	ssyncset.done @!p5 $0x0;
	s22 =	rddreg [dreg:$0x6]  }
0xd5: {  	[sflag:s20] =	ssyncadd.s32 @!p5 $0xFFFFFF80;
	s20 =	simm.s32 @!p5 $0x180;
	p0 =	sge.u32 s12, s22  }
0xd6: {  	[tilespmem:s23], [sflag:$0x1] =	stream.indirect.gather @!p5 [hbm4b:s4+s25], $0x80, s20, s25, $0xb8;
	[tilespmem:$0x1FE80] =	vst v63  }
0xd7: {  	s20 =	simm.s32 @!p0 $0x2  }
0xd8: {  	s17 =	sadd.s32 $0x140, s28;
	_ =	swait.ge @!p0 [sflag:s20], $0x4000  }
0xd9: {  	s15 =	sadd.s32 $0x160, s28;
	s3 =	sadd.s32 $0xE0, s28;
	[sflag:s20] =	ssyncset.done @!p0 $0x0  }
0xda: {  	p4 =	sgt.u32 s3, $0x9C3;
	s22 =	simm.s32 @!p0 $0xB;
	[sflag:s20] =	ssyncadd.s32 @!p0 $0xFFFFC000  }
0xdb: {  	s14 =	sadd.s32 $0x100, s28;
	s0 =	sadd.s32 $0x120, s28;
	_ =	swait.ge @!p0 [sflag:s22], $0x80  }
0xdc: {  	s26 =	simm.s32 @!p0 $0x80;
	s28 =	simm.s32 @!p0 $0x380;
	[sflag:s22] =	ssyncset.done @!p0 $0x0  }
0xdd: {  	s6 =	simm.s32 @!p0 $0x10;
	s20 =	simm.s32 @!p0 $0x4600;
	[sflag:s22] =	ssyncadd.s32 @!p0 $0xFFFFFF80  }
0xde: {  	[spmem:s1] =	stream.indirect.scatter.add.f32 @!p0 [tilespmem:s20], [sflag:$0x10], $0x80, s28, s26, $0xb8;
	[tilespmem:$0x1FE80] =	vst v63  }
0xdf: {  	s16 =	sadd.s32 @!p4 s13, s19;
	_ =	swait.ge @!p0 [sflag:s6], $0x4000  }
0xe0: {  	s22 =	simm.s32 @!p4 $0x80;
	s20 =	sadd.s32 @!p4 $0xE00, s16;
	[sflag:s6] =	ssyncset.done @!p0 $0x0  }
0xe1: {  	s3 =	rddreg [dreg:$0x7];
	[sflag:s6] =	ssyncadd.s32 @!p0 $0xFFFFC000;
	s6 =	simm.s32 @!p4 $0x0  }
0xe2: {  	[tilespmem:s22], [sflag:$0x5] =	stream.linear.gather @!p4 [hbm4b:s20+s6], $0x80, $0x38;
	[tilespmem:$0x1FE80] =	vst v63  }
0xe3: {  	s16 =	sadd.s32 @!p4 $0xAA40, s16;
	p6 =	sge.u32 s12, s3;
	s20 =	simm.s32 @!p4 $0x380  }
0xe4: {  	[tilespmem:s20], [sflag:$0xB] =	stream.linear.gather @!p4 [hbm4b:s16+s6], $0x80, $0x38;
	[tilespmem:$0x1FE80] =	vst v63  }
0xe5: {  	s6 =	simm.s32 @!p6 $0x8  }
0xe6: {  	s26 =	simm.s32 @!p6 $0x80;
	_ =	swait.ge @!p6 [sflag:s6], $0x80  }
0xe7: {  	s16 =	simm.s32 @!p6 $0x4600;
	[sflag:s6] =	ssyncset.done @!p6 $0x0;
	s28 =	rddreg [dreg:$0x8]  }
0xe8: {  	[sflag:s6] =	ssyncadd.s32 @!p6 $0xFFFFFF80;
	s6 =	simm.s32 @!p6 $0x200;
	p0 =	sge.u32 s12, s28  }
0xe9: {  	[tilespmem:s16], [sflag:$0x2] =	stream.indirect.gather @!p6 [hbm4b:s4+s26], $0x80, s6, s26, $0xb8;
	[tilespmem:$0x1FE80] =	vst v63  }
0xea: {  	s6 =	simm.s32 @!p0 $0x3  }
0xeb: {  	_ =	swait.ge @!p0 [sflag:s6], $0x4000  }
0xec: {  	[sflag:s6] =	ssyncset.done @!p0 $0x0  }
0xed: {  	s20 =	simm.s32 @!p0 $0xC;
	[sflag:s6] =	ssyncadd.s32 @!p0 $0xFFFFC000  }
0xee: {  	p1 =	sgt.u32 s14, $0x9C3;
	_ =	swait.ge @!p0 [sflag:s20], $0x80  }
0xef: {  	s28 =	simm.s32 @!p0 $0x80;
	s31 =	simm.s32 @!p0 $0x400;
	[sflag:s20] =	ssyncset.done @!p0 $0x0  }
0xf0: {  	s3 =	simm.s32 @!p0 $0x10;
	s6 =	simm.s32 @!p0 $0x8600;
	[sflag:s20] =	ssyncadd.s32 @!p0 $0xFFFFFF80  }
0xf1: {  	[spmem:s1] =	stream.indirect.scatter.add.f32 @!p0 [tilespmem:s6], [sflag:$0x10], $0x80, s31, s28, $0xb8;
	[tilespmem:$0x1FE80] =	vst v63  }
0xf2: {  	s6 =	sadd.s32 @!p1 s13, s19;
	_ =	swait.ge @!p0 [sflag:s3], $0x4000  }
0xf3: {  	s14 =	simm.s32 @!p1 $0x100;
	s20 =	sadd.s32 @!p1 $0x1000, s6;
	[sflag:s3] =	ssyncset.done @!p0 $0x0  }
0xf4: {  	s31 =	rddreg [dreg:$0x9];
	[sflag:s3] =	ssyncadd.s32 @!p0 $0xFFFFC000;
	s3 =	simm.s32 @!p1 $0x0  }
0xf5: {  	[tilespmem:s14], [sflag:$0x6] =	stream.linear.gather @!p1 [hbm4b:s20+s3], $0x80, $0x38;
	[tilespmem:$0x1FE80] =	vst v63  }
0xf6: {  	s6 =	sadd.s32 @!p1 $0xAC40, s6;
	p0 =	sge.u32 s12, s31;
	s20 =	simm.s32 @!p1 $0x400  }
0xf7: {  	[tilespmem:s20], [sflag:$0xC] =	stream.linear.gather @!p1 [hbm4b:s6+s3], $0x80, $0x38;
	[tilespmem:$0x1FE80] =	vst v63  }
0xf8: {  	s3 =	simm.s32 @!p0 $0x9  }
0xf9: {  	_ =	swait.ge @!p0 [sflag:s3], $0x80  }
0xfa: {  	s28 =	simm.s32 @!p0 $0x8600;
	s6 =	simm.s32 @!p5 $0x1;
	[sflag:s3] =	ssyncset.done @!p0 $0x0  }
0xfb: {  	s20 =	simm.s32 @!p0 $0x80;
	[sflag:s3] =	ssyncadd.s32 @!p0 $0xFFFFFF80;
	s3 =	simm.s32 @!p0 $0x280  }
0xfc: {  	[tilespmem:s28], [sflag:$0x3] =	stream.indirect.gather @!p0 [hbm4b:s4+s20], $0x80, s3, s20, $0xb8;
	[tilespmem:$0x1FE80] =	vst v63  }
0xfd: {  	_ =	swait.ge @!p5 [sflag:s6], $0x4000  }
0xfe: {  	[sflag:s6] =	ssyncset.done @!p5 $0x0  }
0xff: {  	s3 =	simm.s32 @!p5 $0xD;
	[sflag:s6] =	ssyncadd.s32 @!p5 $0xFFFFC000  }
0x100: {  	_ =	swait.ge @!p5 [sflag:s3], $0x80  }
0x101: {  	[sflag:s3] =	ssyncset.done @!p5 $0x0  }
0x102: {  	s6 =	simm.s32 @!p5 $0x10;
	[sflag:s3] =	ssyncadd.s32 @!p5 $0xFFFFFF80;
	s3 =	simm.s32 @!p5 $0x480  }
0x103: {  	[spmem:s1] =	stream.indirect.scatter.add.f32 @!p5 [tilespmem:s23], [sflag:$0x10], $0x80, s3, s25, $0xb8;
	[tilespmem:$0x1FE80] =	vst v63  }
0x104: {  	p2 =	sgt.u32 s0, $0x9C3;
	_ =	swait.ge @!p5 [sflag:s6], $0x4000  }
0x105: {  	s0 =	sadd.s32 @!p2 s13, s19;
	s3 =	simm.s32 @!p2 $0x180;
	[sflag:s6] =	ssyncset.done @!p5 $0x0  }
0x106: {  	s23 =	simm.s32 @!p2 $0x0;
	[sflag:s6] =	ssyncadd.s32 @!p5 $0xFFFFC000;
	s6 =	sadd.s32 @!p2 $0x1200, s0  }
0x107: {  	[tilespmem:s3], [sflag:$0x7] =	stream.linear.gather @!p2 [hbm4b:s6+s23], $0x80, $0x38;
	[tilespmem:$0x1FE80] =	vst v63  }
0x108: {  	s0 =	sadd.s32 @!p2 $0xAE40, s0;
	s3 =	simm.s32 @!p2 $0x480;
	s6 =	simm.s32 @!p3 $0x4  }
0x109: {  	[tilespmem:s3], [sflag:$0xD] =	stream.linear.gather @!p2 [hbm4b:s0+s23], $0x80, $0x38;
	[tilespmem:$0x1FE80] =	vst v63  }
0x10a: {  	_ =	swait.ge @!p3 [sflag:s6], $0x80  }
0x10b: {  	s0 =	simm.s32 @!p6 $0x2;
	[sflag:s6] =	ssyncset.done @!p3 $0x0  }
0x10c: {  	s3 =	simm.s32 @!p3 $0x80;
	[sflag:s6] =	ssyncadd.s32 @!p3 $0xFFFFFF80;
	s6 =	simm.s32 @!p3 $0x600  }
0x10d: {  	[tilespmem:s6], [sflag:$0x1] =	stream.indirect.gather @!p3 [hbm4b:s4+s3], $0x80, s18, s3, $0xb8;
	[tilespmem:$0x1FE80] =	vst v63  }
0x10e: {  	_ =	swait.ge @!p6 [sflag:s0], $0x4000  }
0x10f: {  	[sflag:s0] =	ssyncset.done @!p6 $0x0  }
0x110: {  	[sflag:s0] =	ssyncadd.s32 @!p6 $0xFFFFC000;
	s0 =	simm.s32 @!p6 $0xE  }
0x111: {  	_ =	swait.ge @!p6 [sflag:s0], $0x80  }
0x112: {  	[sflag:s0] =	ssyncset.done @!p6 $0x0  }
0x113: {  	s3 =	simm.s32 @!p6 $0x10;
	[sflag:s0] =	ssyncadd.s32 @!p6 $0xFFFFFF80;
	s0 =	simm.s32 @!p6 $0x500  }
0x114: {  	[spmem:s1] =	stream.indirect.scatter.add.f32 @!p6 [tilespmem:s16], [sflag:$0x10], $0x80, s0, s26, $0xb8;
	[tilespmem:$0x1FE80] =	vst v63  }
0x115: {  	p2 =	sgt.u32 s17, $0x9C3;
	_ =	swait.ge @!p6 [sflag:s3], $0x4000  }
0x116: {  	s6 =	simm.s32 @!p2 $0x200;
	s0 =	sadd.s32 @!p2 s13, s19;
	[sflag:s3] =	ssyncset.done @!p6 $0x0  }
0x117: {  	s16 =	simm.s32 @!p2 $0x0;
	[sflag:s3] =	ssyncadd.s32 @!p6 $0xFFFFC000;
	s3 =	sadd.s32 @!p2 $0x1400, s0  }
0x118: {  	[tilespmem:s6], [sflag:$0x8] =	stream.linear.gather @!p2 [hbm4b:s3+s16], $0x80, $0x38;
	[tilespmem:$0x1FE80] =	vst v63  }
0x119: {  	s0 =	sadd.s32 @!p2 $0xB040, s0;
	s3 =	simm.s32 @!p2 $0x500;
	s6 =	simm.s32 @!p4 $0x5  }
0x11a: {  	[tilespmem:s3], [sflag:$0xE] =	stream.linear.gather @!p2 [hbm4b:s0+s16], $0x80, $0x38;
	[tilespmem:$0x1FE80] =	vst v63  }
0x11b: {  	_ =	swait.ge @!p4 [sflag:s6], $0x80  }
0x11c: {  	[sflag:s6] =	ssyncset.done @!p4 $0x0  }
0x11d: {  	s0 =	simm.s32 @!p4 $0x4600;
	s3 =	simm.s32 @!p0 $0x3;
	[sflag:s6] =	ssyncadd.s32 @!p4 $0xFFFFFF80  }
0x11e: {  	[tilespmem:s0], [sflag:$0x2] =	stream.indirect.gather @!p4 [hbm4b:s4+s22], $0x80, s22, s22, $0xb8;
	[tilespmem:$0x1FE80] =	vst v63  }
0x11f: {  	_ =	swait.ge @!p0 [sflag:s3], $0x4000  }
0x120: {  	[sflag:s3] =	ssyncset.done @!p0 $0x0  }
0x121: {  	s0 =	simm.s32 @!p0 $0xF;
	[sflag:s3] =	ssyncadd.s32 @!p0 $0xFFFFC000  }
0x122: {  	_ =	swait.ge @!p0 [sflag:s0], $0x80  }
0x123: {  	[sflag:s0] =	ssyncset.done @!p0 $0x0  }
0x124: {  	s3 =	simm.s32 @!p0 $0x10;
	[sflag:s0] =	ssyncadd.s32 @!p0 $0xFFFFFF80;
	s0 =	simm.s32 @!p0 $0x580  }
0x125: {  	[spmem:s1] =	stream.indirect.scatter.add.f32 @!p0 [tilespmem:s28], [sflag:$0x10], $0x80, s0, s20, $0xb8;
	[tilespmem:$0x1FE80] =	vst v63  }
0x126: {  	_ =	swait.ge @!p0 [sflag:s3], $0x4000  }
0x127: {  	s31 =	sld [smem:$0x7FC];
	_ =	sdelay $0x1  }
0x128: {  	[sflag:s3] =	ssyncset.done @!p0 $0x0  }
0x129: {  	p2 =	sgt.u32 s15, $0x9C3;
	[sflag:s3] =	ssyncadd.s32 @!p0 $0xFFFFC000;
	p0 =	seq.s32 s31, $0x1  }
.Ltmp0:
0x12a: {  	s0 =	sadd.s32 @!p2 s13, s19;
	(pc) =	sbr.rel @p0 .LBB2_2-.Ltmp0, $4  }
0x12b: {  	s6 =	simm.s32 @!p2 $0x280;
	s13 =	simm.s32 @!p2 $0x0;
	s3 =	sadd.s32 @!p2 $0x1600, s0  }
0x12c: {  	[tilespmem:s6], [sflag:$0x9] =	stream.linear.gather @!p2 [hbm4b:s3+s13], $0x80, $0x38;
	[tilespmem:$0x1FE80] =	vst v63  }
0x12d: {  	s3 =	sadd.s32 @!p2 $0xB240, s0;
	s6 =	simm.s32 @!p2 $0x580;
	s0 =	simm.s32 @!p1 $0x6  }
0x12e: {  	[tilespmem:s6], [sflag:$0xF] =	stream.linear.gather @!p2 [hbm4b:s3+s13], $0x80, $0x38;
	[tilespmem:$0x1FE80] =	vst v63  }
0x12f: {  	_ =	swait.ge @!p1 [sflag:s0], $0x80  }
0x130: {  	[sflag:s0] =	ssyncset.done @!p1 $0x0  }
0x131: {  	s3 =	simm.s32 @!p1 $0x8600;
	[sflag:s0] =	ssyncadd.s32 @!p1 $0xFFFFFF80;
	s0 =	simm.s32 @!p1 $0x80  }
0x132: {  	[tilespmem:s3], [sflag:$0x3] =	stream.indirect.gather @!p1 [hbm4b:s4+s0], $0x80, s14, s0, $0xb8;
	[tilespmem:$0x1FE80] =	vst v63  }
0x133: {  	[bflag:$0x0] =	sbarrier.arrive $0xFFFF  }
0x134: {  	s26 =	rddreg [dreg:$0x14]  }
0x135: {  	s0 =	sadd.s32 s26, s24  }
0x136: {  	[hbm:s0], [sflag:s21] =	dma.local [spmem:s9], $0x2700  }
0x137: {  	_ =	swait.ge [sflag:s29], $0x2700  }
0x138: {  	s28 =	sld [smem:$0x7FD];
	_ =	sdelay $0x2  }
0x139: {  	[sflag:s29] =	ssyncset.done $0x0;
	s0 =	rddreg [dreg:$0x17];
	p1 =	seq.s32 s28, $0x1  }
0x13a: {  	[sflag:s29] =	ssyncadd.s32 $0xFFFFD900;
	s0 =	sadd.s32 @!p1 s0, s24  }
0x13b: {  	[hbm:s0], [sflag:s21] =	dma.local @!p1 [spmem:s10], $0x80  }
0x13c: {  	s0 =	simm.s32 @!p1 $0x10  }
0x13d: {  	_ =	swait.ge @!p1 [sflag:s0], $0x80  }
0x13e: {  	s8 =	sadd.s32 $0x1, s8;
	s31 =	rddreg [dreg:$0x1a]  }
0x13f: {  	p0 =	sne.s32 s8, s31  }
.Ltmp1:
0x140: {  	_ = 	snop;
	(pc) =	sbr.rel @p0 .LBB2_1-.Ltmp1, $3  }
0x141: {  	_ =	sdelay $0x1  }
0x142: {  	[sflag:s0] =	ssyncset.done @!p1 $0x0  }
0x143: {  	[sflag:s0] =	ssyncadd.s32 @!p1 $0xFFFFFF80  }
0x144: {  	_ =	sfence.sel $0x180000  }
0x145: {  	[bflag:$0x0] =	sbarrier.arrive $0xFFFF  }
0x146: {  	_ =	strace $0x9000004A  }
0x147: {  	s0 =	stileid.u32;
	[bflag:$0x2] =	sbarrier.arrive $0xFFFF  }
0x148: {  	p0 =	sne.s32 s0, $0x0;
	s0 =	rddreg [dreg:$0x3]  }
0x149: {  	s0 =	sadd.s32 @!p0 $0x100000, s0  }
0x14a: {  	[sflag:s0] =	ssyncadd.tile.s32 @!p0 $0x1;
	_ =	shalt  }
.Lfunc_end2:
_tile_overlayer_lowered:
.L_overlay_start_2:
0x14b: {  	(tag) =	ssettag $0x2  }
0x14c: {  	s0 =	rddreg [dreg:$0x0];
	s2 =	stileid.u32  }
0x14d: {  	s1 =	rddreg [dreg:$0x1];
	p0 =	sne.s32 s2, $0x0  }
0x14e: {  	s3 =	rddreg [dreg:$0x2];
	[bflag:$0x3] =	sbarrier.arrive $0xFFFF;
	s2 =	simm.s32 @!p0 $0x1C10  }
0x14f: {  	[timem:s3], [sflag:s2] =	dma.local @!p0 [hbm:s0], s1  }
0x150: {  	s0 =	simm.s32 @!p0 $0x10  }
0x151: {  	_ =	swait.ge @!p0 [sflag:s0], s1  }
0x152: {  	s1 =	ssub.s32 @!p0 $0x0, s1;
	[sflag:s0] =	ssyncset.done @!p0 $0x0  }
0x153: {  	[sflag:s0] =	ssyncadd.s32 @!p0 s1  }
0x154: {  	[bflag:$0x3] =	sbarrier.arrive $0xFFFF  }
0x155: {  	_ =	shalt  }

</sc_bundles>
